<compile_context>
chip_gen: v7x
topology: tpu7x:2x2x1
jax: 0.10.2.dev20260603
libtpu: 0.0.44.dev20260713+nightly
codegen_flags: <defaults>
</compile_context>

<pallas_src>
import functools

import jax
import jax.numpy as jnp
from jax import lax
from jax.experimental import pallas as pl
from jax.experimental.pallas import tpu as pltpu
from jax.experimental.pallas import tpu_sc as plsc

_BATCH = 16384
_DIM = 64
_NC = 2
_NS = 16
_NW = _NC * _NS
_SBW = 512
_NSB = 62
_REG = 768
_SEL = 800
_LASTSB = 1953
_SENT = _BATCH


def _stage_a_body(tabT_hbm, tail_hbm, idx_hbm, et_hbm, bmap_hbm,
                  idx_c, sel_r, sel_b, colbuf, et_st, bmap_st, tmp_r, tmp_b,
                  sem):
    wid = lax.axis_index("s") * _NC + lax.axis_index("c")
    iota = lax.iota(jnp.int32, 16)
    lane0 = iota == 0

    neg1 = jnp.full((16,), -1, jnp.int32)
    for t in range(_SEL // 16):
        sel_r[pl.ds(t * 16, 16)] = neg1
    for rr in range(8):
        for t in range(8):
            bmap_st[rr, pl.ds(t * 16, 16)] = _SENT + t * 16 + iota

    glo = wid * _NSB

    def issue_fetch(s, p):
        g = glo + s

        @pl.when(g < _LASTSB)
        def _():
            off = pl.multiple_of(g * _SBW, 128)
            pltpu.async_copy(
                tabT_hbm.at[:, pl.ds(off, _SBW)], colbuf.at[p], sem
            )

        @pl.when(g >= _LASTSB)
        def _():
            for u in range(4):
                pltpu.async_copy(
                    tail_hbm, colbuf.at[p, :, pl.ds(u * 128, 128)], sem
                )

    issue_fetch(0, 0)
    issue_fetch(1, 1)

    pltpu.sync_copy(idx_hbm, idx_c)

    def grp_step(g, pos):
        row = g >> 3
        c0 = (g & 7) * 16
        vec = idx_c[row, pl.ds(c0, 16)]
        blk = lax.shift_right_logical(vec, 9)
        m = (blk >= glo) & (blk < glo + _NSB)
        bvec = iota + g * 16
        pc = plsc.cumsum(m.astype(jnp.int32))
        tgt = pos + pc - 1
        plsc.store_scatter(sel_r, [tgt], vec, mask=m)
        plsc.store_scatter(sel_b, [tgt], bvec, mask=m)
        return pos + pc[15]

    nsel = lax.fori_loop(0, 1024, grp_step, 0)
    ngrp = (nsel + 15) >> 4

    def blk_step(s, carry):
        slot, flushed = carry
        g = glo + s

        pltpu.make_async_copy(
            tabT_hbm.at[:, pl.ds(0, _SBW)], colbuf.at[s & 1], sem
        ).wait()

        cur = colbuf.at[s & 1]

        def scan_grp(t, slot):
            rvec = sel_r[pl.ds(t * 16, 16)]
            m = lax.shift_right_logical(rvec, 9) == g
            cnt = plsc.all_reduce_population_count(m)[0]

            def matched(slot):
                bvec = sel_b[pl.ds(t * 16, 16)]
                pc2 = plsc.cumsum(m.astype(jnp.int32))
                tgt2 = pc2 - 1
                plsc.store_scatter(tmp_r, [tgt2], rvec, mask=m)
                plsc.store_scatter(tmp_b, [tgt2], bvec, mask=m)

                def entry(e, slot):
                    rv = tmp_r[pl.ds(e, 16)]
                    bv = tmp_b[pl.ds(e, 16)]
                    col = rv[0] & (_SBW - 1)
                    colv = jnp.full((16,), col, jnp.int32)
                    srow = slot & 255
                    for q in range(4):
                        vals = plsc.load_gather(cur, [iota + q * 16, colv])
                        et_st[srow, pl.ds(q * 16, 16)] = vals
                    plsc.store_scatter(
                        bmap_st,
                        [jnp.full((16,), slot >> 7, jnp.int32),
                         jnp.full((16,), slot & 127, jnp.int32)],
                        jnp.full((16,), bv[0], jnp.int32),
                        mask=lane0,
                    )
                    return slot + 1

                return lax.fori_loop(0, cnt, entry, slot)

            return lax.cond(cnt > 0, matched, lambda s_: s_, slot)

        slot = lax.fori_loop(0, ngrp, scan_grp, slot)

        @pl.when(s + 2 < _NSB)
        def _():
            issue_fetch(s + 2, s & 1)

        do = (slot - flushed) >= 128

        @pl.when(do)
        def _():
            pltpu.sync_copy(
                et_st.at[pl.ds(pl.multiple_of(flushed & 255, 128), 128)],
                et_hbm.at[pl.ds(pl.multiple_of(wid * _REG + flushed, 128), 128)],
            )

        return slot, flushed + 128 * do.astype(jnp.int32)

    slot, flushed = lax.fori_loop(0, _NSB, blk_step, (0, 0))

    for _ in range(2):
        do = slot > flushed

        @pl.when(do)
        def _():
            pltpu.sync_copy(
                et_st.at[pl.ds(pl.multiple_of(flushed & 255, 128), 128)],
                et_hbm.at[pl.ds(pl.multiple_of(wid * _REG + flushed, 128), 128)],
            )

        flushed = flushed + 128 * do.astype(jnp.int32)

    pltpu.sync_copy(bmap_st, bmap_hbm.at[pl.ds(wid * 8, 8)])


_stage_a = functools.partial(
    pl.kernel,
    mesh=plsc.VectorSubcoreMesh(core_axis_name="c", subcore_axis_name="s"),
    compiler_params=pltpu.CompilerParams(
        use_tc_tiling_on_sc=True, needs_layout_passes=False
    ),
    out_type=(
        jax.ShapeDtypeStruct((_NW * _REG, 128), jnp.float32),
        jax.ShapeDtypeStruct((_NW * 8, 128), jnp.int32),
    ),
    scratch_types=[
        pltpu.VMEM((128, 128), jnp.int32),
        pltpu.VMEM((_SEL,), jnp.int32),
        pltpu.VMEM((_SEL,), jnp.int32),
        pltpu.VMEM((2, _DIM, _SBW), jnp.float32),
        pltpu.VMEM((256, 128), jnp.float32),
        pltpu.VMEM((8, 128), jnp.int32),
        pltpu.VMEM((32,), jnp.int32),
        pltpu.VMEM((32,), jnp.int32),
        pltpu.SemaphoreType.DMA,
    ],
)(_stage_a_body)


def _stage_b_body(et_hbm, bmap_hbm, out_hbm, chunk_v, row_v, bidx_v, sem,
                  sem2):
    wid = lax.axis_index("s") * _NC + lax.axis_index("c")
    nchunk = _REG // 128
    pltpu.sync_copy(bmap_hbm.at[pl.ds(wid * 8, 8)], bidx_v)
    pltpu.async_copy(et_hbm.at[pl.ds(wid * _REG, 128)], chunk_v.at[0], sem)
    pending = None
    for k in range(nchunk):
        pltpu.make_async_copy(
            et_hbm.at[pl.ds(0, 128)], chunk_v.at[k & 1], sem
        ).wait()
        if k + 1 < nchunk:
            pltpu.async_copy(
                et_hbm.at[pl.ds(wid * _REG + (k + 1) * 128, 128)],
                chunk_v.at[(k + 1) & 1],
                sem,
            )
        if pending is not None:
            pending.wait()

        def compact(i, _, k=k):
            for q in range(_DIM // 16):
                row_v[k & 1, i, pl.ds(q * 16, 16)] = (
                    chunk_v[k & 1, i, pl.ds(q * 16, 16)]
                )
            return 0

        lax.fori_loop(0, 128, compact, 0)
        pending = pltpu.async_copy(
            row_v.at[k & 1], out_hbm.at[bidx_v.at[k]], sem2
        )
    pending.wait()


_stage_b = functools.partial(
    pl.kernel,
    mesh=plsc.VectorSubcoreMesh(core_axis_name="c", subcore_axis_name="s"),
    compiler_params=pltpu.CompilerParams(
        use_tc_tiling_on_sc=False, needs_layout_passes=False
    ),
    out_type=jax.ShapeDtypeStruct((_BATCH + 128, _DIM), jnp.float32),
    scratch_types=[
        pltpu.VMEM((2, 128, 128), jnp.float32),
        pltpu.VMEM((2, 128, _DIM), jnp.float32),
        pltpu.VMEM((8, 128), jnp.int32),
        pltpu.SemaphoreType.DMA,
        pltpu.SemaphoreType.DMA,
    ],
)(_stage_b_body)


def kernel(indices, table):
    tableT = table.T
    tail = jnp.pad(table[_LASTSB * _SBW:], ((0, 63), (0, 0))).T
    idx2d = indices.astype(jnp.int32).reshape(128, 128)
    et, bmap = _stage_a(tableT, tail, idx2d)
    out_pad = _stage_b(et, bmap)
    return out_pad[:_BATCH]

# --- scband reference (transcript-rebuilt; emitter-appended) ---
"""Pipeline reference for scband-dummy-item-tower-7129645711629 (READ-ONLY COPY).

The authoritative reference and input builder live on the scoring server;
editing this copy changes nothing except your own understanding.
"""

import jax, jax.numpy as jnp
import numpy as np

NUM_ITEMS = 1000000
DIM = 64
BATCH = 16384

def setup_inputs(seed: int = 0) -> dict:
    key = jax.random.key(seed)
    k_idx, k_tab = jax.random.split(key)
    indices = jax.random.randint(k_idx, (BATCH,), 0, NUM_ITEMS)
    # nn.Embedding(num_items + 1, dim) weight, default init ~ N(0, 1)
    table = jax.random.normal(k_tab, (NUM_ITEMS + 1, DIM), dtype=jnp.float32)
    return {"indices": indices, "table": table}

def reference(indices, table):
    # DummyItemTower has no explicit forward; the canonical call is
    # self.emb(indices) -> embedding row gather.
    return jnp.take(table, indices, axis=0)

if __name__ == "__main__":
    import jax
    _d = setup_inputs()
    print(jax.jit(kernel)(*tuple(_d.values())))

</pallas_src>

<mosaic_0001>
#map = affine_map<(d0, d1) -> (0, 0)>
module attributes {stable_mosaic.version = 14 : i64} {
  func.func @_stage_b_body(%arg0: i32, %arg1: i32, %arg2: memref<24576x128xf32, #tpu.memory_space<hbm>>, %arg3: memref<256x128xi32, #tpu.memory_space<hbm>>, %arg4: memref<16512x64xf32, #tpu.memory_space<hbm>>, %arg5: memref<2x128x128xf32, #tpu.memory_space<vmem>>, %arg6: memref<2x128x64xf32, #tpu.memory_space<vmem>>, %arg7: memref<8x128xi32, #tpu.memory_space<vmem>>, %arg8: memref<!tpu.dma_semaphore, #tpu.memory_space<semaphore_mem>>, %arg9: memref<!tpu.dma_semaphore, #tpu.memory_space<semaphore_mem>>) attributes {dimension_semantics = [#tpu.dimension_semantics<core_parallel>, #tpu.dimension_semantics<subcore_parallel>], iteration_bounds = array<i64: 2, 16>, scalar_prefetch = 0 : i64, scratch_operands = 5 : i64, tpu.core_type = #tpu.core_type<sc_vector_subcore>, window_params = [{transform_indices = #map}, {transform_indices = #map}, {transform_indices = #map}]} {
    %mul3A = arith.constant 2 : i32
    %mul3A_0 = arith.muli %arg1, %mul3A : i32
    %add3A = arith.addi %mul3A_0, %arg0 : i32
    %mul3A_1 = arith.constant 8 : i32
    %mul3A_2 = arith.muli %add3A, %mul3A_1 : i32
    "tpu.region"() ({
      %run_scoped3A = tpu.sem_alloc : memref<!tpu.dma_semaphore, #tpu.memory_space<semaphore_mem>>
      %dma_start3A_376 = arith.constant 0 : i32
      %dma_start3A_377 = tpu.memref_slice %arg3[%mul3A_2, %dma_start3A_376] : memref<256x128xi32, #tpu.memory_space<hbm>> -> memref<8x128xi32, #tpu.memory_space<hbm>>
      %dma_start3A_378 = arith.constant 0 : i32
      %dma_start3A_379 = tpu.memref_slice %arg3[%mul3A_2, %dma_start3A_378] : memref<256x128xi32, #tpu.memory_space<hbm>> -> memref<8x128xi32, #tpu.memory_space<hbm>>
      tpu.enqueue_dma source(%dma_start3A_379 : memref<8x128xi32, #tpu.memory_space<hbm>>) target(%arg7 : memref<8x128xi32, #tpu.memory_space<vmem>>) target_semaphore(%run_scoped3A : memref<!tpu.dma_semaphore, #tpu.memory_space<semaphore_mem>>)
      %dma_wait3A_380 = arith.constant 0 : i32
      %dma_wait3A_381 = tpu.memref_slice %arg3[%mul3A_2, %dma_wait3A_380] : memref<256x128xi32, #tpu.memory_space<hbm>> -> memref<8x128xi32, #tpu.memory_space<hbm>>
      %dma_wait3A_382 = arith.constant 0 : i32
      %dma_wait3A_383 = tpu.memref_slice %arg3[%mul3A_2, %dma_wait3A_382] : memref<256x128xi32, #tpu.memory_space<hbm>> -> memref<8x128xi32, #tpu.memory_space<hbm>>
      tpu.wait_dma2 semaphore(%run_scoped3A : memref<!tpu.dma_semaphore, #tpu.memory_space<semaphore_mem>>) src(%dma_wait3A_383 : memref<8x128xi32, #tpu.memory_space<hbm>>) dst(%arg7 : memref<8x128xi32, #tpu.memory_space<vmem>>)
      tpu.yield
    }) : () -> ()
    %mul3A_3 = arith.constant 768 : i32
    %mul3A_4 = arith.muli %add3A, %mul3A_3 : i32
    %dma_start3A = arith.constant 0 : i32
    %dma_start3A_5 = arith.constant 0 : i32
    %dma_start3A_6 = arith.constant 0 : i32
    %dma_start3A_7 = tpu.memref_slice %arg5[%dma_start3A, %dma_start3A_5, %dma_start3A_6] : memref<2x128x128xf32, #tpu.memory_space<vmem>> -> memref<1x128x128xf32, #tpu.memory_space<vmem>>
    %dma_start3A_8 = tpu.memref_squeeze %dma_start3A_7 : memref<1x128x128xf32, #tpu.memory_space<vmem>> -> memref<128x128xf32, #tpu.memory_space<vmem>>
    %dma_start3A_9 = arith.constant 0 : i32
    %dma_start3A_10 = tpu.memref_slice %arg2[%mul3A_4, %dma_start3A_9] : memref<24576x128xf32, #tpu.memory_space<hbm>> -> memref<128x128xf32, #tpu.memory_space<hbm>>
    %dma_start3A_11 = arith.constant 0 : i32
    %dma_start3A_12 = arith.constant 0 : i32
    %dma_start3A_13 = tpu.memref_slice %arg5[%dma_start3A, %dma_start3A_11, %dma_start3A_12] : memref<2x128x128xf32, #tpu.memory_space<vmem>> -> memref<1x128x128xf32, #tpu.memory_space<vmem>>
    %dma_start3A_14 = tpu.memref_squeeze %dma_start3A_13 : memref<1x128x128xf32, #tpu.memory_space<vmem>> -> memref<128x128xf32, #tpu.memory_space<vmem>>
    %dma_start3A_15 = arith.constant 0 : i32
    %dma_start3A_16 = tpu.memref_slice %arg2[%mul3A_4, %dma_start3A_15] : memref<24576x128xf32, #tpu.memory_space<hbm>> -> memref<128x128xf32, #tpu.memory_space<hbm>>
    tpu.enqueue_dma source(%dma_start3A_16 : memref<128x128xf32, #tpu.memory_space<hbm>>) target(%dma_start3A_14 : memref<128x128xf32, #tpu.memory_space<vmem>>) target_semaphore(%arg8 : memref<!tpu.dma_semaphore, #tpu.memory_space<semaphore_mem>>)
    %dma_wait3A = arith.constant 0 : i32
    %dma_wait3A_17 = arith.constant 0 : i32
    %dma_wait3A_18 = arith.constant 0 : i32
    %dma_wait3A_19 = tpu.memref_slice %arg5[%dma_wait3A, %dma_wait3A_17, %dma_wait3A_18] : memref<2x128x128xf32, #tpu.memory_space<vmem>> -> memref<1x128x128xf32, #tpu.memory_space<vmem>>
    %dma_wait3A_20 = tpu.memref_squeeze %dma_wait3A_19 : memref<1x128x128xf32, #tpu.memory_space<vmem>> -> memref<128x128xf32, #tpu.memory_space<vmem>>
    %dma_wait3A_21 = arith.constant 0 : i32
    %dma_wait3A_22 = arith.constant 0 : i32
    %dma_wait3A_23 = tpu.memref_slice %arg2[%dma_wait3A_21, %dma_wait3A_22] : memref<24576x128xf32, #tpu.memory_space<hbm>> -> memref<128x128xf32, #tpu.memory_space<hbm>>
    %dma_wait3A_24 = arith.constant 0 : i32
    %dma_wait3A_25 = arith.constant 0 : i32
    %dma_wait3A_26 = tpu.memref_slice %arg5[%dma_wait3A, %dma_wait3A_24, %dma_wait3A_25] : memref<2x128x128xf32, #tpu.memory_space<vmem>> -> memref<1x128x128xf32, #tpu.memory_space<vmem>>
    %dma_wait3A_27 = tpu.memref_squeeze %dma_wait3A_26 : memref<1x128x128xf32, #tpu.memory_space<vmem>> -> memref<128x128xf32, #tpu.memory_space<vmem>>
    %dma_wait3A_28 = arith.constant 0 : i32
    %dma_wait3A_29 = arith.constant 0 : i32
    %dma_wait3A_30 = tpu.memref_slice %arg2[%dma_wait3A_28, %dma_wait3A_29] : memref<24576x128xf32, #tpu.memory_space<hbm>> -> memref<128x128xf32, #tpu.memory_space<hbm>>
    tpu.wait_dma2 semaphore(%arg8 : memref<!tpu.dma_semaphore, #tpu.memory_space<semaphore_mem>>) src(%dma_wait3A_30 : memref<128x128xf32, #tpu.memory_space<hbm>>) dst(%dma_wait3A_27 : memref<128x128xf32, #tpu.memory_space<vmem>>)
    %mul3A_31 = arith.constant 768 : i32
    %mul3A_32 = arith.muli %add3A, %mul3A_31 : i32
    %add3A_33 = arith.constant 128 : i32
    %add3A_34 = arith.addi %mul3A_32, %add3A_33 : i32
    %dma_start3A_35 = arith.constant 1 : i32
    %dma_start3A_36 = arith.constant 0 : i32
    %dma_start3A_37 = arith.constant 0 : i32
    %dma_start3A_38 = tpu.memref_slice %arg5[%dma_start3A_35, %dma_start3A_36, %dma_start3A_37] : memref<2x128x128xf32, #tpu.memory_space<vmem>> -> memref<1x128x128xf32, #tpu.memory_space<vmem>>
    %dma_start3A_39 = tpu.memref_squeeze %dma_start3A_38 : memref<1x128x128xf32, #tpu.memory_space<vmem>> -> memref<128x128xf32, #tpu.memory_space<vmem>>
    %dma_start3A_40 = arith.constant 0 : i32
    %dma_start3A_41 = tpu.memref_slice %arg2[%add3A_34, %dma_start3A_40] : memref<24576x128xf32, #tpu.memory_space<hbm>> -> memref<128x128xf32, #tpu.memory_space<hbm>>
    %dma_start3A_42 = arith.constant 0 : i32
    %dma_start3A_43 = arith.constant 0 : i32
    %dma_start3A_44 = tpu.memref_slice %arg5[%dma_start3A_35, %dma_start3A_42, %dma_start3A_43] : memref<2x128x128xf32, #tpu.memory_space<vmem>> -> memref<1x128x128xf32, #tpu.memory_space<vmem>>
    %dma_start3A_45 = tpu.memref_squeeze %dma_start3A_44 : memref<1x128x128xf32, #tpu.memory_space<vmem>> -> memref<128x128xf32, #tpu.memory_space<vmem>>
    %dma_start3A_46 = arith.constant 0 : i32
    %dma_start3A_47 = tpu.memref_slice %arg2[%add3A_34, %dma_start3A_46] : memref<24576x128xf32, #tpu.memory_space<hbm>> -> memref<128x128xf32, #tpu.memory_space<hbm>>
    tpu.enqueue_dma source(%dma_start3A_47 : memref<128x128xf32, #tpu.memory_space<hbm>>) target(%dma_start3A_45 : memref<128x128xf32, #tpu.memory_space<vmem>>) target_semaphore(%arg8 : memref<!tpu.dma_semaphore, #tpu.memory_space<semaphore_mem>>)
    %scan3A = arith.constant 0 : i32
    %scan3A_48 = arith.constant 0 : i32
    %scan3A_49 = arith.constant 128 : i32
    %scan3A_50 = arith.addi %scan3A_48, %scan3A_49 : i32
    %scan3A_51 = arith.constant 1 : i32
    %scan3A_52 = scf.for %scan3A_376 = %scan3A_48 to %scan3A_50 step %scan3A_51 iter_args(%scan3A_377 = %scan3A) -> (i32)  : i32 {
      %get3A = arith.constant 0 : i32
      %get3A_378 = arith.index_cast %get3A : i32 to index
      %get3A_379 = arith.index_cast %scan3A_376 : i32 to index
      %get3A_380 = arith.constant 0 : index
      %get3A_381 = tpu.vector_load %arg5[%get3A_378, %get3A_379, %get3A_380] {strides = array<i32>} : memref<2x128x128xf32, #tpu.memory_space<vmem>>, vector<16xf32>,
      %swap3A = arith.constant 0 : i32
      %swap3A_382 = arith.index_cast %swap3A : i32 to index
      %swap3A_383 = arith.index_cast %scan3A_376 : i32 to index
      %swap3A_384 = arith.constant 0 : index
      %swap3A_385 = tpu.vector_load %arg6[%swap3A_382, %swap3A_383, %swap3A_384] {strides = array<i32>} : memref<2x128x64xf32, #tpu.memory_space<vmem>>, vector<16xf32>,
      tpu.vector_store %arg6[%swap3A_382, %swap3A_383, %swap3A_384], %get3A_381 {strides = array<i32>} : memref<2x128x64xf32, #tpu.memory_space<vmem>>, vector<16xf32>,
      %get3A_386 = arith.constant 0 : i32
      %get3A_387 = arith.index_cast %get3A_386 : i32 to index
      %get3A_388 = arith.index_cast %scan3A_376 : i32 to index
      %get3A_389 = arith.constant 16 : index
      %get3A_390 = tpu.vector_load %arg5[%get3A_387, %get3A_388, %get3A_389] {strides = array<i32>} : memref<2x128x128xf32, #tpu.memory_space<vmem>>, vector<16xf32>,
      %swap3A_391 = arith.constant 0 : i32
      %swap3A_392 = arith.index_cast %swap3A_391 : i32 to index
      %swap3A_393 = arith.index_cast %scan3A_376 : i32 to index
      %swap3A_394 = arith.constant 16 : index
      %swap3A_395 = tpu.vector_load %arg6[%swap3A_392, %swap3A_393, %swap3A_394] {strides = array<i32>} : memref<2x128x64xf32, #tpu.memory_space<vmem>>, vector<16xf32>,
      tpu.vector_store %arg6[%swap3A_392, %swap3A_393, %swap3A_394], %get3A_390 {strides = array<i32>} : memref<2x128x64xf32, #tpu.memory_space<vmem>>, vector<16xf32>,
      %get3A_396 = arith.constant 0 : i32
      %get3A_397 = arith.index_cast %get3A_396 : i32 to index
      %get3A_398 = arith.index_cast %scan3A_376 : i32 to index
      %get3A_399 = arith.constant 32 : index
      %get3A_400 = tpu.vector_load %arg5[%get3A_397, %get3A_398, %get3A_399] {strides = array<i32>} : memref<2x128x128xf32, #tpu.memory_space<vmem>>, vector<16xf32>,
      %swap3A_401 = arith.constant 0 : i32
      %swap3A_402 = arith.index_cast %swap3A_401 : i32 to index
      %swap3A_403 = arith.index_cast %scan3A_376 : i32 to index
      %swap3A_404 = arith.constant 32 : index
      %swap3A_405 = tpu.vector_load %arg6[%swap3A_402, %swap3A_403, %swap3A_404] {strides = array<i32>} : memref<2x128x64xf32, #tpu.memory_space<vmem>>, vector<16xf32>,
      tpu.vector_store %arg6[%swap3A_402, %swap3A_403, %swap3A_404], %get3A_400 {strides = array<i32>} : memref<2x128x64xf32, #tpu.memory_space<vmem>>, vector<16xf32>,
      %get3A_406 = arith.constant 0 : i32
      %get3A_407 = arith.index_cast %get3A_406 : i32 to index
      %get3A_408 = arith.index_cast %scan3A_376 : i32 to index
      %get3A_409 = arith.constant 48 : index
      %get3A_410 = tpu.vector_load %arg5[%get3A_407, %get3A_408, %get3A_409] {strides = array<i32>} : memref<2x128x128xf32, #tpu.memory_space<vmem>>, vector<16xf32>,
      %swap3A_411 = arith.constant 0 : i32
      %swap3A_412 = arith.index_cast %swap3A_411 : i32 to index
      %swap3A_413 = arith.index_cast %scan3A_376 : i32 to index
      %swap3A_414 = arith.constant 48 : index
      %swap3A_415 = tpu.vector_load %arg6[%swap3A_412, %swap3A_413, %swap3A_414] {strides = array<i32>} : memref<2x128x64xf32, #tpu.memory_space<vmem>>, vector<16xf32>,
      tpu.vector_store %arg6[%swap3A_412, %swap3A_413, %swap3A_414], %get3A_410 {strides = array<i32>} : memref<2x128x64xf32, #tpu.memory_space<vmem>>, vector<16xf32>,
      %scan3A_416 = arith.constant 0 : i32
      scf.yield %scan3A_416 : i32
    }
    %scan3A_53 = arith.constant 128 : i32
    %dma_start3A_54 = arith.constant 0 : i32
    %dma_start3A_55 = arith.constant 0 : i32
    %dma_start3A_56 = arith.constant 0 : i32
    %dma_start3A_57 = arith.constant 0 : i32
    %dma_start3A_58 = tpu.memref_slice %arg6[%dma_start3A_54, %dma_start3A_56, %dma_start3A_57] : memref<2x128x64xf32, #tpu.memory_space<vmem>> -> memref<1x128x64xf32, #tpu.memory_space<vmem>>
    %dma_start3A_59 = tpu.memref_squeeze %dma_start3A_58 : memref<1x128x64xf32, #tpu.memory_space<vmem>> -> memref<128x64xf32, #tpu.memory_space<vmem>>
    %dma_start3A_60 = arith.constant 0 : i32
    %dma_start3A_61 = tpu.memref_slice %arg7[%dma_start3A_55, %dma_start3A_60] : memref<8x128xi32, #tpu.memory_space<vmem>> -> memref<1x128xi32, #tpu.memory_space<vmem>>
    %dma_start3A_62 = tpu.memref_squeeze %dma_start3A_61 : memref<1x128xi32, #tpu.memory_space<vmem>> -> memref<128xi32, #tpu.memory_space<vmem>>
    %dma_start3A_63 = arith.constant 0 : i32
    %dma_start3A_64 = arith.constant 0 : i32
    %dma_start3A_65 = tpu.memref_slice %arg4[%dma_start3A_63, %dma_start3A_64] : memref<16512x64xf32, #tpu.memory_space<hbm>> -> memref<16512x64xf32, #tpu.memory_space<hbm>>
    tpu.enqueue_indirect_dma source(%dma_start3A_59 : memref<128x64xf32, #tpu.memory_space<vmem>>) target(%dma_start3A_65 : memref<16512x64xf32, #tpu.memory_space<hbm>>) offsets(%dma_start3A_62 : memref<128xi32, #tpu.memory_space<vmem>>) semaphore(%arg9 : memref<!tpu.dma_semaphore, #tpu.memory_space<semaphore_mem>>)
    %dma_wait3A_66 = arith.constant 1 : i32
    %dma_wait3A_67 = arith.constant 0 : i32
    %dma_wait3A_68 = arith.constant 0 : i32
    %dma_wait3A_69 = tpu.memref_slice %arg5[%dma_wait3A_66, %dma_wait3A_67, %dma_wait3A_68] : memref<2x128x128xf32, #tpu.memory_space<vmem>> -> memref<1x128x128xf32, #tpu.memory_space<vmem>>
    %dma_wait3A_70 = tpu.memref_squeeze %dma_wait3A_69 : memref<1x128x128xf32, #tpu.memory_space<vmem>> -> memref<128x128xf32, #tpu.memory_space<vmem>>
    %dma_wait3A_71 = arith.constant 0 : i32
    %dma_wait3A_72 = arith.constant 0 : i32
    %dma_wait3A_73 = tpu.memref_slice %arg2[%dma_wait3A_71, %dma_wait3A_72] : memref<24576x128xf32, #tpu.memory_space<hbm>> -> memref<128x128xf32, #tpu.memory_space<hbm>>
    %dma_wait3A_74 = arith.constant 0 : i32
    %dma_wait3A_75 = arith.constant 0 : i32
    %dma_wait3A_76 = tpu.memref_slice %arg5[%dma_wait3A_66, %dma_wait3A_74, %dma_wait3A_75] : memref<2x128x128xf32, #tpu.memory_space<vmem>> -> memref<1x128x128xf32, #tpu.memory_space<vmem>>
    %dma_wait3A_77 = tpu.memref_squeeze %dma_wait3A_76 : memref<1x128x128xf32, #tpu.memory_space<vmem>> -> memref<128x128xf32, #tpu.memory_space<vmem>>
    %dma_wait3A_78 = arith.constant 0 : i32
    %dma_wait3A_79 = arith.constant 0 : i32
    %dma_wait3A_80 = tpu.memref_slice %arg2[%dma_wait3A_78, %dma_wait3A_79] : memref<24576x128xf32, #tpu.memory_space<hbm>> -> memref<128x128xf32, #tpu.memory_space<hbm>>
    tpu.wait_dma2 semaphore(%arg8 : memref<!tpu.dma_semaphore, #tpu.memory_space<semaphore_mem>>) src(%dma_wait3A_80 : memref<128x128xf32, #tpu.memory_space<hbm>>) dst(%dma_wait3A_77 : memref<128x128xf32, #tpu.memory_space<vmem>>)
    %mul3A_81 = arith.constant 768 : i32
    %mul3A_82 = arith.muli %add3A, %mul3A_81 : i32
    %add3A_83 = arith.constant 256 : i32
    %add3A_84 = arith.addi %mul3A_82, %add3A_83 : i32
    %dma_start3A_85 = arith.constant 0 : i32
    %dma_start3A_86 = arith.constant 0 : i32
    %dma_start3A_87 = arith.constant 0 : i32
    %dma_start3A_88 = tpu.memref_slice %arg5[%dma_start3A_85, %dma_start3A_86, %dma_start3A_87] : memref<2x128x128xf32, #tpu.memory_space<vmem>> -> memref<1x128x128xf32, #tpu.memory_space<vmem>>
    %dma_start3A_89 = tpu.memref_squeeze %dma_start3A_88 : memref<1x128x128xf32, #tpu.memory_space<vmem>> -> memref<128x128xf32, #tpu.memory_space<vmem>>
    %dma_start3A_90 = arith.constant 0 : i32
    %dma_start3A_91 = tpu.memref_slice %arg2[%add3A_84, %dma_start3A_90] : memref<24576x128xf32, #tpu.memory_space<hbm>> -> memref<128x128xf32, #tpu.memory_space<hbm>>
    %dma_start3A_92 = arith.constant 0 : i32
    %dma_start3A_93 = arith.constant 0 : i32
    %dma_start3A_94 = tpu.memref_slice %arg5[%dma_start3A_85, %dma_start3A_92, %dma_start3A_93] : memref<2x128x128xf32, #tpu.memory_space<vmem>> -> memref<1x128x128xf32, #tpu.memory_space<vmem>>
    %dma_start3A_95 = tpu.memref_squeeze %dma_start3A_94 : memref<1x128x128xf32, #tpu.memory_space<vmem>> -> memref<128x128xf32, #tpu.memory_space<vmem>>
    %dma_start3A_96 = arith.constant 0 : i32
    %dma_start3A_97 = tpu.memref_slice %arg2[%add3A_84, %dma_start3A_96] : memref<24576x128xf32, #tpu.memory_space<hbm>> -> memref<128x128xf32, #tpu.memory_space<hbm>>
    tpu.enqueue_dma source(%dma_start3A_97 : memref<128x128xf32, #tpu.memory_space<hbm>>) target(%dma_start3A_95 : memref<128x128xf32, #tpu.memory_space<vmem>>) target_semaphore(%arg8 : memref<!tpu.dma_semaphore, #tpu.memory_space<semaphore_mem>>)
    %dma_wait3A_98 = arith.constant 0 : i32
    %dma_wait3A_99 = arith.constant 0 : i32
    %dma_wait3A_100 = arith.constant 0 : i32
    %dma_wait3A_101 = arith.constant 0 : i32
    %dma_wait3A_102 = tpu.memref_slice %arg6[%dma_wait3A_98, %dma_wait3A_100, %dma_wait3A_101] : memref<2x128x64xf32, #tpu.memory_space<vmem>> -> memref<1x128x64xf32, #tpu.memory_space<vmem>>
    %dma_wait3A_103 = tpu.memref_squeeze %dma_wait3A_102 : memref<1x128x64xf32, #tpu.memory_space<vmem>> -> memref<128x64xf32, #tpu.memory_space<vmem>>
    %dma_wait3A_104 = arith.constant 0 : i32
    %dma_wait3A_105 = tpu.memref_slice %arg7[%dma_wait3A_99, %dma_wait3A_104] : memref<8x128xi32, #tpu.memory_space<vmem>> -> memref<1x128xi32, #tpu.memory_space<vmem>>
    %dma_wait3A_106 = tpu.memref_squeeze %dma_wait3A_105 : memref<1x128xi32, #tpu.memory_space<vmem>> -> memref<128xi32, #tpu.memory_space<vmem>>
    %dma_wait3A_107 = arith.constant 0 : i32
    %dma_wait3A_108 = arith.constant 0 : i32
    %dma_wait3A_109 = tpu.memref_slice %arg4[%dma_wait3A_107, %dma_wait3A_108] : memref<16512x64xf32, #tpu.memory_space<hbm>> -> memref<16512x64xf32, #tpu.memory_space<hbm>>
    tpu.wait_indirect_dma semaphore(%arg9 : memref<!tpu.dma_semaphore, #tpu.memory_space<semaphore_mem>>) src(%dma_wait3A_103 : memref<128x64xf32, #tpu.memory_space<vmem>>) dst(%dma_wait3A_109 : memref<16512x64xf32, #tpu.memory_space<hbm>>)
    %scan3A_110 = arith.constant 0 : i32
    %scan3A_111 = arith.constant 0 : i32
    %scan3A_112 = arith.constant 128 : i32
    %scan3A_113 = arith.addi %scan3A_111, %scan3A_112 : i32
    %scan3A_114 = arith.constant 1 : i32
    %scan3A_115 = scf.for %scan3A_376 = %scan3A_111 to %scan3A_113 step %scan3A_114 iter_args(%scan3A_377 = %scan3A_110) -> (i32)  : i32 {
      %get3A = arith.constant 1 : i32
      %get3A_378 = arith.index_cast %get3A : i32 to index
      %get3A_379 = arith.index_cast %scan3A_376 : i32 to index
      %get3A_380 = arith.constant 0 : index
      %get3A_381 = tpu.vector_load %arg5[%get3A_378, %get3A_379, %get3A_380] {strides = array<i32>} : memref<2x128x128xf32, #tpu.memory_space<vmem>>, vector<16xf32>,
      %swap3A = arith.constant 1 : i32
      %swap3A_382 = arith.index_cast %swap3A : i32 to index
      %swap3A_383 = arith.index_cast %scan3A_376 : i32 to index
      %swap3A_384 = arith.constant 0 : index
      %swap3A_385 = tpu.vector_load %arg6[%swap3A_382, %swap3A_383, %swap3A_384] {strides = array<i32>} : memref<2x128x64xf32, #tpu.memory_space<vmem>>, vector<16xf32>,
      tpu.vector_store %arg6[%swap3A_382, %swap3A_383, %swap3A_384], %get3A_381 {strides = array<i32>} : memref<2x128x64xf32, #tpu.memory_space<vmem>>, vector<16xf32>,
      %get3A_386 = arith.constant 1 : i32
      %get3A_387 = arith.index_cast %get3A_386 : i32 to index
      %get3A_388 = arith.index_cast %scan3A_376 : i32 to index
      %get3A_389 = arith.constant 16 : index
      %get3A_390 = tpu.vector_load %arg5[%get3A_387, %get3A_388, %get3A_389] {strides = array<i32>} : memref<2x128x128xf32, #tpu.memory_space<vmem>>, vector<16xf32>,
      %swap3A_391 = arith.constant 1 : i32
      %swap3A_392 = arith.index_cast %swap3A_391 : i32 to index
      %swap3A_393 = arith.index_cast %scan3A_376 : i32 to index
      %swap3A_394 = arith.constant 16 : index
      %swap3A_395 = tpu.vector_load %arg6[%swap3A_392, %swap3A_393, %swap3A_394] {strides = array<i32>} : memref<2x128x64xf32, #tpu.memory_space<vmem>>, vector<16xf32>,
      tpu.vector_store %arg6[%swap3A_392, %swap3A_393, %swap3A_394], %get3A_390 {strides = array<i32>} : memref<2x128x64xf32, #tpu.memory_space<vmem>>, vector<16xf32>,
      %get3A_396 = arith.constant 1 : i32
      %get3A_397 = arith.index_cast %get3A_396 : i32 to index
      %get3A_398 = arith.index_cast %scan3A_376 : i32 to index
      %get3A_399 = arith.constant 32 : index
      %get3A_400 = tpu.vector_load %arg5[%get3A_397, %get3A_398, %get3A_399] {strides = array<i32>} : memref<2x128x128xf32, #tpu.memory_space<vmem>>, vector<16xf32>,
      %swap3A_401 = arith.constant 1 : i32
      %swap3A_402 = arith.index_cast %swap3A_401 : i32 to index
      %swap3A_403 = arith.index_cast %scan3A_376 : i32 to index
      %swap3A_404 = arith.constant 32 : index
      %swap3A_405 = tpu.vector_load %arg6[%swap3A_402, %swap3A_403, %swap3A_404] {strides = array<i32>} : memref<2x128x64xf32, #tpu.memory_space<vmem>>, vector<16xf32>,
      tpu.vector_store %arg6[%swap3A_402, %swap3A_403, %swap3A_404], %get3A_400 {strides = array<i32>} : memref<2x128x64xf32, #tpu.memory_space<vmem>>, vector<16xf32>,
      %get3A_406 = arith.constant 1 : i32
      %get3A_407 = arith.index_cast %get3A_406 : i32 to index
      %get3A_408 = arith.index_cast %scan3A_376 : i32 to index
      %get3A_409 = arith.constant 48 : index
      %get3A_410 = tpu.vector_load %arg5[%get3A_407, %get3A_408, %get3A_409] {strides = array<i32>} : memref<2x128x128xf32, #tpu.memory_space<vmem>>, vector<16xf32>,
      %swap3A_411 = arith.constant 1 : i32
      %swap3A_412 = arith.index_cast %swap3A_411 : i32 to index
      %swap3A_413 = arith.index_cast %scan3A_376 : i32 to index
      %swap3A_414 = arith.constant 48 : index
      %swap3A_415 = tpu.vector_load %arg6[%swap3A_412, %swap3A_413, %swap3A_414] {strides = array<i32>} : memref<2x128x64xf32, #tpu.memory_space<vmem>>, vector<16xf32>,
      tpu.vector_store %arg6[%swap3A_412, %swap3A_413, %swap3A_414], %get3A_410 {strides = array<i32>} : memref<2x128x64xf32, #tpu.memory_space<vmem>>, vector<16xf32>,
      %scan3A_416 = arith.constant 0 : i32
      scf.yield %scan3A_416 : i32
    }
    %scan3A_116 = arith.constant 128 : i32
    %dma_start3A_117 = arith.constant 1 : i32
    %dma_start3A_118 = arith.constant 1 : i32
    %dma_start3A_119 = arith.constant 0 : i32
    %dma_start3A_120 = arith.constant 0 : i32
    %dma_start3A_121 = tpu.memref_slice %arg6[%dma_start3A_117, %dma_start3A_119, %dma_start3A_120] : memref<2x128x64xf32, #tpu.memory_space<vmem>> -> memref<1x128x64xf32, #tpu.memory_space<vmem>>
    %dma_start3A_122 = tpu.memref_squeeze %dma_start3A_121 : memref<1x128x64xf32, #tpu.memory_space<vmem>> -> memref<128x64xf32, #tpu.memory_space<vmem>>
    %dma_start3A_123 = arith.constant 0 : i32
    %dma_start3A_124 = tpu.memref_slice %arg7[%dma_start3A_118, %dma_start3A_123] : memref<8x128xi32, #tpu.memory_space<vmem>> -> memref<1x128xi32, #tpu.memory_space<vmem>>
    %dma_start3A_125 = tpu.memref_squeeze %dma_start3A_124 : memref<1x128xi32, #tpu.memory_space<vmem>> -> memref<128xi32, #tpu.memory_space<vmem>>
    %dma_start3A_126 = arith.constant 0 : i32
    %dma_start3A_127 = arith.constant 0 : i32
    %dma_start3A_128 = tpu.memref_slice %arg4[%dma_start3A_126, %dma_start3A_127] : memref<16512x64xf32, #tpu.memory_space<hbm>> -> memref<16512x64xf32, #tpu.memory_space<hbm>>
    tpu.enqueue_indirect_dma source(%dma_start3A_122 : memref<128x64xf32, #tpu.memory_space<vmem>>) target(%dma_start3A_128 : memref<16512x64xf32, #tpu.memory_space<hbm>>) offsets(%dma_start3A_125 : memref<128xi32, #tpu.memory_space<vmem>>) semaphore(%arg9 : memref<!tpu.dma_semaphore, #tpu.memory_space<semaphore_mem>>)
    %dma_wait3A_129 = arith.constant 0 : i32
    %dma_wait3A_130 = arith.constant 0 : i32
    %dma_wait3A_131 = arith.constant 0 : i32
    %dma_wait3A_132 = tpu.memref_slice %arg5[%dma_wait3A_129, %dma_wait3A_130, %dma_wait3A_131] : memref<2x128x128xf32, #tpu.memory_space<vmem>> -> memref<1x128x128xf32, #tpu.memory_space<vmem>>
    %dma_wait3A_133 = tpu.memref_squeeze %dma_wait3A_132 : memref<1x128x128xf32, #tpu.memory_space<vmem>> -> memref<128x128xf32, #tpu.memory_space<vmem>>
    %dma_wait3A_134 = arith.constant 0 : i32
    %dma_wait3A_135 = arith.constant 0 : i32
    %dma_wait3A_136 = tpu.memref_slice %arg2[%dma_wait3A_134, %dma_wait3A_135] : memref<24576x128xf32, #tpu.memory_space<hbm>> -> memref<128x128xf32, #tpu.memory_space<hbm>>
    %dma_wait3A_137 = arith.constant 0 : i32
    %dma_wait3A_138 = arith.constant 0 : i32
    %dma_wait3A_139 = tpu.memref_slice %arg5[%dma_wait3A_129, %dma_wait3A_137, %dma_wait3A_138] : memref<2x128x128xf32, #tpu.memory_space<vmem>> -> memref<1x128x128xf32, #tpu.memory_space<vmem>>
    %dma_wait3A_140 = tpu.memref_squeeze %dma_wait3A_139 : memref<1x128x128xf32, #tpu.memory_space<vmem>> -> memref<128x128xf32, #tpu.memory_space<vmem>>
    %dma_wait3A_141 = arith.constant 0 : i32
    %dma_wait3A_142 = arith.constant 0 : i32
    %dma_wait3A_143 = tpu.memref_slice %arg2[%dma_wait3A_141, %dma_wait3A_142] : memref<24576x128xf32, #tpu.memory_space<hbm>> -> memref<128x128xf32, #tpu.memory_space<hbm>>
    tpu.wait_dma2 semaphore(%arg8 : memref<!tpu.dma_semaphore, #tpu.memory_space<semaphore_mem>>) src(%dma_wait3A_143 : memref<128x128xf32, #tpu.memory_space<hbm>>) dst(%dma_wait3A_140 : memref<128x128xf32, #tpu.memory_space<vmem>>)
    %mul3A_144 = arith.constant 768 : i32
    %mul3A_145 = arith.muli %add3A, %mul3A_144 : i32
    %add3A_146 = arith.constant 384 : i32
    %add3A_147 = arith.addi %mul3A_145, %add3A_146 : i32
    %dma_start3A_148 = arith.constant 1 : i32
    %dma_start3A_149 = arith.constant 0 : i32
    %dma_start3A_150 = arith.constant 0 : i32
    %dma_start3A_151 = tpu.memref_slice %arg5[%dma_start3A_148, %dma_start3A_149, %dma_start3A_150] : memref<2x128x128xf32, #tpu.memory_space<vmem>> -> memref<1x128x128xf32, #tpu.memory_space<vmem>>
    %dma_start3A_152 = tpu.memref_squeeze %dma_start3A_151 : memref<1x128x128xf32, #tpu.memory_space<vmem>> -> memref<128x128xf32, #tpu.memory_space<vmem>>
    %dma_start3A_153 = arith.constant 0 : i32
    %dma_start3A_154 = tpu.memref_slice %arg2[%add3A_147, %dma_start3A_153] : memref<24576x128xf32, #tpu.memory_space<hbm>> -> memref<128x128xf32, #tpu.memory_space<hbm>>
    %dma_start3A_155 = arith.constant 0 : i32
    %dma_start3A_156 = arith.constant 0 : i32
    %dma_start3A_157 = tpu.memref_slice %arg5[%dma_start3A_148, %dma_start3A_155, %dma_start3A_156] : memref<2x128x128xf32, #tpu.memory_space<vmem>> -> memref<1x128x128xf32, #tpu.memory_space<vmem>>
    %dma_start3A_158 = tpu.memref_squeeze %dma_start3A_157 : memref<1x128x128xf32, #tpu.memory_space<vmem>> -> memref<128x128xf32, #tpu.memory_space<vmem>>
    %dma_start3A_159 = arith.constant 0 : i32
    %dma_start3A_160 = tpu.memref_slice %arg2[%add3A_147, %dma_start3A_159] : memref<24576x128xf32, #tpu.memory_space<hbm>> -> memref<128x128xf32, #tpu.memory_space<hbm>>
    tpu.enqueue_dma source(%dma_start3A_160 : memref<128x128xf32, #tpu.memory_space<hbm>>) target(%dma_start3A_158 : memref<128x128xf32, #tpu.memory_space<vmem>>) target_semaphore(%arg8 : memref<!tpu.dma_semaphore, #tpu.memory_space<semaphore_mem>>)
    %dma_wait3A_161 = arith.constant 1 : i32
    %dma_wait3A_162 = arith.constant 1 : i32
    %dma_wait3A_163 = arith.constant 0 : i32
    %dma_wait3A_164 = arith.constant 0 : i32
    %dma_wait3A_165 = tpu.memref_slice %arg6[%dma_wait3A_161, %dma_wait3A_163, %dma_wait3A_164] : memref<2x128x64xf32, #tpu.memory_space<vmem>> -> memref<1x128x64xf32, #tpu.memory_space<vmem>>
    %dma_wait3A_166 = tpu.memref_squeeze %dma_wait3A_165 : memref<1x128x64xf32, #tpu.memory_space<vmem>> -> memref<128x64xf32, #tpu.memory_space<vmem>>
    %dma_wait3A_167 = arith.constant 0 : i32
    %dma_wait3A_168 = tpu.memref_slice %arg7[%dma_wait3A_162, %dma_wait3A_167] : memref<8x128xi32, #tpu.memory_space<vmem>> -> memref<1x128xi32, #tpu.memory_space<vmem>>
    %dma_wait3A_169 = tpu.memref_squeeze %dma_wait3A_168 : memref<1x128xi32, #tpu.memory_space<vmem>> -> memref<128xi32, #tpu.memory_space<vmem>>
    %dma_wait3A_170 = arith.constant 0 : i32
    %dma_wait3A_171 = arith.constant 0 : i32
    %dma_wait3A_172 = tpu.memref_slice %arg4[%dma_wait3A_170, %dma_wait3A_171] : memref<16512x64xf32, #tpu.memory_space<hbm>> -> memref<16512x64xf32, #tpu.memory_space<hbm>>
    tpu.wait_indirect_dma semaphore(%arg9 : memref<!tpu.dma_semaphore, #tpu.memory_space<semaphore_mem>>) src(%dma_wait3A_166 : memref<128x64xf32, #tpu.memory_space<vmem>>) dst(%dma_wait3A_172 : memref<16512x64xf32, #tpu.memory_space<hbm>>)
    %scan3A_173 = arith.constant 0 : i32
    %scan3A_174 = arith.constant 0 : i32
    %scan3A_175 = arith.constant 128 : i32
    %scan3A_176 = arith.addi %scan3A_174, %scan3A_175 : i32
    %scan3A_177 = arith.constant 1 : i32
    %scan3A_178 = scf.for %scan3A_376 = %scan3A_174 to %scan3A_176 step %scan3A_177 iter_args(%scan3A_377 = %scan3A_173) -> (i32)  : i32 {
      %get3A = arith.constant 0 : i32
      %get3A_378 = arith.index_cast %get3A : i32 to index
      %get3A_379 = arith.index_cast %scan3A_376 : i32 to index
      %get3A_380 = arith.constant 0 : index
      %get3A_381 = tpu.vector_load %arg5[%get3A_378, %get3A_379, %get3A_380] {strides = array<i32>} : memref<2x128x128xf32, #tpu.memory_space<vmem>>, vector<16xf32>,
      %swap3A = arith.constant 0 : i32
      %swap3A_382 = arith.index_cast %swap3A : i32 to index
      %swap3A_383 = arith.index_cast %scan3A_376 : i32 to index
      %swap3A_384 = arith.constant 0 : index
      %swap3A_385 = tpu.vector_load %arg6[%swap3A_382, %swap3A_383, %swap3A_384] {strides = array<i32>} : memref<2x128x64xf32, #tpu.memory_space<vmem>>, vector<16xf32>,
      tpu.vector_store %arg6[%swap3A_382, %swap3A_383, %swap3A_384], %get3A_381 {strides = array<i32>} : memref<2x128x64xf32, #tpu.memory_space<vmem>>, vector<16xf32>,
      %get3A_386 = arith.constant 0 : i32
      %get3A_387 = arith.index_cast %get3A_386 : i32 to index
      %get3A_388 = arith.index_cast %scan3A_376 : i32 to index
      %get3A_389 = arith.constant 16 : index
      %get3A_390 = tpu.vector_load %arg5[%get3A_387, %get3A_388, %get3A_389] {strides = array<i32>} : memref<2x128x128xf32, #tpu.memory_space<vmem>>, vector<16xf32>,
      %swap3A_391 = arith.constant 0 : i32
      %swap3A_392 = arith.index_cast %swap3A_391 : i32 to index
      %swap3A_393 = arith.index_cast %scan3A_376 : i32 to index
      %swap3A_394 = arith.constant 16 : index
      %swap3A_395 = tpu.vector_load %arg6[%swap3A_392, %swap3A_393, %swap3A_394] {strides = array<i32>} : memref<2x128x64xf32, #tpu.memory_space<vmem>>, vector<16xf32>,
      tpu.vector_store %arg6[%swap3A_392, %swap3A_393, %swap3A_394], %get3A_390 {strides = array<i32>} : memref<2x128x64xf32, #tpu.memory_space<vmem>>, vector<16xf32>,
      %get3A_396 = arith.constant 0 : i32
      %get3A_397 = arith.index_cast %get3A_396 : i32 to index
      %get3A_398 = arith.index_cast %scan3A_376 : i32 to index
      %get3A_399 = arith.constant 32 : index
      %get3A_400 = tpu.vector_load %arg5[%get3A_397, %get3A_398, %get3A_399] {strides = array<i32>} : memref<2x128x128xf32, #tpu.memory_space<vmem>>, vector<16xf32>,
      %swap3A_401 = arith.constant 0 : i32
      %swap3A_402 = arith.index_cast %swap3A_401 : i32 to index
      %swap3A_403 = arith.index_cast %scan3A_376 : i32 to index
      %swap3A_404 = arith.constant 32 : index
      %swap3A_405 = tpu.vector_load %arg6[%swap3A_402, %swap3A_403, %swap3A_404] {strides = array<i32>} : memref<2x128x64xf32, #tpu.memory_space<vmem>>, vector<16xf32>,
      tpu.vector_store %arg6[%swap3A_402, %swap3A_403, %swap3A_404], %get3A_400 {strides = array<i32>} : memref<2x128x64xf32, #tpu.memory_space<vmem>>, vector<16xf32>,
      %get3A_406 = arith.constant 0 : i32
      %get3A_407 = arith.index_cast %get3A_406 : i32 to index
      %get3A_408 = arith.index_cast %scan3A_376 : i32 to index
      %get3A_409 = arith.constant 48 : index
      %get3A_410 = tpu.vector_load %arg5[%get3A_407, %get3A_408, %get3A_409] {strides = array<i32>} : memref<2x128x128xf32, #tpu.memory_space<vmem>>, vector<16xf32>,
      %swap3A_411 = arith.constant 0 : i32
      %swap3A_412 = arith.index_cast %swap3A_411 : i32 to index
      %swap3A_413 = arith.index_cast %scan3A_376 : i32 to index
      %swap3A_414 = arith.constant 48 : index
      %swap3A_415 = tpu.vector_load %arg6[%swap3A_412, %swap3A_413, %swap3A_414] {strides = array<i32>} : memref<2x128x64xf32, #tpu.memory_space<vmem>>, vector<16xf32>,
      tpu.vector_store %arg6[%swap3A_412, %swap3A_413, %swap3A_414], %get3A_410 {strides = array<i32>} : memref<2x128x64xf32, #tpu.memory_space<vmem>>, vector<16xf32>,
      %scan3A_416 = arith.constant 0 : i32
      scf.yield %scan3A_416 : i32
    }
    %scan3A_179 = arith.constant 128 : i32
    %dma_start3A_180 = arith.constant 0 : i32
    %dma_start3A_181 = arith.constant 2 : i32
    %dma_start3A_182 = arith.constant 0 : i32
    %dma_start3A_183 = arith.constant 0 : i32
    %dma_start3A_184 = tpu.memref_slice %arg6[%dma_start3A_180, %dma_start3A_182, %dma_start3A_183] : memref<2x128x64xf32, #tpu.memory_space<vmem>> -> memref<1x128x64xf32, #tpu.memory_space<vmem>>
    %dma_start3A_185 = tpu.memref_squeeze %dma_start3A_184 : memref<1x128x64xf32, #tpu.memory_space<vmem>> -> memref<128x64xf32, #tpu.memory_space<vmem>>
    %dma_start3A_186 = arith.constant 0 : i32
    %dma_start3A_187 = tpu.memref_slice %arg7[%dma_start3A_181, %dma_start3A_186] : memref<8x128xi32, #tpu.memory_space<vmem>> -> memref<1x128xi32, #tpu.memory_space<vmem>>
    %dma_start3A_188 = tpu.memref_squeeze %dma_start3A_187 : memref<1x128xi32, #tpu.memory_space<vmem>> -> memref<128xi32, #tpu.memory_space<vmem>>
    %dma_start3A_189 = arith.constant 0 : i32
    %dma_start3A_190 = arith.constant 0 : i32
    %dma_start3A_191 = tpu.memref_slice %arg4[%dma_start3A_189, %dma_start3A_190] : memref<16512x64xf32, #tpu.memory_space<hbm>> -> memref<16512x64xf32, #tpu.memory_space<hbm>>
    tpu.enqueue_indirect_dma source(%dma_start3A_185 : memref<128x64xf32, #tpu.memory_space<vmem>>) target(%dma_start3A_191 : memref<16512x64xf32, #tpu.memory_space<hbm>>) offsets(%dma_start3A_188 : memref<128xi32, #tpu.memory_space<vmem>>) semaphore(%arg9 : memref<!tpu.dma_semaphore, #tpu.memory_space<semaphore_mem>>)
    %dma_wait3A_192 = arith.constant 1 : i32
    %dma_wait3A_193 = arith.constant 0 : i32
    %dma_wait3A_194 = arith.constant 0 : i32
    %dma_wait3A_195 = tpu.memref_slice %arg5[%dma_wait3A_192, %dma_wait3A_193, %dma_wait3A_194] : memref<2x128x128xf32, #tpu.memory_space<vmem>> -> memref<1x128x128xf32, #tpu.memory_space<vmem>>
    %dma_wait3A_196 = tpu.memref_squeeze %dma_wait3A_195 : memref<1x128x128xf32, #tpu.memory_space<vmem>> -> memref<128x128xf32, #tpu.memory_space<vmem>>
    %dma_wait3A_197 = arith.constant 0 : i32
    %dma_wait3A_198 = arith.constant 0 : i32
    %dma_wait3A_199 = tpu.memref_slice %arg2[%dma_wait3A_197, %dma_wait3A_198] : memref<24576x128xf32, #tpu.memory_space<hbm>> -> memref<128x128xf32, #tpu.memory_space<hbm>>
    %dma_wait3A_200 = arith.constant 0 : i32
    %dma_wait3A_201 = arith.constant 0 : i32
    %dma_wait3A_202 = tpu.memref_slice %arg5[%dma_wait3A_192, %dma_wait3A_200, %dma_wait3A_201] : memref<2x128x128xf32, #tpu.memory_space<vmem>> -> memref<1x128x128xf32, #tpu.memory_space<vmem>>
    %dma_wait3A_203 = tpu.memref_squeeze %dma_wait3A_202 : memref<1x128x128xf32, #tpu.memory_space<vmem>> -> memref<128x128xf32, #tpu.memory_space<vmem>>
    %dma_wait3A_204 = arith.constant 0 : i32
    %dma_wait3A_205 = arith.constant 0 : i32
    %dma_wait3A_206 = tpu.memref_slice %arg2[%dma_wait3A_204, %dma_wait3A_205] : memref<24576x128xf32, #tpu.memory_space<hbm>> -> memref<128x128xf32, #tpu.memory_space<hbm>>
    tpu.wait_dma2 semaphore(%arg8 : memref<!tpu.dma_semaphore, #tpu.memory_space<semaphore_mem>>) src(%dma_wait3A_206 : memref<128x128xf32, #tpu.memory_space<hbm>>) dst(%dma_wait3A_203 : memref<128x128xf32, #tpu.memory_space<vmem>>)
    %mul3A_207 = arith.constant 768 : i32
    %mul3A_208 = arith.muli %add3A, %mul3A_207 : i32
    %add3A_209 = arith.constant 512 : i32
    %add3A_210 = arith.addi %mul3A_208, %add3A_209 : i32
    %dma_start3A_211 = arith.constant 0 : i32
    %dma_start3A_212 = arith.constant 0 : i32
    %dma_start3A_213 = arith.constant 0 : i32
    %dma_start3A_214 = tpu.memref_slice %arg5[%dma_start3A_211, %dma_start3A_212, %dma_start3A_213] : memref<2x128x128xf32, #tpu.memory_space<vmem>> -> memref<1x128x128xf32, #tpu.memory_space<vmem>>
    %dma_start3A_215 = tpu.memref_squeeze %dma_start3A_214 : memref<1x128x128xf32, #tpu.memory_space<vmem>> -> memref<128x128xf32, #tpu.memory_space<vmem>>
    %dma_start3A_216 = arith.constant 0 : i32
    %dma_start3A_217 = tpu.memref_slice %arg2[%add3A_210, %dma_start3A_216] : memref<24576x128xf32, #tpu.memory_space<hbm>> -> memref<128x128xf32, #tpu.memory_space<hbm>>
    %dma_start3A_218 = arith.constant 0 : i32
    %dma_start3A_219 = arith.constant 0 : i32
    %dma_start3A_220 = tpu.memref_slice %arg5[%dma_start3A_211, %dma_start3A_218, %dma_start3A_219] : memref<2x128x128xf32, #tpu.memory_space<vmem>> -> memref<1x128x128xf32, #tpu.memory_space<vmem>>
    %dma_start3A_221 = tpu.memref_squeeze %dma_start3A_220 : memref<1x128x128xf32, #tpu.memory_space<vmem>> -> memref<128x128xf32, #tpu.memory_space<vmem>>
    %dma_start3A_222 = arith.constant 0 : i32
    %dma_start3A_223 = tpu.memref_slice %arg2[%add3A_210, %dma_start3A_222] : memref<24576x128xf32, #tpu.memory_space<hbm>> -> memref<128x128xf32, #tpu.memory_space<hbm>>
    tpu.enqueue_dma source(%dma_start3A_223 : memref<128x128xf32, #tpu.memory_space<hbm>>) target(%dma_start3A_221 : memref<128x128xf32, #tpu.memory_space<vmem>>) target_semaphore(%arg8 : memref<!tpu.dma_semaphore, #tpu.memory_space<semaphore_mem>>)
    %dma_wait3A_224 = arith.constant 0 : i32
    %dma_wait3A_225 = arith.constant 2 : i32
    %dma_wait3A_226 = arith.constant 0 : i32
    %dma_wait3A_227 = arith.constant 0 : i32
    %dma_wait3A_228 = tpu.memref_slice %arg6[%dma_wait3A_224, %dma_wait3A_226, %dma_wait3A_227] : memref<2x128x64xf32, #tpu.memory_space<vmem>> -> memref<1x128x64xf32, #tpu.memory_space<vmem>>
    %dma_wait3A_229 = tpu.memref_squeeze %dma_wait3A_228 : memref<1x128x64xf32, #tpu.memory_space<vmem>> -> memref<128x64xf32, #tpu.memory_space<vmem>>
    %dma_wait3A_230 = arith.constant 0 : i32
    %dma_wait3A_231 = tpu.memref_slice %arg7[%dma_wait3A_225, %dma_wait3A_230] : memref<8x128xi32, #tpu.memory_space<vmem>> -> memref<1x128xi32, #tpu.memory_space<vmem>>
    %dma_wait3A_232 = tpu.memref_squeeze %dma_wait3A_231 : memref<1x128xi32, #tpu.memory_space<vmem>> -> memref<128xi32, #tpu.memory_space<vmem>>
    %dma_wait3A_233 = arith.constant 0 : i32
    %dma_wait3A_234 = arith.constant 0 : i32
    %dma_wait3A_235 = tpu.memref_slice %arg4[%dma_wait3A_233, %dma_wait3A_234] : memref<16512x64xf32, #tpu.memory_space<hbm>> -> memref<16512x64xf32, #tpu.memory_space<hbm>>
    tpu.wait_indirect_dma semaphore(%arg9 : memref<!tpu.dma_semaphore, #tpu.memory_space<semaphore_mem>>) src(%dma_wait3A_229 : memref<128x64xf32, #tpu.memory_space<vmem>>) dst(%dma_wait3A_235 : memref<16512x64xf32, #tpu.memory_space<hbm>>)
    %scan3A_236 = arith.constant 0 : i32
    %scan3A_237 = arith.constant 0 : i32
    %scan3A_238 = arith.constant 128 : i32
    %scan3A_239 = arith.addi %scan3A_237, %scan3A_238 : i32
    %scan3A_240 = arith.constant 1 : i32
    %scan3A_241 = scf.for %scan3A_376 = %scan3A_237 to %scan3A_239 step %scan3A_240 iter_args(%scan3A_377 = %scan3A_236) -> (i32)  : i32 {
      %get3A = arith.constant 1 : i32
      %get3A_378 = arith.index_cast %get3A : i32 to index
      %get3A_379 = arith.index_cast %scan3A_376 : i32 to index
      %get3A_380 = arith.constant 0 : index
      %get3A_381 = tpu.vector_load %arg5[%get3A_378, %get3A_379, %get3A_380] {strides = array<i32>} : memref<2x128x128xf32, #tpu.memory_space<vmem>>, vector<16xf32>,
      %swap3A = arith.constant 1 : i32
      %swap3A_382 = arith.index_cast %swap3A : i32 to index
      %swap3A_383 = arith.index_cast %scan3A_376 : i32 to index
      %swap3A_384 = arith.constant 0 : index
      %swap3A_385 = tpu.vector_load %arg6[%swap3A_382, %swap3A_383, %swap3A_384] {strides = array<i32>} : memref<2x128x64xf32, #tpu.memory_space<vmem>>, vector<16xf32>,
      tpu.vector_store %arg6[%swap3A_382, %swap3A_383, %swap3A_384], %get3A_381 {strides = array<i32>} : memref<2x128x64xf32, #tpu.memory_space<vmem>>, vector<16xf32>,
      %get3A_386 = arith.constant 1 : i32
      %get3A_387 = arith.index_cast %get3A_386 : i32 to index
      %get3A_388 = arith.index_cast %scan3A_376 : i32 to index
      %get3A_389 = arith.constant 16 : index
      %get3A_390 = tpu.vector_load %arg5[%get3A_387, %get3A_388, %get3A_389] {strides = array<i32>} : memref<2x128x128xf32, #tpu.memory_space<vmem>>, vector<16xf32>,
      %swap3A_391 = arith.constant 1 : i32
      %swap3A_392 = arith.index_cast %swap3A_391 : i32 to index
      %swap3A_393 = arith.index_cast %scan3A_376 : i32 to index
      %swap3A_394 = arith.constant 16 : index
      %swap3A_395 = tpu.vector_load %arg6[%swap3A_392, %swap3A_393, %swap3A_394] {strides = array<i32>} : memref<2x128x64xf32, #tpu.memory_space<vmem>>, vector<16xf32>,
      tpu.vector_store %arg6[%swap3A_392, %swap3A_393, %swap3A_394], %get3A_390 {strides = array<i32>} : memref<2x128x64xf32, #tpu.memory_space<vmem>>, vector<16xf32>,
      %get3A_396 = arith.constant 1 : i32
      %get3A_397 = arith.index_cast %get3A_396 : i32 to index
      %get3A_398 = arith.index_cast %scan3A_376 : i32 to index
      %get3A_399 = arith.constant 32 : index
      %get3A_400 = tpu.vector_load %arg5[%get3A_397, %get3A_398, %get3A_399] {strides = array<i32>} : memref<2x128x128xf32, #tpu.memory_space<vmem>>, vector<16xf32>,
      %swap3A_401 = arith.constant 1 : i32
      %swap3A_402 = arith.index_cast %swap3A_401 : i32 to index
      %swap3A_403 = arith.index_cast %scan3A_376 : i32 to index
      %swap3A_404 = arith.constant 32 : index
      %swap3A_405 = tpu.vector_load %arg6[%swap3A_402, %swap3A_403, %swap3A_404] {strides = array<i32>} : memref<2x128x64xf32, #tpu.memory_space<vmem>>, vector<16xf32>,
      tpu.vector_store %arg6[%swap3A_402, %swap3A_403, %swap3A_404], %get3A_400 {strides = array<i32>} : memref<2x128x64xf32, #tpu.memory_space<vmem>>, vector<16xf32>,
      %get3A_406 = arith.constant 1 : i32
      %get3A_407 = arith.index_cast %get3A_406 : i32 to index
      %get3A_408 = arith.index_cast %scan3A_376 : i32 to index
      %get3A_409 = arith.constant 48 : index
      %get3A_410 = tpu.vector_load %arg5[%get3A_407, %get3A_408, %get3A_409] {strides = array<i32>} : memref<2x128x128xf32, #tpu.memory_space<vmem>>, vector<16xf32>,
      %swap3A_411 = arith.constant 1 : i32
      %swap3A_412 = arith.index_cast %swap3A_411 : i32 to index
      %swap3A_413 = arith.index_cast %scan3A_376 : i32 to index
      %swap3A_414 = arith.constant 48 : index
      %swap3A_415 = tpu.vector_load %arg6[%swap3A_412, %swap3A_413, %swap3A_414] {strides = array<i32>} : memref<2x128x64xf32, #tpu.memory_space<vmem>>, vector<16xf32>,
      tpu.vector_store %arg6[%swap3A_412, %swap3A_413, %swap3A_414], %get3A_410 {strides = array<i32>} : memref<2x128x64xf32, #tpu.memory_space<vmem>>, vector<16xf32>,
      %scan3A_416 = arith.constant 0 : i32
      scf.yield %scan3A_416 : i32
    }
    %scan3A_242 = arith.constant 128 : i32
    %dma_start3A_243 = arith.constant 1 : i32
    %dma_start3A_244 = arith.constant 3 : i32
    %dma_start3A_245 = arith.constant 0 : i32
    %dma_start3A_246 = arith.constant 0 : i32
    %dma_start3A_247 = tpu.memref_slice %arg6[%dma_start3A_243, %dma_start3A_245, %dma_start3A_246] : memref<2x128x64xf32, #tpu.memory_space<vmem>> -> memref<1x128x64xf32, #tpu.memory_space<vmem>>
    %dma_start3A_248 = tpu.memref_squeeze %dma_start3A_247 : memref<1x128x64xf32, #tpu.memory_space<vmem>> -> memref<128x64xf32, #tpu.memory_space<vmem>>
    %dma_start3A_249 = arith.constant 0 : i32
    %dma_start3A_250 = tpu.memref_slice %arg7[%dma_start3A_244, %dma_start3A_249] : memref<8x128xi32, #tpu.memory_space<vmem>> -> memref<1x128xi32, #tpu.memory_space<vmem>>
    %dma_start3A_251 = tpu.memref_squeeze %dma_start3A_250 : memref<1x128xi32, #tpu.memory_space<vmem>> -> memref<128xi32, #tpu.memory_space<vmem>>
    %dma_start3A_252 = arith.constant 0 : i32
    %dma_start3A_253 = arith.constant 0 : i32
    %dma_start3A_254 = tpu.memref_slice %arg4[%dma_start3A_252, %dma_start3A_253] : memref<16512x64xf32, #tpu.memory_space<hbm>> -> memref<16512x64xf32, #tpu.memory_space<hbm>>
    tpu.enqueue_indirect_dma source(%dma_start3A_248 : memref<128x64xf32, #tpu.memory_space<vmem>>) target(%dma_start3A_254 : memref<16512x64xf32, #tpu.memory_space<hbm>>) offsets(%dma_start3A_251 : memref<128xi32, #tpu.memory_space<vmem>>) semaphore(%arg9 : memref<!tpu.dma_semaphore, #tpu.memory_space<semaphore_mem>>)
    %dma_wait3A_255 = arith.constant 0 : i32
    %dma_wait3A_256 = arith.constant 0 : i32
    %dma_wait3A_257 = arith.constant 0 : i32
    %dma_wait3A_258 = tpu.memref_slice %arg5[%dma_wait3A_255, %dma_wait3A_256, %dma_wait3A_257] : memref<2x128x128xf32, #tpu.memory_space<vmem>> -> memref<1x128x128xf32, #tpu.memory_space<vmem>>
    %dma_wait3A_259 = tpu.memref_squeeze %dma_wait3A_258 : memref<1x128x128xf32, #tpu.memory_space<vmem>> -> memref<128x128xf32, #tpu.memory_space<vmem>>
    %dma_wait3A_260 = arith.constant 0 : i32
    %dma_wait3A_261 = arith.constant 0 : i32
    %dma_wait3A_262 = tpu.memref_slice %arg2[%dma_wait3A_260, %dma_wait3A_261] : memref<24576x128xf32, #tpu.memory_space<hbm>> -> memref<128x128xf32, #tpu.memory_space<hbm>>
    %dma_wait3A_263 = arith.constant 0 : i32
    %dma_wait3A_264 = arith.constant 0 : i32
    %dma_wait3A_265 = tpu.memref_slice %arg5[%dma_wait3A_255, %dma_wait3A_263, %dma_wait3A_264] : memref<2x128x128xf32, #tpu.memory_space<vmem>> -> memref<1x128x128xf32, #tpu.memory_space<vmem>>
    %dma_wait3A_266 = tpu.memref_squeeze %dma_wait3A_265 : memref<1x128x128xf32, #tpu.memory_space<vmem>> -> memref<128x128xf32, #tpu.memory_space<vmem>>
    %dma_wait3A_267 = arith.constant 0 : i32
    %dma_wait3A_268 = arith.constant 0 : i32
    %dma_wait3A_269 = tpu.memref_slice %arg2[%dma_wait3A_267, %dma_wait3A_268] : memref<24576x128xf32, #tpu.memory_space<hbm>> -> memref<128x128xf32, #tpu.memory_space<hbm>>
    tpu.wait_dma2 semaphore(%arg8 : memref<!tpu.dma_semaphore, #tpu.memory_space<semaphore_mem>>) src(%dma_wait3A_269 : memref<128x128xf32, #tpu.memory_space<hbm>>) dst(%dma_wait3A_266 : memref<128x128xf32, #tpu.memory_space<vmem>>)
    %mul3A_270 = arith.constant 768 : i32
    %mul3A_271 = arith.muli %add3A, %mul3A_270 : i32
    %add3A_272 = arith.constant 640 : i32
    %add3A_273 = arith.addi %mul3A_271, %add3A_272 : i32
    %dma_start3A_274 = arith.constant 1 : i32
    %dma_start3A_275 = arith.constant 0 : i32
    %dma_start3A_276 = arith.constant 0 : i32
    %dma_start3A_277 = tpu.memref_slice %arg5[%dma_start3A_274, %dma_start3A_275, %dma_start3A_276] : memref<2x128x128xf32, #tpu.memory_space<vmem>> -> memref<1x128x128xf32, #tpu.memory_space<vmem>>
    %dma_start3A_278 = tpu.memref_squeeze %dma_start3A_277 : memref<1x128x128xf32, #tpu.memory_space<vmem>> -> memref<128x128xf32, #tpu.memory_space<vmem>>
    %dma_start3A_279 = arith.constant 0 : i32
    %dma_start3A_280 = tpu.memref_slice %arg2[%add3A_273, %dma_start3A_279] : memref<24576x128xf32, #tpu.memory_space<hbm>> -> memref<128x128xf32, #tpu.memory_space<hbm>>
    %dma_start3A_281 = arith.constant 0 : i32
    %dma_start3A_282 = arith.constant 0 : i32
    %dma_start3A_283 = tpu.memref_slice %arg5[%dma_start3A_274, %dma_start3A_281, %dma_start3A_282] : memref<2x128x128xf32, #tpu.memory_space<vmem>> -> memref<1x128x128xf32, #tpu.memory_space<vmem>>
    %dma_start3A_284 = tpu.memref_squeeze %dma_start3A_283 : memref<1x128x128xf32, #tpu.memory_space<vmem>> -> memref<128x128xf32, #tpu.memory_space<vmem>>
    %dma_start3A_285 = arith.constant 0 : i32
    %dma_start3A_286 = tpu.memref_slice %arg2[%add3A_273, %dma_start3A_285] : memref<24576x128xf32, #tpu.memory_space<hbm>> -> memref<128x128xf32, #tpu.memory_space<hbm>>
    tpu.enqueue_dma source(%dma_start3A_286 : memref<128x128xf32, #tpu.memory_space<hbm>>) target(%dma_start3A_284 : memref<128x128xf32, #tpu.memory_space<vmem>>) target_semaphore(%arg8 : memref<!tpu.dma_semaphore, #tpu.memory_space<semaphore_mem>>)
    %dma_wait3A_287 = arith.constant 1 : i32
    %dma_wait3A_288 = arith.constant 3 : i32
    %dma_wait3A_289 = arith.constant 0 : i32
    %dma_wait3A_290 = arith.constant 0 : i32
    %dma_wait3A_291 = tpu.memref_slice %arg6[%dma_wait3A_287, %dma_wait3A_289, %dma_wait3A_290] : memref<2x128x64xf32, #tpu.memory_space<vmem>> -> memref<1x128x64xf32, #tpu.memory_space<vmem>>
    %dma_wait3A_292 = tpu.memref_squeeze %dma_wait3A_291 : memref<1x128x64xf32, #tpu.memory_space<vmem>> -> memref<128x64xf32, #tpu.memory_space<vmem>>
    %dma_wait3A_293 = arith.constant 0 : i32
    %dma_wait3A_294 = tpu.memref_slice %arg7[%dma_wait3A_288, %dma_wait3A_293] : memref<8x128xi32, #tpu.memory_space<vmem>> -> memref<1x128xi32, #tpu.memory_space<vmem>>
    %dma_wait3A_295 = tpu.memref_squeeze %dma_wait3A_294 : memref<1x128xi32, #tpu.memory_space<vmem>> -> memref<128xi32, #tpu.memory_space<vmem>>
    %dma_wait3A_296 = arith.constant 0 : i32
    %dma_wait3A_297 = arith.constant 0 : i32
    %dma_wait3A_298 = tpu.memref_slice %arg4[%dma_wait3A_296, %dma_wait3A_297] : memref<16512x64xf32, #tpu.memory_space<hbm>> -> memref<16512x64xf32, #tpu.memory_space<hbm>>
    tpu.wait_indirect_dma semaphore(%arg9 : memref<!tpu.dma_semaphore, #tpu.memory_space<semaphore_mem>>) src(%dma_wait3A_292 : memref<128x64xf32, #tpu.memory_space<vmem>>) dst(%dma_wait3A_298 : memref<16512x64xf32, #tpu.memory_space<hbm>>)
    %scan3A_299 = arith.constant 0 : i32
    %scan3A_300 = arith.constant 0 : i32
    %scan3A_301 = arith.constant 128 : i32
    %scan3A_302 = arith.addi %scan3A_300, %scan3A_301 : i32
    %scan3A_303 = arith.constant 1 : i32
    %scan3A_304 = scf.for %scan3A_376 = %scan3A_300 to %scan3A_302 step %scan3A_303 iter_args(%scan3A_377 = %scan3A_299) -> (i32)  : i32 {
      %get3A = arith.constant 0 : i32
      %get3A_378 = arith.index_cast %get3A : i32 to index
      %get3A_379 = arith.index_cast %scan3A_376 : i32 to index
      %get3A_380 = arith.constant 0 : index
      %get3A_381 = tpu.vector_load %arg5[%get3A_378, %get3A_379, %get3A_380] {strides = array<i32>} : memref<2x128x128xf32, #tpu.memory_space<vmem>>, vector<16xf32>,
      %swap3A = arith.constant 0 : i32
      %swap3A_382 = arith.index_cast %swap3A : i32 to index
      %swap3A_383 = arith.index_cast %scan3A_376 : i32 to index
      %swap3A_384 = arith.constant 0 : index
      %swap3A_385 = tpu.vector_load %arg6[%swap3A_382, %swap3A_383, %swap3A_384] {strides = array<i32>} : memref<2x128x64xf32, #tpu.memory_space<vmem>>, vector<16xf32>,
      tpu.vector_store %arg6[%swap3A_382, %swap3A_383, %swap3A_384], %get3A_381 {strides = array<i32>} : memref<2x128x64xf32, #tpu.memory_space<vmem>>, vector<16xf32>,
      %get3A_386 = arith.constant 0 : i32
      %get3A_387 = arith.index_cast %get3A_386 : i32 to index
      %get3A_388 = arith.index_cast %scan3A_376 : i32 to index
      %get3A_389 = arith.constant 16 : index
      %get3A_390 = tpu.vector_load %arg5[%get3A_387, %get3A_388, %get3A_389] {strides = array<i32>} : memref<2x128x128xf32, #tpu.memory_space<vmem>>, vector<16xf32>,
      %swap3A_391 = arith.constant 0 : i32
      %swap3A_392 = arith.index_cast %swap3A_391 : i32 to index
      %swap3A_393 = arith.index_cast %scan3A_376 : i32 to index
      %swap3A_394 = arith.constant 16 : index
      %swap3A_395 = tpu.vector_load %arg6[%swap3A_392, %swap3A_393, %swap3A_394] {strides = array<i32>} : memref<2x128x64xf32, #tpu.memory_space<vmem>>, vector<16xf32>,
      tpu.vector_store %arg6[%swap3A_392, %swap3A_393, %swap3A_394], %get3A_390 {strides = array<i32>} : memref<2x128x64xf32, #tpu.memory_space<vmem>>, vector<16xf32>,
      %get3A_396 = arith.constant 0 : i32
      %get3A_397 = arith.index_cast %get3A_396 : i32 to index
      %get3A_398 = arith.index_cast %scan3A_376 : i32 to index
      %get3A_399 = arith.constant 32 : index
      %get3A_400 = tpu.vector_load %arg5[%get3A_397, %get3A_398, %get3A_399] {strides = array<i32>} : memref<2x128x128xf32, #tpu.memory_space<vmem>>, vector<16xf32>,
      %swap3A_401 = arith.constant 0 : i32
      %swap3A_402 = arith.index_cast %swap3A_401 : i32 to index
      %swap3A_403 = arith.index_cast %scan3A_376 : i32 to index
      %swap3A_404 = arith.constant 32 : index
      %swap3A_405 = tpu.vector_load %arg6[%swap3A_402, %swap3A_403, %swap3A_404] {strides = array<i32>} : memref<2x128x64xf32, #tpu.memory_space<vmem>>, vector<16xf32>,
      tpu.vector_store %arg6[%swap3A_402, %swap3A_403, %swap3A_404], %get3A_400 {strides = array<i32>} : memref<2x128x64xf32, #tpu.memory_space<vmem>>, vector<16xf32>,
      %get3A_406 = arith.constant 0 : i32
      %get3A_407 = arith.index_cast %get3A_406 : i32 to index
      %get3A_408 = arith.index_cast %scan3A_376 : i32 to index
      %get3A_409 = arith.constant 48 : index
      %get3A_410 = tpu.vector_load %arg5[%get3A_407, %get3A_408, %get3A_409] {strides = array<i32>} : memref<2x128x128xf32, #tpu.memory_space<vmem>>, vector<16xf32>,
      %swap3A_411 = arith.constant 0 : i32
      %swap3A_412 = arith.index_cast %swap3A_411 : i32 to index
      %swap3A_413 = arith.index_cast %scan3A_376 : i32 to index
      %swap3A_414 = arith.constant 48 : index
      %swap3A_415 = tpu.vector_load %arg6[%swap3A_412, %swap3A_413, %swap3A_414] {strides = array<i32>} : memref<2x128x64xf32, #tpu.memory_space<vmem>>, vector<16xf32>,
      tpu.vector_store %arg6[%swap3A_412, %swap3A_413, %swap3A_414], %get3A_410 {strides = array<i32>} : memref<2x128x64xf32, #tpu.memory_space<vmem>>, vector<16xf32>,
      %scan3A_416 = arith.constant 0 : i32
      scf.yield %scan3A_416 : i32
    }
    %scan3A_305 = arith.constant 128 : i32
    %dma_start3A_306 = arith.constant 0 : i32
    %dma_start3A_307 = arith.constant 4 : i32
    %dma_start3A_308 = arith.constant 0 : i32
    %dma_start3A_309 = arith.constant 0 : i32
    %dma_start3A_310 = tpu.memref_slice %arg6[%dma_start3A_306, %dma_start3A_308, %dma_start3A_309] : memref<2x128x64xf32, #tpu.memory_space<vmem>> -> memref<1x128x64xf32, #tpu.memory_space<vmem>>
    %dma_start3A_311 = tpu.memref_squeeze %dma_start3A_310 : memref<1x128x64xf32, #tpu.memory_space<vmem>> -> memref<128x64xf32, #tpu.memory_space<vmem>>
    %dma_start3A_312 = arith.constant 0 : i32
    %dma_start3A_313 = tpu.memref_slice %arg7[%dma_start3A_307, %dma_start3A_312] : memref<8x128xi32, #tpu.memory_space<vmem>> -> memref<1x128xi32, #tpu.memory_space<vmem>>
    %dma_start3A_314 = tpu.memref_squeeze %dma_start3A_313 : memref<1x128xi32, #tpu.memory_space<vmem>> -> memref<128xi32, #tpu.memory_space<vmem>>
    %dma_start3A_315 = arith.constant 0 : i32
    %dma_start3A_316 = arith.constant 0 : i32
    %dma_start3A_317 = tpu.memref_slice %arg4[%dma_start3A_315, %dma_start3A_316] : memref<16512x64xf32, #tpu.memory_space<hbm>> -> memref<16512x64xf32, #tpu.memory_space<hbm>>
    tpu.enqueue_indirect_dma source(%dma_start3A_311 : memref<128x64xf32, #tpu.memory_space<vmem>>) target(%dma_start3A_317 : memref<16512x64xf32, #tpu.memory_space<hbm>>) offsets(%dma_start3A_314 : memref<128xi32, #tpu.memory_space<vmem>>) semaphore(%arg9 : memref<!tpu.dma_semaphore, #tpu.memory_space<semaphore_mem>>)
    %dma_wait3A_318 = arith.constant 1 : i32
    %dma_wait3A_319 = arith.constant 0 : i32
    %dma_wait3A_320 = arith.constant 0 : i32
    %dma_wait3A_321 = tpu.memref_slice %arg5[%dma_wait3A_318, %dma_wait3A_319, %dma_wait3A_320] : memref<2x128x128xf32, #tpu.memory_space<vmem>> -> memref<1x128x128xf32, #tpu.memory_space<vmem>>
    %dma_wait3A_322 = tpu.memref_squeeze %dma_wait3A_321 : memref<1x128x128xf32, #tpu.memory_space<vmem>> -> memref<128x128xf32, #tpu.memory_space<vmem>>
    %dma_wait3A_323 = arith.constant 0 : i32
    %dma_wait3A_324 = arith.constant 0 : i32
    %dma_wait3A_325 = tpu.memref_slice %arg2[%dma_wait3A_323, %dma_wait3A_324] : memref<24576x128xf32, #tpu.memory_space<hbm>> -> memref<128x128xf32, #tpu.memory_space<hbm>>
    %dma_wait3A_326 = arith.constant 0 : i32
    %dma_wait3A_327 = arith.constant 0 : i32
    %dma_wait3A_328 = tpu.memref_slice %arg5[%dma_wait3A_318, %dma_wait3A_326, %dma_wait3A_327] : memref<2x128x128xf32, #tpu.memory_space<vmem>> -> memref<1x128x128xf32, #tpu.memory_space<vmem>>
    %dma_wait3A_329 = tpu.memref_squeeze %dma_wait3A_328 : memref<1x128x128xf32, #tpu.memory_space<vmem>> -> memref<128x128xf32, #tpu.memory_space<vmem>>
    %dma_wait3A_330 = arith.constant 0 : i32
    %dma_wait3A_331 = arith.constant 0 : i32
    %dma_wait3A_332 = tpu.memref_slice %arg2[%dma_wait3A_330, %dma_wait3A_331] : memref<24576x128xf32, #tpu.memory_space<hbm>> -> memref<128x128xf32, #tpu.memory_space<hbm>>
    tpu.wait_dma2 semaphore(%arg8 : memref<!tpu.dma_semaphore, #tpu.memory_space<semaphore_mem>>) src(%dma_wait3A_332 : memref<128x128xf32, #tpu.memory_space<hbm>>) dst(%dma_wait3A_329 : memref<128x128xf32, #tpu.memory_space<vmem>>)
    %dma_wait3A_333 = arith.constant 0 : i32
    %dma_wait3A_334 = arith.constant 4 : i32
    %dma_wait3A_335 = arith.constant 0 : i32
    %dma_wait3A_336 = arith.constant 0 : i32
    %dma_wait3A_337 = tpu.memref_slice %arg6[%dma_wait3A_333, %dma_wait3A_335, %dma_wait3A_336] : memref<2x128x64xf32, #tpu.memory_space<vmem>> -> memref<1x128x64xf32, #tpu.memory_space<vmem>>
    %dma_wait3A_338 = tpu.memref_squeeze %dma_wait3A_337 : memref<1x128x64xf32, #tpu.memory_space<vmem>> -> memref<128x64xf32, #tpu.memory_space<vmem>>
    %dma_wait3A_339 = arith.constant 0 : i32
    %dma_wait3A_340 = tpu.memref_slice %arg7[%dma_wait3A_334, %dma_wait3A_339] : memref<8x128xi32, #tpu.memory_space<vmem>> -> memref<1x128xi32, #tpu.memory_space<vmem>>
    %dma_wait3A_341 = tpu.memref_squeeze %dma_wait3A_340 : memref<1x128xi32, #tpu.memory_space<vmem>> -> memref<128xi32, #tpu.memory_space<vmem>>
    %dma_wait3A_342 = arith.constant 0 : i32
    %dma_wait3A_343 = arith.constant 0 : i32
    %dma_wait3A_344 = tpu.memref_slice %arg4[%dma_wait3A_342, %dma_wait3A_343] : memref<16512x64xf32, #tpu.memory_space<hbm>> -> memref<16512x64xf32, #tpu.memory_space<hbm>>
    tpu.wait_indirect_dma semaphore(%arg9 : memref<!tpu.dma_semaphore, #tpu.memory_space<semaphore_mem>>) src(%dma_wait3A_338 : memref<128x64xf32, #tpu.memory_space<vmem>>) dst(%dma_wait3A_344 : memref<16512x64xf32, #tpu.memory_space<hbm>>)
    %scan3A_345 = arith.constant 0 : i32
    %scan3A_346 = arith.constant 0 : i32
    %scan3A_347 = arith.constant 128 : i32
    %scan3A_348 = arith.addi %scan3A_346, %scan3A_347 : i32
    %scan3A_349 = arith.constant 1 : i32
    %scan3A_350 = scf.for %scan3A_376 = %scan3A_346 to %scan3A_348 step %scan3A_349 iter_args(%scan3A_377 = %scan3A_345) -> (i32)  : i32 {
      %get3A = arith.constant 1 : i32
      %get3A_378 = arith.index_cast %get3A : i32 to index
      %get3A_379 = arith.index_cast %scan3A_376 : i32 to index
      %get3A_380 = arith.constant 0 : index
      %get3A_381 = tpu.vector_load %arg5[%get3A_378, %get3A_379, %get3A_380] {strides = array<i32>} : memref<2x128x128xf32, #tpu.memory_space<vmem>>, vector<16xf32>,
      %swap3A = arith.constant 1 : i32
      %swap3A_382 = arith.index_cast %swap3A : i32 to index
      %swap3A_383 = arith.index_cast %scan3A_376 : i32 to index
      %swap3A_384 = arith.constant 0 : index
      %swap3A_385 = tpu.vector_load %arg6[%swap3A_382, %swap3A_383, %swap3A_384] {strides = array<i32>} : memref<2x128x64xf32, #tpu.memory_space<vmem>>, vector<16xf32>,
      tpu.vector_store %arg6[%swap3A_382, %swap3A_383, %swap3A_384], %get3A_381 {strides = array<i32>} : memref<2x128x64xf32, #tpu.memory_space<vmem>>, vector<16xf32>,
      %get3A_386 = arith.constant 1 : i32
      %get3A_387 = arith.index_cast %get3A_386 : i32 to index
      %get3A_388 = arith.index_cast %scan3A_376 : i32 to index
      %get3A_389 = arith.constant 16 : index
      %get3A_390 = tpu.vector_load %arg5[%get3A_387, %get3A_388, %get3A_389] {strides = array<i32>} : memref<2x128x128xf32, #tpu.memory_space<vmem>>, vector<16xf32>,
      %swap3A_391 = arith.constant 1 : i32
      %swap3A_392 = arith.index_cast %swap3A_391 : i32 to index
      %swap3A_393 = arith.index_cast %scan3A_376 : i32 to index
      %swap3A_394 = arith.constant 16 : index
      %swap3A_395 = tpu.vector_load %arg6[%swap3A_392, %swap3A_393, %swap3A_394] {strides = array<i32>} : memref<2x128x64xf32, #tpu.memory_space<vmem>>, vector<16xf32>,
      tpu.vector_store %arg6[%swap3A_392, %swap3A_393, %swap3A_394], %get3A_390 {strides = array<i32>} : memref<2x128x64xf32, #tpu.memory_space<vmem>>, vector<16xf32>,
      %get3A_396 = arith.constant 1 : i32
      %get3A_397 = arith.index_cast %get3A_396 : i32 to index
      %get3A_398 = arith.index_cast %scan3A_376 : i32 to index
      %get3A_399 = arith.constant 32 : index
      %get3A_400 = tpu.vector_load %arg5[%get3A_397, %get3A_398, %get3A_399] {strides = array<i32>} : memref<2x128x128xf32, #tpu.memory_space<vmem>>, vector<16xf32>,
      %swap3A_401 = arith.constant 1 : i32
      %swap3A_402 = arith.index_cast %swap3A_401 : i32 to index
      %swap3A_403 = arith.index_cast %scan3A_376 : i32 to index
      %swap3A_404 = arith.constant 32 : index
      %swap3A_405 = tpu.vector_load %arg6[%swap3A_402, %swap3A_403, %swap3A_404] {strides = array<i32>} : memref<2x128x64xf32, #tpu.memory_space<vmem>>, vector<16xf32>,
      tpu.vector_store %arg6[%swap3A_402, %swap3A_403, %swap3A_404], %get3A_400 {strides = array<i32>} : memref<2x128x64xf32, #tpu.memory_space<vmem>>, vector<16xf32>,
      %get3A_406 = arith.constant 1 : i32
      %get3A_407 = arith.index_cast %get3A_406 : i32 to index
      %get3A_408 = arith.index_cast %scan3A_376 : i32 to index
      %get3A_409 = arith.constant 48 : index
      %get3A_410 = tpu.vector_load %arg5[%get3A_407, %get3A_408, %get3A_409] {strides = array<i32>} : memref<2x128x128xf32, #tpu.memory_space<vmem>>, vector<16xf32>,
      %swap3A_411 = arith.constant 1 : i32
      %swap3A_412 = arith.index_cast %swap3A_411 : i32 to index
      %swap3A_413 = arith.index_cast %scan3A_376 : i32 to index
      %swap3A_414 = arith.constant 48 : index
      %swap3A_415 = tpu.vector_load %arg6[%swap3A_412, %swap3A_413, %swap3A_414] {strides = array<i32>} : memref<2x128x64xf32, #tpu.memory_space<vmem>>, vector<16xf32>,
      tpu.vector_store %arg6[%swap3A_412, %swap3A_413, %swap3A_414], %get3A_410 {strides = array<i32>} : memref<2x128x64xf32, #tpu.memory_space<vmem>>, vector<16xf32>,
      %scan3A_416 = arith.constant 0 : i32
      scf.yield %scan3A_416 : i32
    }
    %scan3A_351 = arith.constant 128 : i32
    %dma_start3A_352 = arith.constant 1 : i32
    %dma_start3A_353 = arith.constant 5 : i32
    %dma_start3A_354 = arith.constant 0 : i32
    %dma_start3A_355 = arith.constant 0 : i32
    %dma_start3A_356 = tpu.memref_slice %arg6[%dma_start3A_352, %dma_start3A_354, %dma_start3A_355] : memref<2x128x64xf32, #tpu.memory_space<vmem>> -> memref<1x128x64xf32, #tpu.memory_space<vmem>>
    %dma_start3A_357 = tpu.memref_squeeze %dma_start3A_356 : memref<1x128x64xf32, #tpu.memory_space<vmem>> -> memref<128x64xf32, #tpu.memory_space<vmem>>
    %dma_start3A_358 = arith.constant 0 : i32
    %dma_start3A_359 = tpu.memref_slice %arg7[%dma_start3A_353, %dma_start3A_358] : memref<8x128xi32, #tpu.memory_space<vmem>> -> memref<1x128xi32, #tpu.memory_space<vmem>>
    %dma_start3A_360 = tpu.memref_squeeze %dma_start3A_359 : memref<1x128xi32, #tpu.memory_space<vmem>> -> memref<128xi32, #tpu.memory_space<vmem>>
    %dma_start3A_361 = arith.constant 0 : i32
    %dma_start3A_362 = arith.constant 0 : i32
    %dma_start3A_363 = tpu.memref_slice %arg4[%dma_start3A_361, %dma_start3A_362] : memref<16512x64xf32, #tpu.memory_space<hbm>> -> memref<16512x64xf32, #tpu.memory_space<hbm>>
    tpu.enqueue_indirect_dma source(%dma_start3A_357 : memref<128x64xf32, #tpu.memory_space<vmem>>) target(%dma_start3A_363 : memref<16512x64xf32, #tpu.memory_space<hbm>>) offsets(%dma_start3A_360 : memref<128xi32, #tpu.memory_space<vmem>>) semaphore(%arg9 : memref<!tpu.dma_semaphore, #tpu.memory_space<semaphore_mem>>)
    %dma_wait3A_364 = arith.constant 1 : i32
    %dma_wait3A_365 = arith.constant 5 : i32
    %dma_wait3A_366 = arith.constant 0 : i32
    %dma_wait3A_367 = arith.constant 0 : i32
    %dma_wait3A_368 = tpu.memref_slice %arg6[%dma_wait3A_364, %dma_wait3A_366, %dma_wait3A_367] : memref<2x128x64xf32, #tpu.memory_space<vmem>> -> memref<1x128x64xf32, #tpu.memory_space<vmem>>
    %dma_wait3A_369 = tpu.memref_squeeze %dma_wait3A_368 : memref<1x128x64xf32, #tpu.memory_space<vmem>> -> memref<128x64xf32, #tpu.memory_space<vmem>>
    %dma_wait3A_370 = arith.constant 0 : i32
    %dma_wait3A_371 = tpu.memref_slice %arg7[%dma_wait3A_365, %dma_wait3A_370] : memref<8x128xi32, #tpu.memory_space<vmem>> -> memref<1x128xi32, #tpu.memory_space<vmem>>
    %dma_wait3A_372 = tpu.memref_squeeze %dma_wait3A_371 : memref<1x128xi32, #tpu.memory_space<vmem>> -> memref<128xi32, #tpu.memory_space<vmem>>
    %dma_wait3A_373 = arith.constant 0 : i32
    %dma_wait3A_374 = arith.constant 0 : i32
    %dma_wait3A_375 = tpu.memref_slice %arg4[%dma_wait3A_373, %dma_wait3A_374] : memref<16512x64xf32, #tpu.memory_space<hbm>> -> memref<16512x64xf32, #tpu.memory_space<hbm>>
    tpu.wait_indirect_dma semaphore(%arg9 : memref<!tpu.dma_semaphore, #tpu.memory_space<semaphore_mem>>) src(%dma_wait3A_369 : memref<128x64xf32, #tpu.memory_space<vmem>>) dst(%dma_wait3A_375 : memref<16512x64xf32, #tpu.memory_space<hbm>>)
    return
  }
}

#map = affine_map<(d0, d1) -> (0, 0)>
module attributes {stable_mosaic.version = 14 : i64} {
  func.func @_stage_a_body(%arg0: i32, %arg1: i32, %arg2: memref<64x1000001xf32, #tpu.memory_space<hbm>>, %arg3: memref<64x128xf32, #tpu.memory_space<hbm>>, %arg4: memref<128x128xi32, #tpu.memory_space<hbm>>, %arg5: memref<24576x128xf32, #tpu.memory_space<hbm>>, %arg6: memref<256x128xi32, #tpu.memory_space<hbm>>, %arg7: memref<128x128xi32, #tpu.memory_space<vmem>>, %arg8: memref<800xi32, #tpu.memory_space<vmem>>, %arg9: memref<800xi32, #tpu.memory_space<vmem>>, %arg10: memref<2x64x512xf32, #tpu.memory_space<vmem>>, %arg11: memref<256x128xf32, #tpu.memory_space<vmem>>, %arg12: memref<8x128xi32, #tpu.memory_space<vmem>>, %arg13: memref<32xi32, #tpu.memory_space<vmem>>, %arg14: memref<32xi32, #tpu.memory_space<vmem>>, %arg15: memref<!tpu.dma_semaphore, #tpu.memory_space<semaphore_mem>>) attributes {dimension_semantics = [#tpu.dimension_semantics<core_parallel>, #tpu.dimension_semantics<subcore_parallel>], iteration_bounds = array<i64: 2, 16>, scalar_prefetch = 0 : i64, scratch_operands = 9 : i64, tpu.core_type = #tpu.core_type<sc_vector_subcore>, window_params = [{transform_indices = #map}, {transform_indices = #map}, {transform_indices = #map}, {transform_indices = #map}, {transform_indices = #map}]} {
    %mul3A = arith.constant 2 : i32
    %mul3A_0 = arith.muli %arg1, %mul3A : i32
    %add3A = arith.addi %mul3A_0, %arg0 : i32
    %iota3A = tpu.iota {dimensions = array<i32: 0>} : vector<16xi32>
    %eq3A = arith.constant 0 : i32
    %eq3A_1 = vector.broadcast %eq3A : i32 to vector<16xi32>
    %eq3A_2 = arith.cmpi eq, %iota3A, %eq3A_1 : vector<16xi32>
    %broadcast_in_dim3A = arith.constant -1 : i32
    %broadcast_in_dim3A_3 = vector.broadcast %broadcast_in_dim3A : i32 to vector<16xi32>
    %swap3A = arith.constant 0 : index
    %swap3A_4 = tpu.vector_load %arg8[%swap3A] {strides = array<i32>} : memref<800xi32, #tpu.memory_space<vmem>>, vector<16xi32>,
    tpu.vector_store %arg8[%swap3A], %broadcast_in_dim3A_3 {strides = array<i32>} : memref<800xi32, #tpu.memory_space<vmem>>, vector<16xi32>,
    %swap3A_5 = arith.constant 16 : index
    %swap3A_6 = tpu.vector_load %arg8[%swap3A_5] {strides = array<i32>} : memref<800xi32, #tpu.memory_space<vmem>>, vector<16xi32>,
    tpu.vector_store %arg8[%swap3A_5], %broadcast_in_dim3A_3 {strides = array<i32>} : memref<800xi32, #tpu.memory_space<vmem>>, vector<16xi32>,
    %swap3A_7 = arith.constant 32 : index
    %swap3A_8 = tpu.vector_load %arg8[%swap3A_7] {strides = array<i32>} : memref<800xi32, #tpu.memory_space<vmem>>, vector<16xi32>,
    tpu.vector_store %arg8[%swap3A_7], %broadcast_in_dim3A_3 {strides = array<i32>} : memref<800xi32, #tpu.memory_space<vmem>>, vector<16xi32>,
    %swap3A_9 = arith.constant 48 : index
    %swap3A_10 = tpu.vector_load %arg8[%swap3A_9] {strides = array<i32>} : memref<800xi32, #tpu.memory_space<vmem>>, vector<16xi32>,
    tpu.vector_store %arg8[%swap3A_9], %broadcast_in_dim3A_3 {strides = array<i32>} : memref<800xi32, #tpu.memory_space<vmem>>, vector<16xi32>,
    %swap3A_11 = arith.constant 64 : index
    %swap3A_12 = tpu.vector_load %arg8[%swap3A_11] {strides = array<i32>} : memref<800xi32, #tpu.memory_space<vmem>>, vector<16xi32>,
    tpu.vector_store %arg8[%swap3A_11], %broadcast_in_dim3A_3 {strides = array<i32>} : memref<800xi32, #tpu.memory_space<vmem>>, vector<16xi32>,
    %swap3A_13 = arith.constant 80 : index
    %swap3A_14 = tpu.vector_load %arg8[%swap3A_13] {strides = array<i32>} : memref<800xi32, #tpu.memory_space<vmem>>, vector<16xi32>,
    tpu.vector_store %arg8[%swap3A_13], %broadcast_in_dim3A_3 {strides = array<i32>} : memref<800xi32, #tpu.memory_space<vmem>>, vector<16xi32>,
    %swap3A_15 = arith.constant 96 : index
    %swap3A_16 = tpu.vector_load %arg8[%swap3A_15] {strides = array<i32>} : memref<800xi32, #tpu.memory_space<vmem>>, vector<16xi32>,
    tpu.vector_store %arg8[%swap3A_15], %broadcast_in_dim3A_3 {strides = array<i32>} : memref<800xi32, #tpu.memory_space<vmem>>, vector<16xi32>,
    %swap3A_17 = arith.constant 112 : index
    %swap3A_18 = tpu.vector_load %arg8[%swap3A_17] {strides = array<i32>} : memref<800xi32, #tpu.memory_space<vmem>>, vector<16xi32>,
    tpu.vector_store %arg8[%swap3A_17], %broadcast_in_dim3A_3 {strides = array<i32>} : memref<800xi32, #tpu.memory_space<vmem>>, vector<16xi32>,
    %swap3A_19 = arith.constant 128 : index
    %swap3A_20 = tpu.vector_load %arg8[%swap3A_19] {strides = array<i32>} : memref<800xi32, #tpu.memory_space<vmem>>, vector<16xi32>,
    tpu.vector_store %arg8[%swap3A_19], %broadcast_in_dim3A_3 {strides = array<i32>} : memref<800xi32, #tpu.memory_space<vmem>>, vector<16xi32>,
    %swap3A_21 = arith.constant 144 : index
    %swap3A_22 = tpu.vector_load %arg8[%swap3A_21] {strides = array<i32>} : memref<800xi32, #tpu.memory_space<vmem>>, vector<16xi32>,
    tpu.vector_store %arg8[%swap3A_21], %broadcast_in_dim3A_3 {strides = array<i32>} : memref<800xi32, #tpu.memory_space<vmem>>, vector<16xi32>,
    %swap3A_23 = arith.constant 160 : index
    %swap3A_24 = tpu.vector_load %arg8[%swap3A_23] {strides = array<i32>} : memref<800xi32, #tpu.memory_space<vmem>>, vector<16xi32>,
    tpu.vector_store %arg8[%swap3A_23], %broadcast_in_dim3A_3 {strides = array<i32>} : memref<800xi32, #tpu.memory_space<vmem>>, vector<16xi32>,
    %swap3A_25 = arith.constant 176 : index
    %swap3A_26 = tpu.vector_load %arg8[%swap3A_25] {strides = array<i32>} : memref<800xi32, #tpu.memory_space<vmem>>, vector<16xi32>,
    tpu.vector_store %arg8[%swap3A_25], %broadcast_in_dim3A_3 {strides = array<i32>} : memref<800xi32, #tpu.memory_space<vmem>>, vector<16xi32>,
    %swap3A_27 = arith.constant 192 : index
    %swap3A_28 = tpu.vector_load %arg8[%swap3A_27] {strides = array<i32>} : memref<800xi32, #tpu.memory_space<vmem>>, vector<16xi32>,
    tpu.vector_store %arg8[%swap3A_27], %broadcast_in_dim3A_3 {strides = array<i32>} : memref<800xi32, #tpu.memory_space<vmem>>, vector<16xi32>,
    %swap3A_29 = arith.constant 208 : index
    %swap3A_30 = tpu.vector_load %arg8[%swap3A_29] {strides = array<i32>} : memref<800xi32, #tpu.memory_space<vmem>>, vector<16xi32>,
    tpu.vector_store %arg8[%swap3A_29], %broadcast_in_dim3A_3 {strides = array<i32>} : memref<800xi32, #tpu.memory_space<vmem>>, vector<16xi32>,
    %swap3A_31 = arith.constant 224 : index
    %swap3A_32 = tpu.vector_load %arg8[%swap3A_31] {strides = array<i32>} : memref<800xi32, #tpu.memory_space<vmem>>, vector<16xi32>,
    tpu.vector_store %arg8[%swap3A_31], %broadcast_in_dim3A_3 {strides = array<i32>} : memref<800xi32, #tpu.memory_space<vmem>>, vector<16xi32>,
    %swap3A_33 = arith.constant 240 : index
    %swap3A_34 = tpu.vector_load %arg8[%swap3A_33] {strides = array<i32>} : memref<800xi32, #tpu.memory_space<vmem>>, vector<16xi32>,
    tpu.vector_store %arg8[%swap3A_33], %broadcast_in_dim3A_3 {strides = array<i32>} : memref<800xi32, #tpu.memory_space<vmem>>, vector<16xi32>,
    %swap3A_35 = arith.constant 256 : index
    %swap3A_36 = tpu.vector_load %arg8[%swap3A_35] {strides = array<i32>} : memref<800xi32, #tpu.memory_space<vmem>>, vector<16xi32>,
    tpu.vector_store %arg8[%swap3A_35], %broadcast_in_dim3A_3 {strides = array<i32>} : memref<800xi32, #tpu.memory_space<vmem>>, vector<16xi32>,
    %swap3A_37 = arith.constant 272 : index
    %swap3A_38 = tpu.vector_load %arg8[%swap3A_37] {strides = array<i32>} : memref<800xi32, #tpu.memory_space<vmem>>, vector<16xi32>,
    tpu.vector_store %arg8[%swap3A_37], %broadcast_in_dim3A_3 {strides = array<i32>} : memref<800xi32, #tpu.memory_space<vmem>>, vector<16xi32>,
    %swap3A_39 = arith.constant 288 : index
    %swap3A_40 = tpu.vector_load %arg8[%swap3A_39] {strides = array<i32>} : memref<800xi32, #tpu.memory_space<vmem>>, vector<16xi32>,
    tpu.vector_store %arg8[%swap3A_39], %broadcast_in_dim3A_3 {strides = array<i32>} : memref<800xi32, #tpu.memory_space<vmem>>, vector<16xi32>,
    %swap3A_41 = arith.constant 304 : index
    %swap3A_42 = tpu.vector_load %arg8[%swap3A_41] {strides = array<i32>} : memref<800xi32, #tpu.memory_space<vmem>>, vector<16xi32>,
    tpu.vector_store %arg8[%swap3A_41], %broadcast_in_dim3A_3 {strides = array<i32>} : memref<800xi32, #tpu.memory_space<vmem>>, vector<16xi32>,
    %swap3A_43 = arith.constant 320 : index
    %swap3A_44 = tpu.vector_load %arg8[%swap3A_43] {strides = array<i32>} : memref<800xi32, #tpu.memory_space<vmem>>, vector<16xi32>,
    tpu.vector_store %arg8[%swap3A_43], %broadcast_in_dim3A_3 {strides = array<i32>} : memref<800xi32, #tpu.memory_space<vmem>>, vector<16xi32>,
    %swap3A_45 = arith.constant 336 : index
    %swap3A_46 = tpu.vector_load %arg8[%swap3A_45] {strides = array<i32>} : memref<800xi32, #tpu.memory_space<vmem>>, vector<16xi32>,
    tpu.vector_store %arg8[%swap3A_45], %broadcast_in_dim3A_3 {strides = array<i32>} : memref<800xi32, #tpu.memory_space<vmem>>, vector<16xi32>,
    %swap3A_47 = arith.constant 352 : index
    %swap3A_48 = tpu.vector_load %arg8[%swap3A_47] {strides = array<i32>} : memref<800xi32, #tpu.memory_space<vmem>>, vector<16xi32>,
    tpu.vector_store %arg8[%swap3A_47], %broadcast_in_dim3A_3 {strides = array<i32>} : memref<800xi32, #tpu.memory_space<vmem>>, vector<16xi32>,
    %swap3A_49 = arith.constant 368 : index
    %swap3A_50 = tpu.vector_load %arg8[%swap3A_49] {strides = array<i32>} : memref<800xi32, #tpu.memory_space<vmem>>, vector<16xi32>,
    tpu.vector_store %arg8[%swap3A_49], %broadcast_in_dim3A_3 {strides = array<i32>} : memref<800xi32, #tpu.memory_space<vmem>>, vector<16xi32>,
    %swap3A_51 = arith.constant 384 : index
    %swap3A_52 = tpu.vector_load %arg8[%swap3A_51] {strides = array<i32>} : memref<800xi32, #tpu.memory_space<vmem>>, vector<16xi32>,
    tpu.vector_store %arg8[%swap3A_51], %broadcast_in_dim3A_3 {strides = array<i32>} : memref<800xi32, #tpu.memory_space<vmem>>, vector<16xi32>,
    %swap3A_53 = arith.constant 400 : index
    %swap3A_54 = tpu.vector_load %arg8[%swap3A_53] {strides = array<i32>} : memref<800xi32, #tpu.memory_space<vmem>>, vector<16xi32>,
    tpu.vector_store %arg8[%swap3A_53], %broadcast_in_dim3A_3 {strides = array<i32>} : memref<800xi32, #tpu.memory_space<vmem>>, vector<16xi32>,
    %swap3A_55 = arith.constant 416 : index
    %swap3A_56 = tpu.vector_load %arg8[%swap3A_55] {strides = array<i32>} : memref<800xi32, #tpu.memory_space<vmem>>, vector<16xi32>,
    tpu.vector_store %arg8[%swap3A_55], %broadcast_in_dim3A_3 {strides = array<i32>} : memref<800xi32, #tpu.memory_space<vmem>>, vector<16xi32>,
    %swap3A_57 = arith.constant 432 : index
    %swap3A_58 = tpu.vector_load %arg8[%swap3A_57] {strides = array<i32>} : memref<800xi32, #tpu.memory_space<vmem>>, vector<16xi32>,
    tpu.vector_store %arg8[%swap3A_57], %broadcast_in_dim3A_3 {strides = array<i32>} : memref<800xi32, #tpu.memory_space<vmem>>, vector<16xi32>,
    %swap3A_59 = arith.constant 448 : index
    %swap3A_60 = tpu.vector_load %arg8[%swap3A_59] {strides = array<i32>} : memref<800xi32, #tpu.memory_space<vmem>>, vector<16xi32>,
    tpu.vector_store %arg8[%swap3A_59], %broadcast_in_dim3A_3 {strides = array<i32>} : memref<800xi32, #tpu.memory_space<vmem>>, vector<16xi32>,
    %swap3A_61 = arith.constant 464 : index
    %swap3A_62 = tpu.vector_load %arg8[%swap3A_61] {strides = array<i32>} : memref<800xi32, #tpu.memory_space<vmem>>, vector<16xi32>,
    tpu.vector_store %arg8[%swap3A_61], %broadcast_in_dim3A_3 {strides = array<i32>} : memref<800xi32, #tpu.memory_space<vmem>>, vector<16xi32>,
    %swap3A_63 = arith.constant 480 : index
    %swap3A_64 = tpu.vector_load %arg8[%swap3A_63] {strides = array<i32>} : memref<800xi32, #tpu.memory_space<vmem>>, vector<16xi32>,
    tpu.vector_store %arg8[%swap3A_63], %broadcast_in_dim3A_3 {strides = array<i32>} : memref<800xi32, #tpu.memory_space<vmem>>, vector<16xi32>,
    %swap3A_65 = arith.constant 496 : index
    %swap3A_66 = tpu.vector_load %arg8[%swap3A_65] {strides = array<i32>} : memref<800xi32, #tpu.memory_space<vmem>>, vector<16xi32>,
    tpu.vector_store %arg8[%swap3A_65], %broadcast_in_dim3A_3 {strides = array<i32>} : memref<800xi32, #tpu.memory_space<vmem>>, vector<16xi32>,
    %swap3A_67 = arith.constant 512 : index
    %swap3A_68 = tpu.vector_load %arg8[%swap3A_67] {strides = array<i32>} : memref<800xi32, #tpu.memory_space<vmem>>, vector<16xi32>,
    tpu.vector_store %arg8[%swap3A_67], %broadcast_in_dim3A_3 {strides = array<i32>} : memref<800xi32, #tpu.memory_space<vmem>>, vector<16xi32>,
    %swap3A_69 = arith.constant 528 : index
    %swap3A_70 = tpu.vector_load %arg8[%swap3A_69] {strides = array<i32>} : memref<800xi32, #tpu.memory_space<vmem>>, vector<16xi32>,
    tpu.vector_store %arg8[%swap3A_69], %broadcast_in_dim3A_3 {strides = array<i32>} : memref<800xi32, #tpu.memory_space<vmem>>, vector<16xi32>,
    %swap3A_71 = arith.constant 544 : index
    %swap3A_72 = tpu.vector_load %arg8[%swap3A_71] {strides = array<i32>} : memref<800xi32, #tpu.memory_space<vmem>>, vector<16xi32>,
    tpu.vector_store %arg8[%swap3A_71], %broadcast_in_dim3A_3 {strides = array<i32>} : memref<800xi32, #tpu.memory_space<vmem>>, vector<16xi32>,
    %swap3A_73 = arith.constant 560 : index
    %swap3A_74 = tpu.vector_load %arg8[%swap3A_73] {strides = array<i32>} : memref<800xi32, #tpu.memory_space<vmem>>, vector<16xi32>,
    tpu.vector_store %arg8[%swap3A_73], %broadcast_in_dim3A_3 {strides = array<i32>} : memref<800xi32, #tpu.memory_space<vmem>>, vector<16xi32>,
    %swap3A_75 = arith.constant 576 : index
    %swap3A_76 = tpu.vector_load %arg8[%swap3A_75] {strides = array<i32>} : memref<800xi32, #tpu.memory_space<vmem>>, vector<16xi32>,
    tpu.vector_store %arg8[%swap3A_75], %broadcast_in_dim3A_3 {strides = array<i32>} : memref<800xi32, #tpu.memory_space<vmem>>, vector<16xi32>,
    %swap3A_77 = arith.constant 592 : index
    %swap3A_78 = tpu.vector_load %arg8[%swap3A_77] {strides = array<i32>} : memref<800xi32, #tpu.memory_space<vmem>>, vector<16xi32>,
    tpu.vector_store %arg8[%swap3A_77], %broadcast_in_dim3A_3 {strides = array<i32>} : memref<800xi32, #tpu.memory_space<vmem>>, vector<16xi32>,
    %swap3A_79 = arith.constant 608 : index
    %swap3A_80 = tpu.vector_load %arg8[%swap3A_79] {strides = array<i32>} : memref<800xi32, #tpu.memory_space<vmem>>, vector<16xi32>,
    tpu.vector_store %arg8[%swap3A_79], %broadcast_in_dim3A_3 {strides = array<i32>} : memref<800xi32, #tpu.memory_space<vmem>>, vector<16xi32>,
    %swap3A_81 = arith.constant 624 : index
    %swap3A_82 = tpu.vector_load %arg8[%swap3A_81] {strides = array<i32>} : memref<800xi32, #tpu.memory_space<vmem>>, vector<16xi32>,
    tpu.vector_store %arg8[%swap3A_81], %broadcast_in_dim3A_3 {strides = array<i32>} : memref<800xi32, #tpu.memory_space<vmem>>, vector<16xi32>,
    %swap3A_83 = arith.constant 640 : index
    %swap3A_84 = tpu.vector_load %arg8[%swap3A_83] {strides = array<i32>} : memref<800xi32, #tpu.memory_space<vmem>>, vector<16xi32>,
    tpu.vector_store %arg8[%swap3A_83], %broadcast_in_dim3A_3 {strides = array<i32>} : memref<800xi32, #tpu.memory_space<vmem>>, vector<16xi32>,
    %swap3A_85 = arith.constant 656 : index
    %swap3A_86 = tpu.vector_load %arg8[%swap3A_85] {strides = array<i32>} : memref<800xi32, #tpu.memory_space<vmem>>, vector<16xi32>,
    tpu.vector_store %arg8[%swap3A_85], %broadcast_in_dim3A_3 {strides = array<i32>} : memref<800xi32, #tpu.memory_space<vmem>>, vector<16xi32>,
    %swap3A_87 = arith.constant 672 : index
    %swap3A_88 = tpu.vector_load %arg8[%swap3A_87] {strides = array<i32>} : memref<800xi32, #tpu.memory_space<vmem>>, vector<16xi32>,
    tpu.vector_store %arg8[%swap3A_87], %broadcast_in_dim3A_3 {strides = array<i32>} : memref<800xi32, #tpu.memory_space<vmem>>, vector<16xi32>,
    %swap3A_89 = arith.constant 688 : index
    %swap3A_90 = tpu.vector_load %arg8[%swap3A_89] {strides = array<i32>} : memref<800xi32, #tpu.memory_space<vmem>>, vector<16xi32>,
    tpu.vector_store %arg8[%swap3A_89], %broadcast_in_dim3A_3 {strides = array<i32>} : memref<800xi32, #tpu.memory_space<vmem>>, vector<16xi32>,
    %swap3A_91 = arith.constant 704 : index
    %swap3A_92 = tpu.vector_load %arg8[%swap3A_91] {strides = array<i32>} : memref<800xi32, #tpu.memory_space<vmem>>, vector<16xi32>,
    tpu.vector_store %arg8[%swap3A_91], %broadcast_in_dim3A_3 {strides = array<i32>} : memref<800xi32, #tpu.memory_space<vmem>>, vector<16xi32>,
    %swap3A_93 = arith.constant 720 : index
    %swap3A_94 = tpu.vector_load %arg8[%swap3A_93] {strides = array<i32>} : memref<800xi32, #tpu.memory_space<vmem>>, vector<16xi32>,
    tpu.vector_store %arg8[%swap3A_93], %broadcast_in_dim3A_3 {strides = array<i32>} : memref<800xi32, #tpu.memory_space<vmem>>, vector<16xi32>,
    %swap3A_95 = arith.constant 736 : index
    %swap3A_96 = tpu.vector_load %arg8[%swap3A_95] {strides = array<i32>} : memref<800xi32, #tpu.memory_space<vmem>>, vector<16xi32>,
    tpu.vector_store %arg8[%swap3A_95], %broadcast_in_dim3A_3 {strides = array<i32>} : memref<800xi32, #tpu.memory_space<vmem>>, vector<16xi32>,
    %swap3A_97 = arith.constant 752 : index
    %swap3A_98 = tpu.vector_load %arg8[%swap3A_97] {strides = array<i32>} : memref<800xi32, #tpu.memory_space<vmem>>, vector<16xi32>,
    tpu.vector_store %arg8[%swap3A_97], %broadcast_in_dim3A_3 {strides = array<i32>} : memref<800xi32, #tpu.memory_space<vmem>>, vector<16xi32>,
    %swap3A_99 = arith.constant 768 : index
    %swap3A_100 = tpu.vector_load %arg8[%swap3A_99] {strides = array<i32>} : memref<800xi32, #tpu.memory_space<vmem>>, vector<16xi32>,
    tpu.vector_store %arg8[%swap3A_99], %broadcast_in_dim3A_3 {strides = array<i32>} : memref<800xi32, #tpu.memory_space<vmem>>, vector<16xi32>,
    %swap3A_101 = arith.constant 784 : index
    %swap3A_102 = tpu.vector_load %arg8[%swap3A_101] {strides = array<i32>} : memref<800xi32, #tpu.memory_space<vmem>>, vector<16xi32>,
    tpu.vector_store %arg8[%swap3A_101], %broadcast_in_dim3A_3 {strides = array<i32>} : memref<800xi32, #tpu.memory_space<vmem>>, vector<16xi32>,
    %add3A_103 = arith.constant 16384 : i32
    %add3A_104 = vector.broadcast %add3A_103 : i32 to vector<16xi32>
    %add3A_105 = arith.addi %add3A_104, %iota3A : vector<16xi32>
    %swap3A_106 = arith.constant 0 : i32
    %swap3A_107 = arith.index_cast %swap3A_106 : i32 to index
    %swap3A_108 = arith.constant 0 : index
    %swap3A_109 = tpu.vector_load %arg12[%swap3A_107, %swap3A_108] {strides = array<i32>} : memref<8x128xi32, #tpu.memory_space<vmem>>, vector<16xi32>,
    tpu.vector_store %arg12[%swap3A_107, %swap3A_108], %add3A_105 {strides = array<i32>} : memref<8x128xi32, #tpu.memory_space<vmem>>, vector<16xi32>,
    %add3A_110 = arith.constant 16400 : i32
    %add3A_111 = vector.broadcast %add3A_110 : i32 to vector<16xi32>
    %add3A_112 = arith.addi %add3A_111, %iota3A : vector<16xi32>
    %swap3A_113 = arith.constant 0 : i32
    %swap3A_114 = arith.index_cast %swap3A_113 : i32 to index
    %swap3A_115 = arith.constant 16 : index
    %swap3A_116 = tpu.vector_load %arg12[%swap3A_114, %swap3A_115] {strides = array<i32>} : memref<8x128xi32, #tpu.memory_space<vmem>>, vector<16xi32>,
    tpu.vector_store %arg12[%swap3A_114, %swap3A_115], %add3A_112 {strides = array<i32>} : memref<8x128xi32, #tpu.memory_space<vmem>>, vector<16xi32>,
    %add3A_117 = arith.constant 16416 : i32
    %add3A_118 = vector.broadcast %add3A_117 : i32 to vector<16xi32>
    %add3A_119 = arith.addi %add3A_118, %iota3A : vector<16xi32>
    %swap3A_120 = arith.constant 0 : i32
    %swap3A_121 = arith.index_cast %swap3A_120 : i32 to index
    %swap3A_122 = arith.constant 32 : index
    %swap3A_123 = tpu.vector_load %arg12[%swap3A_121, %swap3A_122] {strides = array<i32>} : memref<8x128xi32, #tpu.memory_space<vmem>>, vector<16xi32>,
    tpu.vector_store %arg12[%swap3A_121, %swap3A_122], %add3A_119 {strides = array<i32>} : memref<8x128xi32, #tpu.memory_space<vmem>>, vector<16xi32>,
    %add3A_124 = arith.constant 16432 : i32
    %add3A_125 = vector.broadcast %add3A_124 : i32 to vector<16xi32>
    %add3A_126 = arith.addi %add3A_125, %iota3A : vector<16xi32>
    %swap3A_127 = arith.constant 0 : i32
    %swap3A_128 = arith.index_cast %swap3A_127 : i32 to index
    %swap3A_129 = arith.constant 48 : index
    %swap3A_130 = tpu.vector_load %arg12[%swap3A_128, %swap3A_129] {strides = array<i32>} : memref<8x128xi32, #tpu.memory_space<vmem>>, vector<16xi32>,
    tpu.vector_store %arg12[%swap3A_128, %swap3A_129], %add3A_126 {strides = array<i32>} : memref<8x128xi32, #tpu.memory_space<vmem>>, vector<16xi32>,
    %add3A_131 = arith.constant 16448 : i32
    %add3A_132 = vector.broadcast %add3A_131 : i32 to vector<16xi32>
    %add3A_133 = arith.addi %add3A_132, %iota3A : vector<16xi32>
    %swap3A_134 = arith.constant 0 : i32
    %swap3A_135 = arith.index_cast %swap3A_134 : i32 to index
    %swap3A_136 = arith.constant 64 : index
    %swap3A_137 = tpu.vector_load %arg12[%swap3A_135, %swap3A_136] {strides = array<i32>} : memref<8x128xi32, #tpu.memory_space<vmem>>, vector<16xi32>,
    tpu.vector_store %arg12[%swap3A_135, %swap3A_136], %add3A_133 {strides = array<i32>} : memref<8x128xi32, #tpu.memory_space<vmem>>, vector<16xi32>,
    %add3A_138 = arith.constant 16464 : i32
    %add3A_139 = vector.broadcast %add3A_138 : i32 to vector<16xi32>
    %add3A_140 = arith.addi %add3A_139, %iota3A : vector<16xi32>
    %swap3A_141 = arith.constant 0 : i32
    %swap3A_142 = arith.index_cast %swap3A_141 : i32 to index
    %swap3A_143 = arith.constant 80 : index
    %swap3A_144 = tpu.vector_load %arg12[%swap3A_142, %swap3A_143] {strides = array<i32>} : memref<8x128xi32, #tpu.memory_space<vmem>>, vector<16xi32>,
    tpu.vector_store %arg12[%swap3A_142, %swap3A_143], %add3A_140 {strides = array<i32>} : memref<8x128xi32, #tpu.memory_space<vmem>>, vector<16xi32>,
    %add3A_145 = arith.constant 16480 : i32
    %add3A_146 = vector.broadcast %add3A_145 : i32 to vector<16xi32>
    %add3A_147 = arith.addi %add3A_146, %iota3A : vector<16xi32>
    %swap3A_148 = arith.constant 0 : i32
    %swap3A_149 = arith.index_cast %swap3A_148 : i32 to index
    %swap3A_150 = arith.constant 96 : index
    %swap3A_151 = tpu.vector_load %arg12[%swap3A_149, %swap3A_150] {strides = array<i32>} : memref<8x128xi32, #tpu.memory_space<vmem>>, vector<16xi32>,
    tpu.vector_store %arg12[%swap3A_149, %swap3A_150], %add3A_147 {strides = array<i32>} : memref<8x128xi32, #tpu.memory_space<vmem>>, vector<16xi32>,
    %add3A_152 = arith.constant 16496 : i32
    %add3A_153 = vector.broadcast %add3A_152 : i32 to vector<16xi32>
    %add3A_154 = arith.addi %add3A_153, %iota3A : vector<16xi32>
    %swap3A_155 = arith.constant 0 : i32
    %swap3A_156 = arith.index_cast %swap3A_155 : i32 to index
    %swap3A_157 = arith.constant 112 : index
    %swap3A_158 = tpu.vector_load %arg12[%swap3A_156, %swap3A_157] {strides = array<i32>} : memref<8x128xi32, #tpu.memory_space<vmem>>, vector<16xi32>,
    tpu.vector_store %arg12[%swap3A_156, %swap3A_157], %add3A_154 {strides = array<i32>} : memref<8x128xi32, #tpu.memory_space<vmem>>, vector<16xi32>,
    %add3A_159 = arith.constant 16384 : i32
    %add3A_160 = vector.broadcast %add3A_159 : i32 to vector<16xi32>
    %add3A_161 = arith.addi %add3A_160, %iota3A : vector<16xi32>
    %swap3A_162 = arith.constant 1 : i32
    %swap3A_163 = arith.index_cast %swap3A_162 : i32 to index
    %swap3A_164 = arith.constant 0 : index
    %swap3A_165 = tpu.vector_load %arg12[%swap3A_163, %swap3A_164] {strides = array<i32>} : memref<8x128xi32, #tpu.memory_space<vmem>>, vector<16xi32>,
    tpu.vector_store %arg12[%swap3A_163, %swap3A_164], %add3A_161 {strides = array<i32>} : memref<8x128xi32, #tpu.memory_space<vmem>>, vector<16xi32>,
    %add3A_166 = arith.constant 16400 : i32
    %add3A_167 = vector.broadcast %add3A_166 : i32 to vector<16xi32>
    %add3A_168 = arith.addi %add3A_167, %iota3A : vector<16xi32>
    %swap3A_169 = arith.constant 1 : i32
    %swap3A_170 = arith.index_cast %swap3A_169 : i32 to index
    %swap3A_171 = arith.constant 16 : index
    %swap3A_172 = tpu.vector_load %arg12[%swap3A_170, %swap3A_171] {strides = array<i32>} : memref<8x128xi32, #tpu.memory_space<vmem>>, vector<16xi32>,
    tpu.vector_store %arg12[%swap3A_170, %swap3A_171], %add3A_168 {strides = array<i32>} : memref<8x128xi32, #tpu.memory_space<vmem>>, vector<16xi32>,
    %add3A_173 = arith.constant 16416 : i32
    %add3A_174 = vector.broadcast %add3A_173 : i32 to vector<16xi32>
    %add3A_175 = arith.addi %add3A_174, %iota3A : vector<16xi32>
    %swap3A_176 = arith.constant 1 : i32
    %swap3A_177 = arith.index_cast %swap3A_176 : i32 to index
    %swap3A_178 = arith.constant 32 : index
    %swap3A_179 = tpu.vector_load %arg12[%swap3A_177, %swap3A_178] {strides = array<i32>} : memref<8x128xi32, #tpu.memory_space<vmem>>, vector<16xi32>,
    tpu.vector_store %arg12[%swap3A_177, %swap3A_178], %add3A_175 {strides = array<i32>} : memref<8x128xi32, #tpu.memory_space<vmem>>, vector<16xi32>,
    %add3A_180 = arith.constant 16432 : i32
    %add3A_181 = vector.broadcast %add3A_180 : i32 to vector<16xi32>
    %add3A_182 = arith.addi %add3A_181, %iota3A : vector<16xi32>
    %swap3A_183 = arith.constant 1 : i32
    %swap3A_184 = arith.index_cast %swap3A_183 : i32 to index
    %swap3A_185 = arith.constant 48 : index
    %swap3A_186 = tpu.vector_load %arg12[%swap3A_184, %swap3A_185] {strides = array<i32>} : memref<8x128xi32, #tpu.memory_space<vmem>>, vector<16xi32>,
    tpu.vector_store %arg12[%swap3A_184, %swap3A_185], %add3A_182 {strides = array<i32>} : memref<8x128xi32, #tpu.memory_space<vmem>>, vector<16xi32>,
    %add3A_187 = arith.constant 16448 : i32
    %add3A_188 = vector.broadcast %add3A_187 : i32 to vector<16xi32>
    %add3A_189 = arith.addi %add3A_188, %iota3A : vector<16xi32>
    %swap3A_190 = arith.constant 1 : i32
    %swap3A_191 = arith.index_cast %swap3A_190 : i32 to index
    %swap3A_192 = arith.constant 64 : index
    %swap3A_193 = tpu.vector_load %arg12[%swap3A_191, %swap3A_192] {strides = array<i32>} : memref<8x128xi32, #tpu.memory_space<vmem>>, vector<16xi32>,
    tpu.vector_store %arg12[%swap3A_191, %swap3A_192], %add3A_189 {strides = array<i32>} : memref<8x128xi32, #tpu.memory_space<vmem>>, vector<16xi32>,
    %add3A_194 = arith.constant 16464 : i32
    %add3A_195 = vector.broadcast %add3A_194 : i32 to vector<16xi32>
    %add3A_196 = arith.addi %add3A_195, %iota3A : vector<16xi32>
    %swap3A_197 = arith.constant 1 : i32
    %swap3A_198 = arith.index_cast %swap3A_197 : i32 to index
    %swap3A_199 = arith.constant 80 : index
    %swap3A_200 = tpu.vector_load %arg12[%swap3A_198, %swap3A_199] {strides = array<i32>} : memref<8x128xi32, #tpu.memory_space<vmem>>, vector<16xi32>,
    tpu.vector_store %arg12[%swap3A_198, %swap3A_199], %add3A_196 {strides = array<i32>} : memref<8x128xi32, #tpu.memory_space<vmem>>, vector<16xi32>,
    %add3A_201 = arith.constant 16480 : i32
    %add3A_202 = vector.broadcast %add3A_201 : i32 to vector<16xi32>
    %add3A_203 = arith.addi %add3A_202, %iota3A : vector<16xi32>
    %swap3A_204 = arith.constant 1 : i32
    %swap3A_205 = arith.index_cast %swap3A_204 : i32 to index
    %swap3A_206 = arith.constant 96 : index
    %swap3A_207 = tpu.vector_load %arg12[%swap3A_205, %swap3A_206] {strides = array<i32>} : memref<8x128xi32, #tpu.memory_space<vmem>>, vector<16xi32>,
    tpu.vector_store %arg12[%swap3A_205, %swap3A_206], %add3A_203 {strides = array<i32>} : memref<8x128xi32, #tpu.memory_space<vmem>>, vector<16xi32>,
    %add3A_208 = arith.constant 16496 : i32
    %add3A_209 = vector.broadcast %add3A_208 : i32 to vector<16xi32>
    %add3A_210 = arith.addi %add3A_209, %iota3A : vector<16xi32>
    %swap3A_211 = arith.constant 1 : i32
    %swap3A_212 = arith.index_cast %swap3A_211 : i32 to index
    %swap3A_213 = arith.constant 112 : index
    %swap3A_214 = tpu.vector_load %arg12[%swap3A_212, %swap3A_213] {strides = array<i32>} : memref<8x128xi32, #tpu.memory_space<vmem>>, vector<16xi32>,
    tpu.vector_store %arg12[%swap3A_212, %swap3A_213], %add3A_210 {strides = array<i32>} : memref<8x128xi32, #tpu.memory_space<vmem>>, vector<16xi32>,
    %add3A_215 = arith.constant 16384 : i32
    %add3A_216 = vector.broadcast %add3A_215 : i32 to vector<16xi32>
    %add3A_217 = arith.addi %add3A_216, %iota3A : vector<16xi32>
    %swap3A_218 = arith.constant 2 : i32
    %swap3A_219 = arith.index_cast %swap3A_218 : i32 to index
    %swap3A_220 = arith.constant 0 : index
    %swap3A_221 = tpu.vector_load %arg12[%swap3A_219, %swap3A_220] {strides = array<i32>} : memref<8x128xi32, #tpu.memory_space<vmem>>, vector<16xi32>,
    tpu.vector_store %arg12[%swap3A_219, %swap3A_220], %add3A_217 {strides = array<i32>} : memref<8x128xi32, #tpu.memory_space<vmem>>, vector<16xi32>,
    %add3A_222 = arith.constant 16400 : i32
    %add3A_223 = vector.broadcast %add3A_222 : i32 to vector<16xi32>
    %add3A_224 = arith.addi %add3A_223, %iota3A : vector<16xi32>
    %swap3A_225 = arith.constant 2 : i32
    %swap3A_226 = arith.index_cast %swap3A_225 : i32 to index
    %swap3A_227 = arith.constant 16 : index
    %swap3A_228 = tpu.vector_load %arg12[%swap3A_226, %swap3A_227] {strides = array<i32>} : memref<8x128xi32, #tpu.memory_space<vmem>>, vector<16xi32>,
    tpu.vector_store %arg12[%swap3A_226, %swap3A_227], %add3A_224 {strides = array<i32>} : memref<8x128xi32, #tpu.memory_space<vmem>>, vector<16xi32>,
    %add3A_229 = arith.constant 16416 : i32
    %add3A_230 = vector.broadcast %add3A_229 : i32 to vector<16xi32>
    %add3A_231 = arith.addi %add3A_230, %iota3A : vector<16xi32>
    %swap3A_232 = arith.constant 2 : i32
    %swap3A_233 = arith.index_cast %swap3A_232 : i32 to index
    %swap3A_234 = arith.constant 32 : index
    %swap3A_235 = tpu.vector_load %arg12[%swap3A_233, %swap3A_234] {strides = array<i32>} : memref<8x128xi32, #tpu.memory_space<vmem>>, vector<16xi32>,
    tpu.vector_store %arg12[%swap3A_233, %swap3A_234], %add3A_231 {strides = array<i32>} : memref<8x128xi32, #tpu.memory_space<vmem>>, vector<16xi32>,
    %add3A_236 = arith.constant 16432 : i32
    %add3A_237 = vector.broadcast %add3A_236 : i32 to vector<16xi32>
    %add3A_238 = arith.addi %add3A_237, %iota3A : vector<16xi32>
    %swap3A_239 = arith.constant 2 : i32
    %swap3A_240 = arith.index_cast %swap3A_239 : i32 to index
    %swap3A_241 = arith.constant 48 : index
    %swap3A_242 = tpu.vector_load %arg12[%swap3A_240, %swap3A_241] {strides = array<i32>} : memref<8x128xi32, #tpu.memory_space<vmem>>, vector<16xi32>,
    tpu.vector_store %arg12[%swap3A_240, %swap3A_241], %add3A_238 {strides = array<i32>} : memref<8x128xi32, #tpu.memory_space<vmem>>, vector<16xi32>,
    %add3A_243 = arith.constant 16448 : i32
    %add3A_244 = vector.broadcast %add3A_243 : i32 to vector<16xi32>
    %add3A_245 = arith.addi %add3A_244, %iota3A : vector<16xi32>
    %swap3A_246 = arith.constant 2 : i32
    %swap3A_247 = arith.index_cast %swap3A_246 : i32 to index
    %swap3A_248 = arith.constant 64 : index
    %swap3A_249 = tpu.vector_load %arg12[%swap3A_247, %swap3A_248] {strides = array<i32>} : memref<8x128xi32, #tpu.memory_space<vmem>>, vector<16xi32>,
    tpu.vector_store %arg12[%swap3A_247, %swap3A_248], %add3A_245 {strides = array<i32>} : memref<8x128xi32, #tpu.memory_space<vmem>>, vector<16xi32>,
    %add3A_250 = arith.constant 16464 : i32
    %add3A_251 = vector.broadcast %add3A_250 : i32 to vector<16xi32>
    %add3A_252 = arith.addi %add3A_251, %iota3A : vector<16xi32>
    %swap3A_253 = arith.constant 2 : i32
    %swap3A_254 = arith.index_cast %swap3A_253 : i32 to index
    %swap3A_255 = arith.constant 80 : index
    %swap3A_256 = tpu.vector_load %arg12[%swap3A_254, %swap3A_255] {strides = array<i32>} : memref<8x128xi32, #tpu.memory_space<vmem>>, vector<16xi32>,
    tpu.vector_store %arg12[%swap3A_254, %swap3A_255], %add3A_252 {strides = array<i32>} : memref<8x128xi32, #tpu.memory_space<vmem>>, vector<16xi32>,
    %add3A_257 = arith.constant 16480 : i32
    %add3A_258 = vector.broadcast %add3A_257 : i32 to vector<16xi32>
    %add3A_259 = arith.addi %add3A_258, %iota3A : vector<16xi32>
    %swap3A_260 = arith.constant 2 : i32
    %swap3A_261 = arith.index_cast %swap3A_260 : i32 to index
    %swap3A_262 = arith.constant 96 : index
    %swap3A_263 = tpu.vector_load %arg12[%swap3A_261, %swap3A_262] {strides = array<i32>} : memref<8x128xi32, #tpu.memory_space<vmem>>, vector<16xi32>,
    tpu.vector_store %arg12[%swap3A_261, %swap3A_262], %add3A_259 {strides = array<i32>} : memref<8x128xi32, #tpu.memory_space<vmem>>, vector<16xi32>,
    %add3A_264 = arith.constant 16496 : i32
    %add3A_265 = vector.broadcast %add3A_264 : i32 to vector<16xi32>
    %add3A_266 = arith.addi %add3A_265, %iota3A : vector<16xi32>
    %swap3A_267 = arith.constant 2 : i32
    %swap3A_268 = arith.index_cast %swap3A_267 : i32 to index
    %swap3A_269 = arith.constant 112 : index
    %swap3A_270 = tpu.vector_load %arg12[%swap3A_268, %swap3A_269] {strides = array<i32>} : memref<8x128xi32, #tpu.memory_space<vmem>>, vector<16xi32>,
    tpu.vector_store %arg12[%swap3A_268, %swap3A_269], %add3A_266 {strides = array<i32>} : memref<8x128xi32, #tpu.memory_space<vmem>>, vector<16xi32>,
    %add3A_271 = arith.constant 16384 : i32
    %add3A_272 = vector.broadcast %add3A_271 : i32 to vector<16xi32>
    %add3A_273 = arith.addi %add3A_272, %iota3A : vector<16xi32>
    %swap3A_274 = arith.constant 3 : i32
    %swap3A_275 = arith.index_cast %swap3A_274 : i32 to index
    %swap3A_276 = arith.constant 0 : index
    %swap3A_277 = tpu.vector_load %arg12[%swap3A_275, %swap3A_276] {strides = array<i32>} : memref<8x128xi32, #tpu.memory_space<vmem>>, vector<16xi32>,
    tpu.vector_store %arg12[%swap3A_275, %swap3A_276], %add3A_273 {strides = array<i32>} : memref<8x128xi32, #tpu.memory_space<vmem>>, vector<16xi32>,
    %add3A_278 = arith.constant 16400 : i32
    %add3A_279 = vector.broadcast %add3A_278 : i32 to vector<16xi32>
    %add3A_280 = arith.addi %add3A_279, %iota3A : vector<16xi32>
    %swap3A_281 = arith.constant 3 : i32
    %swap3A_282 = arith.index_cast %swap3A_281 : i32 to index
    %swap3A_283 = arith.constant 16 : index
    %swap3A_284 = tpu.vector_load %arg12[%swap3A_282, %swap3A_283] {strides = array<i32>} : memref<8x128xi32, #tpu.memory_space<vmem>>, vector<16xi32>,
    tpu.vector_store %arg12[%swap3A_282, %swap3A_283], %add3A_280 {strides = array<i32>} : memref<8x128xi32, #tpu.memory_space<vmem>>, vector<16xi32>,
    %add3A_285 = arith.constant 16416 : i32
    %add3A_286 = vector.broadcast %add3A_285 : i32 to vector<16xi32>
    %add3A_287 = arith.addi %add3A_286, %iota3A : vector<16xi32>
    %swap3A_288 = arith.constant 3 : i32
    %swap3A_289 = arith.index_cast %swap3A_288 : i32 to index
    %swap3A_290 = arith.constant 32 : index
    %swap3A_291 = tpu.vector_load %arg12[%swap3A_289, %swap3A_290] {strides = array<i32>} : memref<8x128xi32, #tpu.memory_space<vmem>>, vector<16xi32>,
    tpu.vector_store %arg12[%swap3A_289, %swap3A_290], %add3A_287 {strides = array<i32>} : memref<8x128xi32, #tpu.memory_space<vmem>>, vector<16xi32>,
    %add3A_292 = arith.constant 16432 : i32
    %add3A_293 = vector.broadcast %add3A_292 : i32 to vector<16xi32>
    %add3A_294 = arith.addi %add3A_293, %iota3A : vector<16xi32>
    %swap3A_295 = arith.constant 3 : i32
    %swap3A_296 = arith.index_cast %swap3A_295 : i32 to index
    %swap3A_297 = arith.constant 48 : index
    %swap3A_298 = tpu.vector_load %arg12[%swap3A_296, %swap3A_297] {strides = array<i32>} : memref<8x128xi32, #tpu.memory_space<vmem>>, vector<16xi32>,
    tpu.vector_store %arg12[%swap3A_296, %swap3A_297], %add3A_294 {strides = array<i32>} : memref<8x128xi32, #tpu.memory_space<vmem>>, vector<16xi32>,
    %add3A_299 = arith.constant 16448 : i32
    %add3A_300 = vector.broadcast %add3A_299 : i32 to vector<16xi32>
    %add3A_301 = arith.addi %add3A_300, %iota3A : vector<16xi32>
    %swap3A_302 = arith.constant 3 : i32
    %swap3A_303 = arith.index_cast %swap3A_302 : i32 to index
    %swap3A_304 = arith.constant 64 : index
    %swap3A_305 = tpu.vector_load %arg12[%swap3A_303, %swap3A_304] {strides = array<i32>} : memref<8x128xi32, #tpu.memory_space<vmem>>, vector<16xi32>,
    tpu.vector_store %arg12[%swap3A_303, %swap3A_304], %add3A_301 {strides = array<i32>} : memref<8x128xi32, #tpu.memory_space<vmem>>, vector<16xi32>,
    %add3A_306 = arith.constant 16464 : i32
    %add3A_307 = vector.broadcast %add3A_306 : i32 to vector<16xi32>
    %add3A_308 = arith.addi %add3A_307, %iota3A : vector<16xi32>
    %swap3A_309 = arith.constant 3 : i32
    %swap3A_310 = arith.index_cast %swap3A_309 : i32 to index
    %swap3A_311 = arith.constant 80 : index
    %swap3A_312 = tpu.vector_load %arg12[%swap3A_310, %swap3A_311] {strides = array<i32>} : memref<8x128xi32, #tpu.memory_space<vmem>>, vector<16xi32>,
    tpu.vector_store %arg12[%swap3A_310, %swap3A_311], %add3A_308 {strides = array<i32>} : memref<8x128xi32, #tpu.memory_space<vmem>>, vector<16xi32>,
    %add3A_313 = arith.constant 16480 : i32
    %add3A_314 = vector.broadcast %add3A_313 : i32 to vector<16xi32>
    %add3A_315 = arith.addi %add3A_314, %iota3A : vector<16xi32>
    %swap3A_316 = arith.constant 3 : i32
    %swap3A_317 = arith.index_cast %swap3A_316 : i32 to index
    %swap3A_318 = arith.constant 96 : index
    %swap3A_319 = tpu.vector_load %arg12[%swap3A_317, %swap3A_318] {strides = array<i32>} : memref<8x128xi32, #tpu.memory_space<vmem>>, vector<16xi32>,
    tpu.vector_store %arg12[%swap3A_317, %swap3A_318], %add3A_315 {strides = array<i32>} : memref<8x128xi32, #tpu.memory_space<vmem>>, vector<16xi32>,
    %add3A_320 = arith.constant 16496 : i32
    %add3A_321 = vector.broadcast %add3A_320 : i32 to vector<16xi32>
    %add3A_322 = arith.addi %add3A_321, %iota3A : vector<16xi32>
    %swap3A_323 = arith.constant 3 : i32
    %swap3A_324 = arith.index_cast %swap3A_323 : i32 to index
    %swap3A_325 = arith.constant 112 : index
    %swap3A_326 = tpu.vector_load %arg12[%swap3A_324, %swap3A_325] {strides = array<i32>} : memref<8x128xi32, #tpu.memory_space<vmem>>, vector<16xi32>,
    tpu.vector_store %arg12[%swap3A_324, %swap3A_325], %add3A_322 {strides = array<i32>} : memref<8x128xi32, #tpu.memory_space<vmem>>, vector<16xi32>,
    %add3A_327 = arith.constant 16384 : i32
    %add3A_328 = vector.broadcast %add3A_327 : i32 to vector<16xi32>
    %add3A_329 = arith.addi %add3A_328, %iota3A : vector<16xi32>
    %swap3A_330 = arith.constant 4 : i32
    %swap3A_331 = arith.index_cast %swap3A_330 : i32 to index
    %swap3A_332 = arith.constant 0 : index
    %swap3A_333 = tpu.vector_load %arg12[%swap3A_331, %swap3A_332] {strides = array<i32>} : memref<8x128xi32, #tpu.memory_space<vmem>>, vector<16xi32>,
    tpu.vector_store %arg12[%swap3A_331, %swap3A_332], %add3A_329 {strides = array<i32>} : memref<8x128xi32, #tpu.memory_space<vmem>>, vector<16xi32>,
    %add3A_334 = arith.constant 16400 : i32
    %add3A_335 = vector.broadcast %add3A_334 : i32 to vector<16xi32>
    %add3A_336 = arith.addi %add3A_335, %iota3A : vector<16xi32>
    %swap3A_337 = arith.constant 4 : i32
    %swap3A_338 = arith.index_cast %swap3A_337 : i32 to index
    %swap3A_339 = arith.constant 16 : index
    %swap3A_340 = tpu.vector_load %arg12[%swap3A_338, %swap3A_339] {strides = array<i32>} : memref<8x128xi32, #tpu.memory_space<vmem>>, vector<16xi32>,
    tpu.vector_store %arg12[%swap3A_338, %swap3A_339], %add3A_336 {strides = array<i32>} : memref<8x128xi32, #tpu.memory_space<vmem>>, vector<16xi32>,
    %add3A_341 = arith.constant 16416 : i32
    %add3A_342 = vector.broadcast %add3A_341 : i32 to vector<16xi32>
    %add3A_343 = arith.addi %add3A_342, %iota3A : vector<16xi32>
    %swap3A_344 = arith.constant 4 : i32
    %swap3A_345 = arith.index_cast %swap3A_344 : i32 to index
    %swap3A_346 = arith.constant 32 : index
    %swap3A_347 = tpu.vector_load %arg12[%swap3A_345, %swap3A_346] {strides = array<i32>} : memref<8x128xi32, #tpu.memory_space<vmem>>, vector<16xi32>,
    tpu.vector_store %arg12[%swap3A_345, %swap3A_346], %add3A_343 {strides = array<i32>} : memref<8x128xi32, #tpu.memory_space<vmem>>, vector<16xi32>,
    %add3A_348 = arith.constant 16432 : i32
    %add3A_349 = vector.broadcast %add3A_348 : i32 to vector<16xi32>
    %add3A_350 = arith.addi %add3A_349, %iota3A : vector<16xi32>
    %swap3A_351 = arith.constant 4 : i32
    %swap3A_352 = arith.index_cast %swap3A_351 : i32 to index
    %swap3A_353 = arith.constant 48 : index
    %swap3A_354 = tpu.vector_load %arg12[%swap3A_352, %swap3A_353] {strides = array<i32>} : memref<8x128xi32, #tpu.memory_space<vmem>>, vector<16xi32>,
    tpu.vector_store %arg12[%swap3A_352, %swap3A_353], %add3A_350 {strides = array<i32>} : memref<8x128xi32, #tpu.memory_space<vmem>>, vector<16xi32>,
    %add3A_355 = arith.constant 16448 : i32
    %add3A_356 = vector.broadcast %add3A_355 : i32 to vector<16xi32>
    %add3A_357 = arith.addi %add3A_356, %iota3A : vector<16xi32>
    %swap3A_358 = arith.constant 4 : i32
    %swap3A_359 = arith.index_cast %swap3A_358 : i32 to index
    %swap3A_360 = arith.constant 64 : index
    %swap3A_361 = tpu.vector_load %arg12[%swap3A_359, %swap3A_360] {strides = array<i32>} : memref<8x128xi32, #tpu.memory_space<vmem>>, vector<16xi32>,
    tpu.vector_store %arg12[%swap3A_359, %swap3A_360], %add3A_357 {strides = array<i32>} : memref<8x128xi32, #tpu.memory_space<vmem>>, vector<16xi32>,
    %add3A_362 = arith.constant 16464 : i32
    %add3A_363 = vector.broadcast %add3A_362 : i32 to vector<16xi32>
    %add3A_364 = arith.addi %add3A_363, %iota3A : vector<16xi32>
    %swap3A_365 = arith.constant 4 : i32
    %swap3A_366 = arith.index_cast %swap3A_365 : i32 to index
    %swap3A_367 = arith.constant 80 : index
    %swap3A_368 = tpu.vector_load %arg12[%swap3A_366, %swap3A_367] {strides = array<i32>} : memref<8x128xi32, #tpu.memory_space<vmem>>, vector<16xi32>,
    tpu.vector_store %arg12[%swap3A_366, %swap3A_367], %add3A_364 {strides = array<i32>} : memref<8x128xi32, #tpu.memory_space<vmem>>, vector<16xi32>,
    %add3A_369 = arith.constant 16480 : i32
    %add3A_370 = vector.broadcast %add3A_369 : i32 to vector<16xi32>
    %add3A_371 = arith.addi %add3A_370, %iota3A : vector<16xi32>
    %swap3A_372 = arith.constant 4 : i32
    %swap3A_373 = arith.index_cast %swap3A_372 : i32 to index
    %swap3A_374 = arith.constant 96 : index
    %swap3A_375 = tpu.vector_load %arg12[%swap3A_373, %swap3A_374] {strides = array<i32>} : memref<8x128xi32, #tpu.memory_space<vmem>>, vector<16xi32>,
    tpu.vector_store %arg12[%swap3A_373, %swap3A_374], %add3A_371 {strides = array<i32>} : memref<8x128xi32, #tpu.memory_space<vmem>>, vector<16xi32>,
    %add3A_376 = arith.constant 16496 : i32
    %add3A_377 = vector.broadcast %add3A_376 : i32 to vector<16xi32>
    %add3A_378 = arith.addi %add3A_377, %iota3A : vector<16xi32>
    %swap3A_379 = arith.constant 4 : i32
    %swap3A_380 = arith.index_cast %swap3A_379 : i32 to index
    %swap3A_381 = arith.constant 112 : index
    %swap3A_382 = tpu.vector_load %arg12[%swap3A_380, %swap3A_381] {strides = array<i32>} : memref<8x128xi32, #tpu.memory_space<vmem>>, vector<16xi32>,
    tpu.vector_store %arg12[%swap3A_380, %swap3A_381], %add3A_378 {strides = array<i32>} : memref<8x128xi32, #tpu.memory_space<vmem>>, vector<16xi32>,
    %add3A_383 = arith.constant 16384 : i32
    %add3A_384 = vector.broadcast %add3A_383 : i32 to vector<16xi32>
    %add3A_385 = arith.addi %add3A_384, %iota3A : vector<16xi32>
    %swap3A_386 = arith.constant 5 : i32
    %swap3A_387 = arith.index_cast %swap3A_386 : i32 to index
    %swap3A_388 = arith.constant 0 : index
    %swap3A_389 = tpu.vector_load %arg12[%swap3A_387, %swap3A_388] {strides = array<i32>} : memref<8x128xi32, #tpu.memory_space<vmem>>, vector<16xi32>,
    tpu.vector_store %arg12[%swap3A_387, %swap3A_388], %add3A_385 {strides = array<i32>} : memref<8x128xi32, #tpu.memory_space<vmem>>, vector<16xi32>,
    %add3A_390 = arith.constant 16400 : i32
    %add3A_391 = vector.broadcast %add3A_390 : i32 to vector<16xi32>
    %add3A_392 = arith.addi %add3A_391, %iota3A : vector<16xi32>
    %swap3A_393 = arith.constant 5 : i32
    %swap3A_394 = arith.index_cast %swap3A_393 : i32 to index
    %swap3A_395 = arith.constant 16 : index
    %swap3A_396 = tpu.vector_load %arg12[%swap3A_394, %swap3A_395] {strides = array<i32>} : memref<8x128xi32, #tpu.memory_space<vmem>>, vector<16xi32>,
    tpu.vector_store %arg12[%swap3A_394, %swap3A_395], %add3A_392 {strides = array<i32>} : memref<8x128xi32, #tpu.memory_space<vmem>>, vector<16xi32>,
    %add3A_397 = arith.constant 16416 : i32
    %add3A_398 = vector.broadcast %add3A_397 : i32 to vector<16xi32>
    %add3A_399 = arith.addi %add3A_398, %iota3A : vector<16xi32>
    %swap3A_400 = arith.constant 5 : i32
    %swap3A_401 = arith.index_cast %swap3A_400 : i32 to index
    %swap3A_402 = arith.constant 32 : index
    %swap3A_403 = tpu.vector_load %arg12[%swap3A_401, %swap3A_402] {strides = array<i32>} : memref<8x128xi32, #tpu.memory_space<vmem>>, vector<16xi32>,
    tpu.vector_store %arg12[%swap3A_401, %swap3A_402], %add3A_399 {strides = array<i32>} : memref<8x128xi32, #tpu.memory_space<vmem>>, vector<16xi32>,
    %add3A_404 = arith.constant 16432 : i32
    %add3A_405 = vector.broadcast %add3A_404 : i32 to vector<16xi32>
    %add3A_406 = arith.addi %add3A_405, %iota3A : vector<16xi32>
    %swap3A_407 = arith.constant 5 : i32
    %swap3A_408 = arith.index_cast %swap3A_407 : i32 to index
    %swap3A_409 = arith.constant 48 : index
    %swap3A_410 = tpu.vector_load %arg12[%swap3A_408, %swap3A_409] {strides = array<i32>} : memref<8x128xi32, #tpu.memory_space<vmem>>, vector<16xi32>,
    tpu.vector_store %arg12[%swap3A_408, %swap3A_409], %add3A_406 {strides = array<i32>} : memref<8x128xi32, #tpu.memory_space<vmem>>, vector<16xi32>,
    %add3A_411 = arith.constant 16448 : i32
    %add3A_412 = vector.broadcast %add3A_411 : i32 to vector<16xi32>
    %add3A_413 = arith.addi %add3A_412, %iota3A : vector<16xi32>
    %swap3A_414 = arith.constant 5 : i32
    %swap3A_415 = arith.index_cast %swap3A_414 : i32 to index
    %swap3A_416 = arith.constant 64 : index
    %swap3A_417 = tpu.vector_load %arg12[%swap3A_415, %swap3A_416] {strides = array<i32>} : memref<8x128xi32, #tpu.memory_space<vmem>>, vector<16xi32>,
    tpu.vector_store %arg12[%swap3A_415, %swap3A_416], %add3A_413 {strides = array<i32>} : memref<8x128xi32, #tpu.memory_space<vmem>>, vector<16xi32>,
    %add3A_418 = arith.constant 16464 : i32
    %add3A_419 = vector.broadcast %add3A_418 : i32 to vector<16xi32>
    %add3A_420 = arith.addi %add3A_419, %iota3A : vector<16xi32>
    %swap3A_421 = arith.constant 5 : i32
    %swap3A_422 = arith.index_cast %swap3A_421 : i32 to index
    %swap3A_423 = arith.constant 80 : index
    %swap3A_424 = tpu.vector_load %arg12[%swap3A_422, %swap3A_423] {strides = array<i32>} : memref<8x128xi32, #tpu.memory_space<vmem>>, vector<16xi32>,
    tpu.vector_store %arg12[%swap3A_422, %swap3A_423], %add3A_420 {strides = array<i32>} : memref<8x128xi32, #tpu.memory_space<vmem>>, vector<16xi32>,
    %add3A_425 = arith.constant 16480 : i32
    %add3A_426 = vector.broadcast %add3A_425 : i32 to vector<16xi32>
    %add3A_427 = arith.addi %add3A_426, %iota3A : vector<16xi32>
    %swap3A_428 = arith.constant 5 : i32
    %swap3A_429 = arith.index_cast %swap3A_428 : i32 to index
    %swap3A_430 = arith.constant 96 : index
    %swap3A_431 = tpu.vector_load %arg12[%swap3A_429, %swap3A_430] {strides = array<i32>} : memref<8x128xi32, #tpu.memory_space<vmem>>, vector<16xi32>,
    tpu.vector_store %arg12[%swap3A_429, %swap3A_430], %add3A_427 {strides = array<i32>} : memref<8x128xi32, #tpu.memory_space<vmem>>, vector<16xi32>,
    %add3A_432 = arith.constant 16496 : i32
    %add3A_433 = vector.broadcast %add3A_432 : i32 to vector<16xi32>
    %add3A_434 = arith.addi %add3A_433, %iota3A : vector<16xi32>
    %swap3A_435 = arith.constant 5 : i32
    %swap3A_436 = arith.index_cast %swap3A_435 : i32 to index
    %swap3A_437 = arith.constant 112 : index
    %swap3A_438 = tpu.vector_load %arg12[%swap3A_436, %swap3A_437] {strides = array<i32>} : memref<8x128xi32, #tpu.memory_space<vmem>>, vector<16xi32>,
    tpu.vector_store %arg12[%swap3A_436, %swap3A_437], %add3A_434 {strides = array<i32>} : memref<8x128xi32, #tpu.memory_space<vmem>>, vector<16xi32>,
    %add3A_439 = arith.constant 16384 : i32
    %add3A_440 = vector.broadcast %add3A_439 : i32 to vector<16xi32>
    %add3A_441 = arith.addi %add3A_440, %iota3A : vector<16xi32>
    %swap3A_442 = arith.constant 6 : i32
    %swap3A_443 = arith.index_cast %swap3A_442 : i32 to index
    %swap3A_444 = arith.constant 0 : index
    %swap3A_445 = tpu.vector_load %arg12[%swap3A_443, %swap3A_444] {strides = array<i32>} : memref<8x128xi32, #tpu.memory_space<vmem>>, vector<16xi32>,
    tpu.vector_store %arg12[%swap3A_443, %swap3A_444], %add3A_441 {strides = array<i32>} : memref<8x128xi32, #tpu.memory_space<vmem>>, vector<16xi32>,
    %add3A_446 = arith.constant 16400 : i32
    %add3A_447 = vector.broadcast %add3A_446 : i32 to vector<16xi32>
    %add3A_448 = arith.addi %add3A_447, %iota3A : vector<16xi32>
    %swap3A_449 = arith.constant 6 : i32
    %swap3A_450 = arith.index_cast %swap3A_449 : i32 to index
    %swap3A_451 = arith.constant 16 : index
    %swap3A_452 = tpu.vector_load %arg12[%swap3A_450, %swap3A_451] {strides = array<i32>} : memref<8x128xi32, #tpu.memory_space<vmem>>, vector<16xi32>,
    tpu.vector_store %arg12[%swap3A_450, %swap3A_451], %add3A_448 {strides = array<i32>} : memref<8x128xi32, #tpu.memory_space<vmem>>, vector<16xi32>,
    %add3A_453 = arith.constant 16416 : i32
    %add3A_454 = vector.broadcast %add3A_453 : i32 to vector<16xi32>
    %add3A_455 = arith.addi %add3A_454, %iota3A : vector<16xi32>
    %swap3A_456 = arith.constant 6 : i32
    %swap3A_457 = arith.index_cast %swap3A_456 : i32 to index
    %swap3A_458 = arith.constant 32 : index
    %swap3A_459 = tpu.vector_load %arg12[%swap3A_457, %swap3A_458] {strides = array<i32>} : memref<8x128xi32, #tpu.memory_space<vmem>>, vector<16xi32>,
    tpu.vector_store %arg12[%swap3A_457, %swap3A_458], %add3A_455 {strides = array<i32>} : memref<8x128xi32, #tpu.memory_space<vmem>>, vector<16xi32>,
    %add3A_460 = arith.constant 16432 : i32
    %add3A_461 = vector.broadcast %add3A_460 : i32 to vector<16xi32>
    %add3A_462 = arith.addi %add3A_461, %iota3A : vector<16xi32>
    %swap3A_463 = arith.constant 6 : i32
    %swap3A_464 = arith.index_cast %swap3A_463 : i32 to index
    %swap3A_465 = arith.constant 48 : index
    %swap3A_466 = tpu.vector_load %arg12[%swap3A_464, %swap3A_465] {strides = array<i32>} : memref<8x128xi32, #tpu.memory_space<vmem>>, vector<16xi32>,
    tpu.vector_store %arg12[%swap3A_464, %swap3A_465], %add3A_462 {strides = array<i32>} : memref<8x128xi32, #tpu.memory_space<vmem>>, vector<16xi32>,
    %add3A_467 = arith.constant 16448 : i32
    %add3A_468 = vector.broadcast %add3A_467 : i32 to vector<16xi32>
    %add3A_469 = arith.addi %add3A_468, %iota3A : vector<16xi32>
    %swap3A_470 = arith.constant 6 : i32
    %swap3A_471 = arith.index_cast %swap3A_470 : i32 to index
    %swap3A_472 = arith.constant 64 : index
    %swap3A_473 = tpu.vector_load %arg12[%swap3A_471, %swap3A_472] {strides = array<i32>} : memref<8x128xi32, #tpu.memory_space<vmem>>, vector<16xi32>,
    tpu.vector_store %arg12[%swap3A_471, %swap3A_472], %add3A_469 {strides = array<i32>} : memref<8x128xi32, #tpu.memory_space<vmem>>, vector<16xi32>,
    %add3A_474 = arith.constant 16464 : i32
    %add3A_475 = vector.broadcast %add3A_474 : i32 to vector<16xi32>
    %add3A_476 = arith.addi %add3A_475, %iota3A : vector<16xi32>
    %swap3A_477 = arith.constant 6 : i32
    %swap3A_478 = arith.index_cast %swap3A_477 : i32 to index
    %swap3A_479 = arith.constant 80 : index
    %swap3A_480 = tpu.vector_load %arg12[%swap3A_478, %swap3A_479] {strides = array<i32>} : memref<8x128xi32, #tpu.memory_space<vmem>>, vector<16xi32>,
    tpu.vector_store %arg12[%swap3A_478, %swap3A_479], %add3A_476 {strides = array<i32>} : memref<8x128xi32, #tpu.memory_space<vmem>>, vector<16xi32>,
    %add3A_481 = arith.constant 16480 : i32
    %add3A_482 = vector.broadcast %add3A_481 : i32 to vector<16xi32>
    %add3A_483 = arith.addi %add3A_482, %iota3A : vector<16xi32>
    %swap3A_484 = arith.constant 6 : i32
    %swap3A_485 = arith.index_cast %swap3A_484 : i32 to index
    %swap3A_486 = arith.constant 96 : index
    %swap3A_487 = tpu.vector_load %arg12[%swap3A_485, %swap3A_486] {strides = array<i32>} : memref<8x128xi32, #tpu.memory_space<vmem>>, vector<16xi32>,
    tpu.vector_store %arg12[%swap3A_485, %swap3A_486], %add3A_483 {strides = array<i32>} : memref<8x128xi32, #tpu.memory_space<vmem>>, vector<16xi32>,
    %add3A_488 = arith.constant 16496 : i32
    %add3A_489 = vector.broadcast %add3A_488 : i32 to vector<16xi32>
    %add3A_490 = arith.addi %add3A_489, %iota3A : vector<16xi32>
    %swap3A_491 = arith.constant 6 : i32
    %swap3A_492 = arith.index_cast %swap3A_491 : i32 to index
    %swap3A_493 = arith.constant 112 : index
    %swap3A_494 = tpu.vector_load %arg12[%swap3A_492, %swap3A_493] {strides = array<i32>} : memref<8x128xi32, #tpu.memory_space<vmem>>, vector<16xi32>,
    tpu.vector_store %arg12[%swap3A_492, %swap3A_493], %add3A_490 {strides = array<i32>} : memref<8x128xi32, #tpu.memory_space<vmem>>, vector<16xi32>,
    %add3A_495 = arith.constant 16384 : i32
    %add3A_496 = vector.broadcast %add3A_495 : i32 to vector<16xi32>
    %add3A_497 = arith.addi %add3A_496, %iota3A : vector<16xi32>
    %swap3A_498 = arith.constant 7 : i32
    %swap3A_499 = arith.index_cast %swap3A_498 : i32 to index
    %swap3A_500 = arith.constant 0 : index
    %swap3A_501 = tpu.vector_load %arg12[%swap3A_499, %swap3A_500] {strides = array<i32>} : memref<8x128xi32, #tpu.memory_space<vmem>>, vector<16xi32>,
    tpu.vector_store %arg12[%swap3A_499, %swap3A_500], %add3A_497 {strides = array<i32>} : memref<8x128xi32, #tpu.memory_space<vmem>>, vector<16xi32>,
    %add3A_502 = arith.constant 16400 : i32
    %add3A_503 = vector.broadcast %add3A_502 : i32 to vector<16xi32>
    %add3A_504 = arith.addi %add3A_503, %iota3A : vector<16xi32>
    %swap3A_505 = arith.constant 7 : i32
    %swap3A_506 = arith.index_cast %swap3A_505 : i32 to index
    %swap3A_507 = arith.constant 16 : index
    %swap3A_508 = tpu.vector_load %arg12[%swap3A_506, %swap3A_507] {strides = array<i32>} : memref<8x128xi32, #tpu.memory_space<vmem>>, vector<16xi32>,
    tpu.vector_store %arg12[%swap3A_506, %swap3A_507], %add3A_504 {strides = array<i32>} : memref<8x128xi32, #tpu.memory_space<vmem>>, vector<16xi32>,
    %add3A_509 = arith.constant 16416 : i32
    %add3A_510 = vector.broadcast %add3A_509 : i32 to vector<16xi32>
    %add3A_511 = arith.addi %add3A_510, %iota3A : vector<16xi32>
    %swap3A_512 = arith.constant 7 : i32
    %swap3A_513 = arith.index_cast %swap3A_512 : i32 to index
    %swap3A_514 = arith.constant 32 : index
    %swap3A_515 = tpu.vector_load %arg12[%swap3A_513, %swap3A_514] {strides = array<i32>} : memref<8x128xi32, #tpu.memory_space<vmem>>, vector<16xi32>,
    tpu.vector_store %arg12[%swap3A_513, %swap3A_514], %add3A_511 {strides = array<i32>} : memref<8x128xi32, #tpu.memory_space<vmem>>, vector<16xi32>,
    %add3A_516 = arith.constant 16432 : i32
    %add3A_517 = vector.broadcast %add3A_516 : i32 to vector<16xi32>
    %add3A_518 = arith.addi %add3A_517, %iota3A : vector<16xi32>
    %swap3A_519 = arith.constant 7 : i32
    %swap3A_520 = arith.index_cast %swap3A_519 : i32 to index
    %swap3A_521 = arith.constant 48 : index
    %swap3A_522 = tpu.vector_load %arg12[%swap3A_520, %swap3A_521] {strides = array<i32>} : memref<8x128xi32, #tpu.memory_space<vmem>>, vector<16xi32>,
    tpu.vector_store %arg12[%swap3A_520, %swap3A_521], %add3A_518 {strides = array<i32>} : memref<8x128xi32, #tpu.memory_space<vmem>>, vector<16xi32>,
    %add3A_523 = arith.constant 16448 : i32
    %add3A_524 = vector.broadcast %add3A_523 : i32 to vector<16xi32>
    %add3A_525 = arith.addi %add3A_524, %iota3A : vector<16xi32>
    %swap3A_526 = arith.constant 7 : i32
    %swap3A_527 = arith.index_cast %swap3A_526 : i32 to index
    %swap3A_528 = arith.constant 64 : index
    %swap3A_529 = tpu.vector_load %arg12[%swap3A_527, %swap3A_528] {strides = array<i32>} : memref<8x128xi32, #tpu.memory_space<vmem>>, vector<16xi32>,
    tpu.vector_store %arg12[%swap3A_527, %swap3A_528], %add3A_525 {strides = array<i32>} : memref<8x128xi32, #tpu.memory_space<vmem>>, vector<16xi32>,
    %add3A_530 = arith.constant 16464 : i32
    %add3A_531 = vector.broadcast %add3A_530 : i32 to vector<16xi32>
    %add3A_532 = arith.addi %add3A_531, %iota3A : vector<16xi32>
    %swap3A_533 = arith.constant 7 : i32
    %swap3A_534 = arith.index_cast %swap3A_533 : i32 to index
    %swap3A_535 = arith.constant 80 : index
    %swap3A_536 = tpu.vector_load %arg12[%swap3A_534, %swap3A_535] {strides = array<i32>} : memref<8x128xi32, #tpu.memory_space<vmem>>, vector<16xi32>,
    tpu.vector_store %arg12[%swap3A_534, %swap3A_535], %add3A_532 {strides = array<i32>} : memref<8x128xi32, #tpu.memory_space<vmem>>, vector<16xi32>,
    %add3A_537 = arith.constant 16480 : i32
    %add3A_538 = vector.broadcast %add3A_537 : i32 to vector<16xi32>
    %add3A_539 = arith.addi %add3A_538, %iota3A : vector<16xi32>
    %swap3A_540 = arith.constant 7 : i32
    %swap3A_541 = arith.index_cast %swap3A_540 : i32 to index
    %swap3A_542 = arith.constant 96 : index
    %swap3A_543 = tpu.vector_load %arg12[%swap3A_541, %swap3A_542] {strides = array<i32>} : memref<8x128xi32, #tpu.memory_space<vmem>>, vector<16xi32>,
    tpu.vector_store %arg12[%swap3A_541, %swap3A_542], %add3A_539 {strides = array<i32>} : memref<8x128xi32, #tpu.memory_space<vmem>>, vector<16xi32>,
    %add3A_544 = arith.constant 16496 : i32
    %add3A_545 = vector.broadcast %add3A_544 : i32 to vector<16xi32>
    %add3A_546 = arith.addi %add3A_545, %iota3A : vector<16xi32>
    %swap3A_547 = arith.constant 7 : i32
    %swap3A_548 = arith.index_cast %swap3A_547 : i32 to index
    %swap3A_549 = arith.constant 112 : index
    %swap3A_550 = tpu.vector_load %arg12[%swap3A_548, %swap3A_549] {strides = array<i32>} : memref<8x128xi32, #tpu.memory_space<vmem>>, vector<16xi32>,
    tpu.vector_store %arg12[%swap3A_548, %swap3A_549], %add3A_546 {strides = array<i32>} : memref<8x128xi32, #tpu.memory_space<vmem>>, vector<16xi32>,
    %mul3A_551 = arith.constant 62 : i32
    %mul3A_552 = arith.muli %add3A, %mul3A_551 : i32
    %add3A_553 = arith.constant 0 : i32
    %add3A_554 = arith.addi %mul3A_552, %add3A_553 : i32
    %lt3A = arith.constant 1953 : i32
    %lt3A_555 = arith.cmpi slt, %add3A_554, %lt3A : i32
    %convert_element_type3A = arith.extui %lt3A_555 : i1 to i32
    %cond3A = arith.constant 0 : i32
    %cond3A_556 = arith.cmpi ne, %convert_element_type3A, %cond3A : i32
    scf.if %cond3A_556 {
      %mul3A_607 = arith.constant 512 : i32
      %mul3A_608 = arith.muli %add3A_554, %mul3A_607 : i32
      %multiple_of3A = tpu.assume_multiple %mul3A_608, 128 : i32
      %dma_start3A = arith.constant 0 : i32
      %dma_start3A_609 = arith.constant 0 : i32
      %dma_start3A_610 = arith.constant 0 : i32
      %dma_start3A_611 = tpu.memref_slice %arg10[%dma_start3A, %dma_start3A_609, %dma_start3A_610] : memref<2x64x512xf32, #tpu.memory_space<vmem>> -> memref<1x64x512xf32, #tpu.memory_space<vmem>>
      %dma_start3A_612 = tpu.memref_squeeze %dma_start3A_611 : memref<1x64x512xf32, #tpu.memory_space<vmem>> -> memref<64x512xf32, #tpu.memory_space<vmem>>
      %dma_start3A_613 = arith.constant 0 : i32
      %dma_start3A_614 = tpu.memref_slice %arg2[%dma_start3A_613, %multiple_of3A] : memref<64x1000001xf32, #tpu.memory_space<hbm>> -> memref<64x512xf32, #tpu.memory_space<hbm>>
      %dma_start3A_615 = arith.constant 0 : i32
      %dma_start3A_616 = arith.constant 0 : i32
      %dma_start3A_617 = tpu.memref_slice %arg10[%dma_start3A, %dma_start3A_615, %dma_start3A_616] : memref<2x64x512xf32, #tpu.memory_space<vmem>> -> memref<1x64x512xf32, #tpu.memory_space<vmem>>
      %dma_start3A_618 = tpu.memref_squeeze %dma_start3A_617 : memref<1x64x512xf32, #tpu.memory_space<vmem>> -> memref<64x512xf32, #tpu.memory_space<vmem>>
      %dma_start3A_619 = arith.constant 0 : i32
      %dma_start3A_620 = tpu.memref_slice %arg2[%dma_start3A_619, %multiple_of3A] : memref<64x1000001xf32, #tpu.memory_space<hbm>> -> memref<64x512xf32, #tpu.memory_space<hbm>>
      tpu.enqueue_dma source(%dma_start3A_620 : memref<64x512xf32, #tpu.memory_space<hbm>>) target(%dma_start3A_618 : memref<64x512xf32, #tpu.memory_space<vmem>>) target_semaphore(%arg15 : memref<!tpu.dma_semaphore, #tpu.memory_space<semaphore_mem>>)
    } else {
    }
    %ge3A = arith.constant 1953 : i32
    %ge3A_557 = arith.cmpi sge, %add3A_554, %ge3A : i32
    %convert_element_type3A_558 = arith.extui %ge3A_557 : i1 to i32
    %cond3A_559 = arith.constant 0 : i32
    %cond3A_560 = arith.cmpi ne, %convert_element_type3A_558, %cond3A_559 : i32
    scf.if %cond3A_560 {
      %dma_start3A = arith.constant 0 : i32
      %dma_start3A_607 = arith.constant 0 : i32
      %dma_start3A_608 = arith.constant 0 : i32
      %dma_start3A_609 = tpu.memref_slice %arg10[%dma_start3A, %dma_start3A_607, %dma_start3A_608] : memref<2x64x512xf32, #tpu.memory_space<vmem>> -> memref<1x64x128xf32, #tpu.memory_space<vmem>>
      %dma_start3A_610 = tpu.memref_squeeze %dma_start3A_609 : memref<1x64x128xf32, #tpu.memory_space<vmem>> -> memref<64x128xf32, #tpu.memory_space<vmem>>
      %dma_start3A_611 = arith.constant 0 : i32
      %dma_start3A_612 = arith.constant 0 : i32
      %dma_start3A_613 = tpu.memref_slice %arg10[%dma_start3A, %dma_start3A_611, %dma_start3A_612] : memref<2x64x512xf32, #tpu.memory_space<vmem>> -> memref<1x64x128xf32, #tpu.memory_space<vmem>>
      %dma_start3A_614 = tpu.memref_squeeze %dma_start3A_613 : memref<1x64x128xf32, #tpu.memory_space<vmem>> -> memref<64x128xf32, #tpu.memory_space<vmem>>
      tpu.enqueue_dma source(%arg3 : memref<64x128xf32, #tpu.memory_space<hbm>>) target(%dma_start3A_614 : memref<64x128xf32, #tpu.memory_space<vmem>>) target_semaphore(%arg15 : memref<!tpu.dma_semaphore, #tpu.memory_space<semaphore_mem>>)
      %dma_start3A_615 = arith.constant 0 : i32
      %dma_start3A_616 = arith.constant 0 : i32
      %dma_start3A_617 = arith.constant 128 : i32
      %dma_start3A_618 = tpu.memref_slice %arg10[%dma_start3A_615, %dma_start3A_616, %dma_start3A_617] : memref<2x64x512xf32, #tpu.memory_space<vmem>> -> memref<1x64x128xf32, #tpu.memory_space<vmem>>
      %dma_start3A_619 = tpu.memref_squeeze %dma_start3A_618 : memref<1x64x128xf32, #tpu.memory_space<vmem>> -> memref<64x128xf32, #tpu.memory_space<vmem>>
      %dma_start3A_620 = arith.constant 0 : i32
      %dma_start3A_621 = arith.constant 128 : i32
      %dma_start3A_622 = tpu.memref_slice %arg10[%dma_start3A_615, %dma_start3A_620, %dma_start3A_621] : memref<2x64x512xf32, #tpu.memory_space<vmem>> -> memref<1x64x128xf32, #tpu.memory_space<vmem>>
      %dma_start3A_623 = tpu.memref_squeeze %dma_start3A_622 : memref<1x64x128xf32, #tpu.memory_space<vmem>> -> memref<64x128xf32, #tpu.memory_space<vmem>>
      tpu.enqueue_dma source(%arg3 : memref<64x128xf32, #tpu.memory_space<hbm>>) target(%dma_start3A_623 : memref<64x128xf32, #tpu.memory_space<vmem>>) target_semaphore(%arg15 : memref<!tpu.dma_semaphore, #tpu.memory_space<semaphore_mem>>)
      %dma_start3A_624 = arith.constant 0 : i32
      %dma_start3A_625 = arith.constant 0 : i32
      %dma_start3A_626 = arith.constant 256 : i32
      %dma_start3A_627 = tpu.memref_slice %arg10[%dma_start3A_624, %dma_start3A_625, %dma_start3A_626] : memref<2x64x512xf32, #tpu.memory_space<vmem>> -> memref<1x64x128xf32, #tpu.memory_space<vmem>>
      %dma_start3A_628 = tpu.memref_squeeze %dma_start3A_627 : memref<1x64x128xf32, #tpu.memory_space<vmem>> -> memref<64x128xf32, #tpu.memory_space<vmem>>
      %dma_start3A_629 = arith.constant 0 : i32
      %dma_start3A_630 = arith.constant 256 : i32
      %dma_start3A_631 = tpu.memref_slice %arg10[%dma_start3A_624, %dma_start3A_629, %dma_start3A_630] : memref<2x64x512xf32, #tpu.memory_space<vmem>> -> memref<1x64x128xf32, #tpu.memory_space<vmem>>
      %dma_start3A_632 = tpu.memref_squeeze %dma_start3A_631 : memref<1x64x128xf32, #tpu.memory_space<vmem>> -> memref<64x128xf32, #tpu.memory_space<vmem>>
      tpu.enqueue_dma source(%arg3 : memref<64x128xf32, #tpu.memory_space<hbm>>) target(%dma_start3A_632 : memref<64x128xf32, #tpu.memory_space<vmem>>) target_semaphore(%arg15 : memref<!tpu.dma_semaphore, #tpu.memory_space<semaphore_mem>>)
      %dma_start3A_633 = arith.constant 0 : i32
      %dma_start3A_634 = arith.constant 0 : i32
      %dma_start3A_635 = arith.constant 384 : i32
      %dma_start3A_636 = tpu.memref_slice %arg10[%dma_start3A_633, %dma_start3A_634, %dma_start3A_635] : memref<2x64x512xf32, #tpu.memory_space<vmem>> -> memref<1x64x128xf32, #tpu.memory_space<vmem>>
      %dma_start3A_637 = tpu.memref_squeeze %dma_start3A_636 : memref<1x64x128xf32, #tpu.memory_space<vmem>> -> memref<64x128xf32, #tpu.memory_space<vmem>>
      %dma_start3A_638 = arith.constant 0 : i32
      %dma_start3A_639 = arith.constant 384 : i32
      %dma_start3A_640 = tpu.memref_slice %arg10[%dma_start3A_633, %dma_start3A_638, %dma_start3A_639] : memref<2x64x512xf32, #tpu.memory_space<vmem>> -> memref<1x64x128xf32, #tpu.memory_space<vmem>>
      %dma_start3A_641 = tpu.memref_squeeze %dma_start3A_640 : memref<1x64x128xf32, #tpu.memory_space<vmem>> -> memref<64x128xf32, #tpu.memory_space<vmem>>
      tpu.enqueue_dma source(%arg3 : memref<64x128xf32, #tpu.memory_space<hbm>>) target(%dma_start3A_641 : memref<64x128xf32, #tpu.memory_space<vmem>>) target_semaphore(%arg15 : memref<!tpu.dma_semaphore, #tpu.memory_space<semaphore_mem>>)
    } else {
    }
    %add3A_561 = arith.constant 1 : i32
    %add3A_562 = arith.addi %mul3A_552, %add3A_561 : i32
    %lt3A_563 = arith.constant 1953 : i32
    %lt3A_564 = arith.cmpi slt, %add3A_562, %lt3A_563 : i32
    %convert_element_type3A_565 = arith.extui %lt3A_564 : i1 to i32
    %cond3A_566 = arith.constant 0 : i32
    %cond3A_567 = arith.cmpi ne, %convert_element_type3A_565, %cond3A_566 : i32
    scf.if %cond3A_567 {
      %mul3A_607 = arith.constant 512 : i32
      %mul3A_608 = arith.muli %add3A_562, %mul3A_607 : i32
      %multiple_of3A = tpu.assume_multiple %mul3A_608, 128 : i32
      %dma_start3A = arith.constant 1 : i32
      %dma_start3A_609 = arith.constant 0 : i32
      %dma_start3A_610 = arith.constant 0 : i32
      %dma_start3A_611 = tpu.memref_slice %arg10[%dma_start3A, %dma_start3A_609, %dma_start3A_610] : memref<2x64x512xf32, #tpu.memory_space<vmem>> -> memref<1x64x512xf32, #tpu.memory_space<vmem>>
      %dma_start3A_612 = tpu.memref_squeeze %dma_start3A_611 : memref<1x64x512xf32, #tpu.memory_space<vmem>> -> memref<64x512xf32, #tpu.memory_space<vmem>>
      %dma_start3A_613 = arith.constant 0 : i32
      %dma_start3A_614 = tpu.memref_slice %arg2[%dma_start3A_613, %multiple_of3A] : memref<64x1000001xf32, #tpu.memory_space<hbm>> -> memref<64x512xf32, #tpu.memory_space<hbm>>
      %dma_start3A_615 = arith.constant 0 : i32
      %dma_start3A_616 = arith.constant 0 : i32
      %dma_start3A_617 = tpu.memref_slice %arg10[%dma_start3A, %dma_start3A_615, %dma_start3A_616] : memref<2x64x512xf32, #tpu.memory_space<vmem>> -> memref<1x64x512xf32, #tpu.memory_space<vmem>>
      %dma_start3A_618 = tpu.memref_squeeze %dma_start3A_617 : memref<1x64x512xf32, #tpu.memory_space<vmem>> -> memref<64x512xf32, #tpu.memory_space<vmem>>
      %dma_start3A_619 = arith.constant 0 : i32
      %dma_start3A_620 = tpu.memref_slice %arg2[%dma_start3A_619, %multiple_of3A] : memref<64x1000001xf32, #tpu.memory_space<hbm>> -> memref<64x512xf32, #tpu.memory_space<hbm>>
      tpu.enqueue_dma source(%dma_start3A_620 : memref<64x512xf32, #tpu.memory_space<hbm>>) target(%dma_start3A_618 : memref<64x512xf32, #tpu.memory_space<vmem>>) target_semaphore(%arg15 : memref<!tpu.dma_semaphore, #tpu.memory_space<semaphore_mem>>)
    } else {
    }
    %ge3A_568 = arith.constant 1953 : i32
    %ge3A_569 = arith.cmpi sge, %add3A_562, %ge3A_568 : i32
    %convert_element_type3A_570 = arith.extui %ge3A_569 : i1 to i32
    %cond3A_571 = arith.constant 0 : i32
    %cond3A_572 = arith.cmpi ne, %convert_element_type3A_570, %cond3A_571 : i32
    scf.if %cond3A_572 {
      %dma_start3A = arith.constant 1 : i32
      %dma_start3A_607 = arith.constant 0 : i32
      %dma_start3A_608 = arith.constant 0 : i32
      %dma_start3A_609 = tpu.memref_slice %arg10[%dma_start3A, %dma_start3A_607, %dma_start3A_608] : memref<2x64x512xf32, #tpu.memory_space<vmem>> -> memref<1x64x128xf32, #tpu.memory_space<vmem>>
      %dma_start3A_610 = tpu.memref_squeeze %dma_start3A_609 : memref<1x64x128xf32, #tpu.memory_space<vmem>> -> memref<64x128xf32, #tpu.memory_space<vmem>>
      %dma_start3A_611 = arith.constant 0 : i32
      %dma_start3A_612 = arith.constant 0 : i32
      %dma_start3A_613 = tpu.memref_slice %arg10[%dma_start3A, %dma_start3A_611, %dma_start3A_612] : memref<2x64x512xf32, #tpu.memory_space<vmem>> -> memref<1x64x128xf32, #tpu.memory_space<vmem>>
      %dma_start3A_614 = tpu.memref_squeeze %dma_start3A_613 : memref<1x64x128xf32, #tpu.memory_space<vmem>> -> memref<64x128xf32, #tpu.memory_space<vmem>>
      tpu.enqueue_dma source(%arg3 : memref<64x128xf32, #tpu.memory_space<hbm>>) target(%dma_start3A_614 : memref<64x128xf32, #tpu.memory_space<vmem>>) target_semaphore(%arg15 : memref<!tpu.dma_semaphore, #tpu.memory_space<semaphore_mem>>)
      %dma_start3A_615 = arith.constant 1 : i32
      %dma_start3A_616 = arith.constant 0 : i32
      %dma_start3A_617 = arith.constant 128 : i32
      %dma_start3A_618 = tpu.memref_slice %arg10[%dma_start3A_615, %dma_start3A_616, %dma_start3A_617] : memref<2x64x512xf32, #tpu.memory_space<vmem>> -> memref<1x64x128xf32, #tpu.memory_space<vmem>>
      %dma_start3A_619 = tpu.memref_squeeze %dma_start3A_618 : memref<1x64x128xf32, #tpu.memory_space<vmem>> -> memref<64x128xf32, #tpu.memory_space<vmem>>
      %dma_start3A_620 = arith.constant 0 : i32
      %dma_start3A_621 = arith.constant 128 : i32
      %dma_start3A_622 = tpu.memref_slice %arg10[%dma_start3A_615, %dma_start3A_620, %dma_start3A_621] : memref<2x64x512xf32, #tpu.memory_space<vmem>> -> memref<1x64x128xf32, #tpu.memory_space<vmem>>
      %dma_start3A_623 = tpu.memref_squeeze %dma_start3A_622 : memref<1x64x128xf32, #tpu.memory_space<vmem>> -> memref<64x128xf32, #tpu.memory_space<vmem>>
      tpu.enqueue_dma source(%arg3 : memref<64x128xf32, #tpu.memory_space<hbm>>) target(%dma_start3A_623 : memref<64x128xf32, #tpu.memory_space<vmem>>) target_semaphore(%arg15 : memref<!tpu.dma_semaphore, #tpu.memory_space<semaphore_mem>>)
      %dma_start3A_624 = arith.constant 1 : i32
      %dma_start3A_625 = arith.constant 0 : i32
      %dma_start3A_626 = arith.constant 256 : i32
      %dma_start3A_627 = tpu.memref_slice %arg10[%dma_start3A_624, %dma_start3A_625, %dma_start3A_626] : memref<2x64x512xf32, #tpu.memory_space<vmem>> -> memref<1x64x128xf32, #tpu.memory_space<vmem>>
      %dma_start3A_628 = tpu.memref_squeeze %dma_start3A_627 : memref<1x64x128xf32, #tpu.memory_space<vmem>> -> memref<64x128xf32, #tpu.memory_space<vmem>>
      %dma_start3A_629 = arith.constant 0 : i32
      %dma_start3A_630 = arith.constant 256 : i32
      %dma_start3A_631 = tpu.memref_slice %arg10[%dma_start3A_624, %dma_start3A_629, %dma_start3A_630] : memref<2x64x512xf32, #tpu.memory_space<vmem>> -> memref<1x64x128xf32, #tpu.memory_space<vmem>>
      %dma_start3A_632 = tpu.memref_squeeze %dma_start3A_631 : memref<1x64x128xf32, #tpu.memory_space<vmem>> -> memref<64x128xf32, #tpu.memory_space<vmem>>
      tpu.enqueue_dma source(%arg3 : memref<64x128xf32, #tpu.memory_space<hbm>>) target(%dma_start3A_632 : memref<64x128xf32, #tpu.memory_space<vmem>>) target_semaphore(%arg15 : memref<!tpu.dma_semaphore, #tpu.memory_space<semaphore_mem>>)
      %dma_start3A_633 = arith.constant 1 : i32
      %dma_start3A_634 = arith.constant 0 : i32
      %dma_start3A_635 = arith.constant 384 : i32
      %dma_start3A_636 = tpu.memref_slice %arg10[%dma_start3A_633, %dma_start3A_634, %dma_start3A_635] : memref<2x64x512xf32, #tpu.memory_space<vmem>> -> memref<1x64x128xf32, #tpu.memory_space<vmem>>
      %dma_start3A_637 = tpu.memref_squeeze %dma_start3A_636 : memref<1x64x128xf32, #tpu.memory_space<vmem>> -> memref<64x128xf32, #tpu.memory_space<vmem>>
      %dma_start3A_638 = arith.constant 0 : i32
      %dma_start3A_639 = arith.constant 384 : i32
      %dma_start3A_640 = tpu.memref_slice %arg10[%dma_start3A_633, %dma_start3A_638, %dma_start3A_639] : memref<2x64x512xf32, #tpu.memory_space<vmem>> -> memref<1x64x128xf32, #tpu.memory_space<vmem>>
      %dma_start3A_641 = tpu.memref_squeeze %dma_start3A_640 : memref<1x64x128xf32, #tpu.memory_space<vmem>> -> memref<64x128xf32, #tpu.memory_space<vmem>>
      tpu.enqueue_dma source(%arg3 : memref<64x128xf32, #tpu.memory_space<hbm>>) target(%dma_start3A_641 : memref<64x128xf32, #tpu.memory_space<vmem>>) target_semaphore(%arg15 : memref<!tpu.dma_semaphore, #tpu.memory_space<semaphore_mem>>)
    } else {
    }
    "tpu.region"() ({
      %run_scoped3A = tpu.sem_alloc : memref<!tpu.dma_semaphore, #tpu.memory_space<semaphore_mem>>
      tpu.enqueue_dma source(%arg4 : memref<128x128xi32, #tpu.memory_space<hbm>>) target(%arg7 : memref<128x128xi32, #tpu.memory_space<vmem>>) target_semaphore(%run_scoped3A : memref<!tpu.dma_semaphore, #tpu.memory_space<semaphore_mem>>)
      tpu.wait_dma2 semaphore(%run_scoped3A : memref<!tpu.dma_semaphore, #tpu.memory_space<semaphore_mem>>) src(%arg4 : memref<128x128xi32, #tpu.memory_space<hbm>>) dst(%arg7 : memref<128x128xi32, #tpu.memory_space<vmem>>)
      tpu.yield
    }) : () -> ()
    %scan3A = arith.constant 0 : i32
    %scan3A_573 = arith.constant 0 : i32
    %scan3A_574 = arith.constant 1024 : i32
    %scan3A_575 = arith.addi %scan3A_573, %scan3A_574 : i32
    %scan3A_576 = arith.constant 1 : i32
    %scan3A_577 = scf.for %scan3A_607 = %scan3A_573 to %scan3A_575 step %scan3A_576 iter_args(%scan3A_608 = %scan3A) -> (i32)  : i32 {
      %shift_right_arithmetic3A_609 = arith.constant 3 : i32
      %shift_right_arithmetic3A_610 = arith.shrsi %scan3A_607, %shift_right_arithmetic3A_609 : i32
      %and3A = arith.constant 7 : i32
      %and3A_611 = arith.andi %scan3A_607, %and3A : i32
      %mul3A_612 = arith.constant 16 : i32
      %mul3A_613 = arith.muli %and3A_611, %mul3A_612 : i32
      %get3A = arith.index_cast %shift_right_arithmetic3A_610 : i32 to index
      %get3A_614 = arith.index_cast %mul3A_613 : i32 to index
      %get3A_615 = tpu.vector_load %arg7[%get3A, %get3A_614] {strides = array<i32>} : memref<128x128xi32, #tpu.memory_space<vmem>>, vector<16xi32>,
      %shift_right_logical3A = arith.constant 9 : i32
      %shift_right_logical3A_616 = vector.broadcast %shift_right_logical3A : i32 to vector<16xi32>
      %shift_right_logical3A_617 = arith.shrui %get3A_615, %shift_right_logical3A_616 : vector<16xi32>
      %ge3A_618 = vector.broadcast %mul3A_552 : i32 to vector<16xi32>
      %ge3A_619 = arith.cmpi sge, %shift_right_logical3A_617, %ge3A_618 : vector<16xi32>
      %add3A_620 = arith.constant 62 : i32
      %add3A_621 = arith.addi %mul3A_552, %add3A_620 : i32
      %lt3A_622 = vector.broadcast %add3A_621 : i32 to vector<16xi32>
      %lt3A_623 = arith.cmpi slt, %shift_right_logical3A_617, %lt3A_622 : vector<16xi32>
      %and3A_624 = arith.andi %ge3A_619, %lt3A_623 : vector<16xi1>
      %mul3A_625 = arith.constant 16 : i32
      %mul3A_626 = arith.muli %scan3A_607, %mul3A_625 : i32
      %add3A_627 = vector.broadcast %mul3A_626 : i32 to vector<16xi32>
      %add3A_628 = arith.addi %iota3A, %add3A_627 : vector<16xi32>
      %convert_element_type3A_629 = arith.extui %and3A_624 : vector<16xi1> to vector<16xi32>
      %broadcast_in_dim3A_630 = arith.constant true
      %broadcast_in_dim3A_631 = vector.broadcast %broadcast_in_dim3A_630 : i1 to vector<16xi1>
      %masked_cumsum3A = tpu.scan <sum>, %convert_element_type3A_629 masked %broadcast_in_dim3A_631 : vector<16xi32>, vector<16xi1> -> vector<16xi32>
      %add3A_632 = vector.broadcast %scan3A_608 : i32 to vector<16xi32>
      %add3A_633 = arith.addi %add3A_632, %masked_cumsum3A : vector<16xi32>
      %sub3A = arith.constant 1 : i32
      %sub3A_634 = vector.broadcast %sub3A : i32 to vector<16xi32>
      %sub3A_635 = arith.subi %add3A_633, %sub3A_634 : vector<16xi32>
      tpu.vector_store_idx %arg8[%sub3A_635], %get3A_615 masked %and3A_624 : memref<800xi32, #tpu.memory_space<vmem>>[vector<16xi32>], vector<16xi32>, vector<16xi1>
      tpu.vector_store_idx %arg9[%sub3A_635], %add3A_628 masked %and3A_624 : memref<800xi32, #tpu.memory_space<vmem>>[vector<16xi32>], vector<16xi32>, vector<16xi1>
      %slice3A = vector.extract_strided_slice %masked_cumsum3A {offsets = [15], sizes = [1], strides = [1]} : vector<16xi32> to vector<1xi32>
      %squeeze3A = vector.extract %slice3A[0] : i32 from vector<1xi32>
      %add3A_636 = arith.addi %scan3A_608, %squeeze3A : i32
      scf.yield %add3A_636 : i32
    }
    %scan3A_578 = arith.constant 1024 : i32
    %add3A_579 = arith.constant 15 : i32
    %add3A_580 = arith.addi %scan3A_577, %add3A_579 : i32
    %shift_right_arithmetic3A = arith.constant 4 : i32
    %shift_right_arithmetic3A_581 = arith.shrsi %add3A_580, %shift_right_arithmetic3A : i32
    %scan3A_582 = arith.constant 0 : i32
    %scan3A_583 = arith.constant 0 : i32
    %scan3A_584 = arith.constant 0 : i32
    %scan3A_585 = arith.constant 62 : i32
    %scan3A_586 = arith.addi %scan3A_584, %scan3A_585 : i32
    %scan3A_587 = arith.constant 1 : i32
    %scan3A_588:2 = scf.for %scan3A_607 = %scan3A_584 to %scan3A_586 step %scan3A_587 iter_args(%scan3A_608 = %scan3A_582, %scan3A_609 = %scan3A_583) -> (i32, i32)  : i32 {
      %add3A_610 = arith.addi %mul3A_552, %scan3A_607 : i32
      %and3A = arith.constant 1 : i32
      %and3A_611 = arith.andi %scan3A_607, %and3A : i32
      %dma_wait3A = arith.constant 0 : i32
      %dma_wait3A_612 = arith.constant 0 : i32
      %dma_wait3A_613 = tpu.memref_slice %arg10[%and3A_611, %dma_wait3A, %dma_wait3A_612] : memref<2x64x512xf32, #tpu.memory_space<vmem>> -> memref<1x64x512xf32, #tpu.memory_space<vmem>>
      %dma_wait3A_614 = tpu.memref_squeeze %dma_wait3A_613 : memref<1x64x512xf32, #tpu.memory_space<vmem>> -> memref<64x512xf32, #tpu.memory_space<vmem>>
      %dma_wait3A_615 = arith.constant 0 : i32
      %dma_wait3A_616 = arith.constant 0 : i32
      %dma_wait3A_617 = tpu.memref_slice %arg2[%dma_wait3A_615, %dma_wait3A_616] : memref<64x1000001xf32, #tpu.memory_space<hbm>> -> memref<64x512xf32, #tpu.memory_space<hbm>>
      %dma_wait3A_618 = arith.constant 0 : i32
      %dma_wait3A_619 = arith.constant 0 : i32
      %dma_wait3A_620 = tpu.memref_slice %arg10[%and3A_611, %dma_wait3A_618, %dma_wait3A_619] : memref<2x64x512xf32, #tpu.memory_space<vmem>> -> memref<1x64x512xf32, #tpu.memory_space<vmem>>
      %dma_wait3A_621 = tpu.memref_squeeze %dma_wait3A_620 : memref<1x64x512xf32, #tpu.memory_space<vmem>> -> memref<64x512xf32, #tpu.memory_space<vmem>>
      %dma_wait3A_622 = arith.constant 0 : i32
      %dma_wait3A_623 = arith.constant 0 : i32
      %dma_wait3A_624 = tpu.memref_slice %arg2[%dma_wait3A_622, %dma_wait3A_623] : memref<64x1000001xf32, #tpu.memory_space<hbm>> -> memref<64x512xf32, #tpu.memory_space<hbm>>
      tpu.wait_dma2 semaphore(%arg15 : memref<!tpu.dma_semaphore, #tpu.memory_space<semaphore_mem>>) src(%dma_wait3A_624 : memref<64x512xf32, #tpu.memory_space<hbm>>) dst(%dma_wait3A_621 : memref<64x512xf32, #tpu.memory_space<vmem>>)
      %and3A_625 = arith.constant 1 : i32
      %and3A_626 = arith.andi %scan3A_607, %and3A_625 : i32
      %while3A = arith.constant 0 : i32
      %while3A_627 = arith.subi %shift_right_arithmetic3A_581, %while3A : i32
      %while3A_628 = arith.addi %while3A, %while3A_627 : i32
      %while3A_629 = arith.constant 1 : i32
      %while3A_630 = arith.divsi %while3A_627, %while3A_629 : i32
      %while3A_631 = arith.muli %while3A_630, %while3A_629 : i32
      %while3A_632 = arith.addi %while3A, %while3A_631 : i32
      %while3A_633 = arith.constant 1 : i32
      %while3A_634 = scf.for %while3A_653 = %while3A to %while3A_632 step %while3A_633 iter_args(%while3A_654 = %scan3A_608) -> (i32)  : i32 {
        %mul3A_655 = arith.constant 16 : i32
        %mul3A_656 = arith.muli %while3A_653, %mul3A_655 : i32
        %get3A = arith.index_cast %mul3A_656 : i32 to index
        %get3A_657 = tpu.vector_load %arg8[%get3A] {strides = array<i32>} : memref<800xi32, #tpu.memory_space<vmem>>, vector<16xi32>,
        %shift_right_logical3A = arith.constant 9 : i32
        %shift_right_logical3A_658 = vector.broadcast %shift_right_logical3A : i32 to vector<16xi32>
        %shift_right_logical3A_659 = arith.shrui %get3A_657, %shift_right_logical3A_658 : vector<16xi32>
        %eq3A_660 = vector.broadcast %add3A_610 : i32 to vector<16xi32>
        %eq3A_661 = arith.cmpi eq, %shift_right_logical3A_659, %eq3A_660 : vector<16xi32>
        %all_reduce_population_count3A = tpu.all_reduce %eq3A_661 {dim = 0 : i64, kind = #tpu.reduction_kind<sum>} : vector<16xi1> -> vector<16xi32>
        %slice3A = vector.extract_strided_slice %all_reduce_population_count3A {offsets = [0], sizes = [1], strides = [1]} : vector<16xi32> to vector<1xi32>
        %squeeze3A = vector.extract %slice3A[0] : i32 from vector<1xi32>
        %gt3A_662 = arith.constant 0 : i32
        %gt3A_663 = arith.cmpi sgt, %squeeze3A, %gt3A_662 : i32
        %convert_element_type3A_664 = arith.extui %gt3A_663 : i1 to i32
        %cond3A_665 = arith.constant 0 : i32
        %cond3A_666 = arith.cmpi ne, %convert_element_type3A_664, %cond3A_665 : i32
        %cond3A_667 = scf.if %cond3A_666 -> (i32) {
          %mul3A_668 = arith.constant 16 : i32
          %mul3A_669 = arith.muli %while3A_653, %mul3A_668 : i32
          %get3A_670 = arith.index_cast %mul3A_669 : i32 to index
          %get3A_671 = tpu.vector_load %arg9[%get3A_670] {strides = array<i32>} : memref<800xi32, #tpu.memory_space<vmem>>, vector<16xi32>,
          %convert_element_type3A_672 = arith.extui %eq3A_661 : vector<16xi1> to vector<16xi32>
          %broadcast_in_dim3A_673 = arith.constant true
          %broadcast_in_dim3A_674 = vector.broadcast %broadcast_in_dim3A_673 : i1 to vector<16xi1>
          %masked_cumsum3A = tpu.scan <sum>, %convert_element_type3A_672 masked %broadcast_in_dim3A_674 : vector<16xi32>, vector<16xi1> -> vector<16xi32>
          %sub3A_675 = arith.constant 1 : i32
          %sub3A_676 = vector.broadcast %sub3A_675 : i32 to vector<16xi32>
          %sub3A_677 = arith.subi %masked_cumsum3A, %sub3A_676 : vector<16xi32>
          tpu.vector_store_idx %arg13[%sub3A_677], %get3A_657 masked %eq3A_661 : memref<32xi32, #tpu.memory_space<vmem>>[vector<16xi32>], vector<16xi32>, vector<16xi1>
          tpu.vector_store_idx %arg14[%sub3A_677], %get3A_671 masked %eq3A_661 : memref<32xi32, #tpu.memory_space<vmem>>[vector<16xi32>], vector<16xi32>, vector<16xi1>
          %while3A_678 = arith.constant 0 : i32
          %while3A_679 = arith.subi %squeeze3A, %while3A_678 : i32
          %while3A_680 = arith.addi %while3A_678, %while3A_679 : i32
          %while3A_681 = arith.constant 1 : i32
          %while3A_682 = arith.divsi %while3A_679, %while3A_681 : i32
          %while3A_683 = arith.muli %while3A_682, %while3A_681 : i32
          %while3A_684 = arith.addi %while3A_678, %while3A_683 : i32
          %while3A_685 = arith.constant 1 : i32
          %while3A_686 = scf.for %while3A_689 = %while3A_678 to %while3A_684 step %while3A_685 iter_args(%while3A_690 = %while3A_654) -> (i32)  : i32 {
            %get3A_691 = arith.index_cast %while3A_689 : i32 to index
            %get3A_692 = tpu.vector_load %arg13[%get3A_691] {strides = array<i32>} : memref<32xi32, #tpu.memory_space<vmem>>, vector<16xi32>,
            %get3A_693 = arith.index_cast %while3A_689 : i32 to index
            %get3A_694 = tpu.vector_load %arg14[%get3A_693] {strides = array<i32>} : memref<32xi32, #tpu.memory_space<vmem>>, vector<16xi32>,
            %slice3A_695 = vector.extract_strided_slice %get3A_692 {offsets = [0], sizes = [1], strides = [1]} : vector<16xi32> to vector<1xi32>
            %squeeze3A_696 = vector.extract %slice3A_695[0] : i32 from vector<1xi32>
            %and3A_697 = arith.constant 511 : i32
            %and3A_698 = arith.andi %squeeze3A_696, %and3A_697 : i32
            %broadcast_in_dim3A_699 = vector.broadcast %and3A_698 : i32 to vector<16xi32>
            %and3A_700 = arith.constant 255 : i32
            %and3A_701 = arith.andi %while3A_690, %and3A_700 : i32
            %add3A_702 = arith.constant 0 : i32
            %add3A_703 = vector.broadcast %add3A_702 : i32 to vector<16xi32>
            %add3A_704 = arith.addi %iota3A, %add3A_703 : vector<16xi32>
            %gather3A = arith.constant 0 : i32
            %gather3A_705 = arith.constant 0 : i32
            %gather3A_706 = tpu.memref_slice %arg10[%and3A_626, %gather3A, %gather3A_705] : memref<2x64x512xf32, #tpu.memory_space<vmem>> -> memref<1x64x512xf32, #tpu.memory_space<vmem>>
            %gather3A_707 = tpu.memref_squeeze %gather3A_706 : memref<1x64x512xf32, #tpu.memory_space<vmem>> -> memref<64x512xf32, #tpu.memory_space<vmem>>
            %gather3A_708 = tpu.vector_load_idx %gather3A_707[%add3A_704, %broadcast_in_dim3A_699] : memref<64x512xf32, #tpu.memory_space<vmem>>[vector<16xi32>, vector<16xi32>], vector<16xf32>,
            %swap3A_709 = arith.index_cast %and3A_701 : i32 to index
            %swap3A_710 = arith.constant 0 : index
            %swap3A_711 = tpu.vector_load %arg11[%swap3A_709, %swap3A_710] {strides = array<i32>} : memref<256x128xf32, #tpu.memory_space<vmem>>, vector<16xf32>,
            tpu.vector_store %arg11[%swap3A_709, %swap3A_710], %gather3A_708 {strides = array<i32>} : memref<256x128xf32, #tpu.memory_space<vmem>>, vector<16xf32>,
            %add3A_712 = arith.constant 16 : i32
            %add3A_713 = vector.broadcast %add3A_712 : i32 to vector<16xi32>
            %add3A_714 = arith.addi %iota3A, %add3A_713 : vector<16xi32>
            %gather3A_715 = arith.constant 0 : i32
            %gather3A_716 = arith.constant 0 : i32
            %gather3A_717 = tpu.memref_slice %arg10[%and3A_626, %gather3A_715, %gather3A_716] : memref<2x64x512xf32, #tpu.memory_space<vmem>> -> memref<1x64x512xf32, #tpu.memory_space<vmem>>
            %gather3A_718 = tpu.memref_squeeze %gather3A_717 : memref<1x64x512xf32, #tpu.memory_space<vmem>> -> memref<64x512xf32, #tpu.memory_space<vmem>>
            %gather3A_719 = tpu.vector_load_idx %gather3A_718[%add3A_714, %broadcast_in_dim3A_699] : memref<64x512xf32, #tpu.memory_space<vmem>>[vector<16xi32>, vector<16xi32>], vector<16xf32>,
            %swap3A_720 = arith.index_cast %and3A_701 : i32 to index
            %swap3A_721 = arith.constant 16 : index
            %swap3A_722 = tpu.vector_load %arg11[%swap3A_720, %swap3A_721] {strides = array<i32>} : memref<256x128xf32, #tpu.memory_space<vmem>>, vector<16xf32>,
            tpu.vector_store %arg11[%swap3A_720, %swap3A_721], %gather3A_719 {strides = array<i32>} : memref<256x128xf32, #tpu.memory_space<vmem>>, vector<16xf32>,
            %add3A_723 = arith.constant 32 : i32
            %add3A_724 = vector.broadcast %add3A_723 : i32 to vector<16xi32>
            %add3A_725 = arith.addi %iota3A, %add3A_724 : vector<16xi32>
            %gather3A_726 = arith.constant 0 : i32
            %gather3A_727 = arith.constant 0 : i32
            %gather3A_728 = tpu.memref_slice %arg10[%and3A_626, %gather3A_726, %gather3A_727] : memref<2x64x512xf32, #tpu.memory_space<vmem>> -> memref<1x64x512xf32, #tpu.memory_space<vmem>>
            %gather3A_729 = tpu.memref_squeeze %gather3A_728 : memref<1x64x512xf32, #tpu.memory_space<vmem>> -> memref<64x512xf32, #tpu.memory_space<vmem>>
            %gather3A_730 = tpu.vector_load_idx %gather3A_729[%add3A_725, %broadcast_in_dim3A_699] : memref<64x512xf32, #tpu.memory_space<vmem>>[vector<16xi32>, vector<16xi32>], vector<16xf32>,
            %swap3A_731 = arith.index_cast %and3A_701 : i32 to index
            %swap3A_732 = arith.constant 32 : index
            %swap3A_733 = tpu.vector_load %arg11[%swap3A_731, %swap3A_732] {strides = array<i32>} : memref<256x128xf32, #tpu.memory_space<vmem>>, vector<16xf32>,
            tpu.vector_store %arg11[%swap3A_731, %swap3A_732], %gather3A_730 {strides = array<i32>} : memref<256x128xf32, #tpu.memory_space<vmem>>, vector<16xf32>,
            %add3A_734 = arith.constant 48 : i32
            %add3A_735 = vector.broadcast %add3A_734 : i32 to vector<16xi32>
            %add3A_736 = arith.addi %iota3A, %add3A_735 : vector<16xi32>
            %gather3A_737 = arith.constant 0 : i32
            %gather3A_738 = arith.constant 0 : i32
            %gather3A_739 = tpu.memref_slice %arg10[%and3A_626, %gather3A_737, %gather3A_738] : memref<2x64x512xf32, #tpu.memory_space<vmem>> -> memref<1x64x512xf32, #tpu.memory_space<vmem>>
            %gather3A_740 = tpu.memref_squeeze %gather3A_739 : memref<1x64x512xf32, #tpu.memory_space<vmem>> -> memref<64x512xf32, #tpu.memory_space<vmem>>
            %gather3A_741 = tpu.vector_load_idx %gather3A_740[%add3A_736, %broadcast_in_dim3A_699] : memref<64x512xf32, #tpu.memory_space<vmem>>[vector<16xi32>, vector<16xi32>], vector<16xf32>,
            %swap3A_742 = arith.index_cast %and3A_701 : i32 to index
            %swap3A_743 = arith.constant 48 : index
            %swap3A_744 = tpu.vector_load %arg11[%swap3A_742, %swap3A_743] {strides = array<i32>} : memref<256x128xf32, #tpu.memory_space<vmem>>, vector<16xf32>,
            tpu.vector_store %arg11[%swap3A_742, %swap3A_743], %gather3A_741 {strides = array<i32>} : memref<256x128xf32, #tpu.memory_space<vmem>>, vector<16xf32>,
            %shift_right_arithmetic3A_745 = arith.constant 7 : i32
            %shift_right_arithmetic3A_746 = arith.shrsi %while3A_690, %shift_right_arithmetic3A_745 : i32
            %broadcast_in_dim3A_747 = vector.broadcast %shift_right_arithmetic3A_746 : i32 to vector<16xi32>
            %and3A_748 = arith.constant 127 : i32
            %and3A_749 = arith.andi %while3A_690, %and3A_748 : i32
            %broadcast_in_dim3A_750 = vector.broadcast %and3A_749 : i32 to vector<16xi32>
            %slice3A_751 = vector.extract_strided_slice %get3A_694 {offsets = [0], sizes = [1], strides = [1]} : vector<16xi32> to vector<1xi32>
            %squeeze3A_752 = vector.extract %slice3A_751[0] : i32 from vector<1xi32>
            %broadcast_in_dim3A_753 = vector.broadcast %squeeze3A_752 : i32 to vector<16xi32>
            tpu.vector_store_idx %arg12[%broadcast_in_dim3A_747, %broadcast_in_dim3A_750], %broadcast_in_dim3A_753 masked %eq3A_2 : memref<8x128xi32, #tpu.memory_space<vmem>>[vector<16xi32>, vector<16xi32>], vector<16xi32>, vector<16xi1>
            %add3A_754 = arith.constant 1 : i32
            %add3A_755 = arith.addi %while3A_690, %add3A_754 : i32
            scf.yield %add3A_755 : i32
          }
          %while3A_687 = arith.constant 1 : i32
          %while3A_688 = scf.for %while3A_689 = %while3A_684 to %while3A_680 step %while3A_687 iter_args(%while3A_690 = %while3A_686) -> (i32)  : i32 {
            %get3A_691 = arith.index_cast %while3A_689 : i32 to index
            %get3A_692 = tpu.vector_load %arg13[%get3A_691] {strides = array<i32>} : memref<32xi32, #tpu.memory_space<vmem>>, vector<16xi32>,
            %get3A_693 = arith.index_cast %while3A_689 : i32 to index
            %get3A_694 = tpu.vector_load %arg14[%get3A_693] {strides = array<i32>} : memref<32xi32, #tpu.memory_space<vmem>>, vector<16xi32>,
            %slice3A_695 = vector.extract_strided_slice %get3A_692 {offsets = [0], sizes = [1], strides = [1]} : vector<16xi32> to vector<1xi32>
            %squeeze3A_696 = vector.extract %slice3A_695[0] : i32 from vector<1xi32>
            %and3A_697 = arith.constant 511 : i32
            %and3A_698 = arith.andi %squeeze3A_696, %and3A_697 : i32
            %broadcast_in_dim3A_699 = vector.broadcast %and3A_698 : i32 to vector<16xi32>
            %and3A_700 = arith.constant 255 : i32
            %and3A_701 = arith.andi %while3A_690, %and3A_700 : i32
            %add3A_702 = arith.constant 0 : i32
            %add3A_703 = vector.broadcast %add3A_702 : i32 to vector<16xi32>
            %add3A_704 = arith.addi %iota3A, %add3A_703 : vector<16xi32>
            %gather3A = arith.constant 0 : i32
            %gather3A_705 = arith.constant 0 : i32
            %gather3A_706 = tpu.memref_slice %arg10[%and3A_626, %gather3A, %gather3A_705] : memref<2x64x512xf32, #tpu.memory_space<vmem>> -> memref<1x64x512xf32, #tpu.memory_space<vmem>>
            %gather3A_707 = tpu.memref_squeeze %gather3A_706 : memref<1x64x512xf32, #tpu.memory_space<vmem>> -> memref<64x512xf32, #tpu.memory_space<vmem>>
            %gather3A_708 = tpu.vector_load_idx %gather3A_707[%add3A_704, %broadcast_in_dim3A_699] : memref<64x512xf32, #tpu.memory_space<vmem>>[vector<16xi32>, vector<16xi32>], vector<16xf32>,
            %swap3A_709 = arith.index_cast %and3A_701 : i32 to index
            %swap3A_710 = arith.constant 0 : index
            %swap3A_711 = tpu.vector_load %arg11[%swap3A_709, %swap3A_710] {strides = array<i32>} : memref<256x128xf32, #tpu.memory_space<vmem>>, vector<16xf32>,
            tpu.vector_store %arg11[%swap3A_709, %swap3A_710], %gather3A_708 {strides = array<i32>} : memref<256x128xf32, #tpu.memory_space<vmem>>, vector<16xf32>,
            %add3A_712 = arith.constant 16 : i32
            %add3A_713 = vector.broadcast %add3A_712 : i32 to vector<16xi32>
            %add3A_714 = arith.addi %iota3A, %add3A_713 : vector<16xi32>
            %gather3A_715 = arith.constant 0 : i32
            %gather3A_716 = arith.constant 0 : i32
            %gather3A_717 = tpu.memref_slice %arg10[%and3A_626, %gather3A_715, %gather3A_716] : memref<2x64x512xf32, #tpu.memory_space<vmem>> -> memref<1x64x512xf32, #tpu.memory_space<vmem>>
            %gather3A_718 = tpu.memref_squeeze %gather3A_717 : memref<1x64x512xf32, #tpu.memory_space<vmem>> -> memref<64x512xf32, #tpu.memory_space<vmem>>
            %gather3A_719 = tpu.vector_load_idx %gather3A_718[%add3A_714, %broadcast_in_dim3A_699] : memref<64x512xf32, #tpu.memory_space<vmem>>[vector<16xi32>, vector<16xi32>], vector<16xf32>,
            %swap3A_720 = arith.index_cast %and3A_701 : i32 to index
            %swap3A_721 = arith.constant 16 : index
            %swap3A_722 = tpu.vector_load %arg11[%swap3A_720, %swap3A_721] {strides = array<i32>} : memref<256x128xf32, #tpu.memory_space<vmem>>, vector<16xf32>,
            tpu.vector_store %arg11[%swap3A_720, %swap3A_721], %gather3A_719 {strides = array<i32>} : memref<256x128xf32, #tpu.memory_space<vmem>>, vector<16xf32>,
            %add3A_723 = arith.constant 32 : i32
            %add3A_724 = vector.broadcast %add3A_723 : i32 to vector<16xi32>
            %add3A_725 = arith.addi %iota3A, %add3A_724 : vector<16xi32>
            %gather3A_726 = arith.constant 0 : i32
            %gather3A_727 = arith.constant 0 : i32
            %gather3A_728 = tpu.memref_slice %arg10[%and3A_626, %gather3A_726, %gather3A_727] : memref<2x64x512xf32, #tpu.memory_space<vmem>> -> memref<1x64x512xf32, #tpu.memory_space<vmem>>
            %gather3A_729 = tpu.memref_squeeze %gather3A_728 : memref<1x64x512xf32, #tpu.memory_space<vmem>> -> memref<64x512xf32, #tpu.memory_space<vmem>>
            %gather3A_730 = tpu.vector_load_idx %gather3A_729[%add3A_725, %broadcast_in_dim3A_699] : memref<64x512xf32, #tpu.memory_space<vmem>>[vector<16xi32>, vector<16xi32>], vector<16xf32>,
            %swap3A_731 = arith.index_cast %and3A_701 : i32 to index
            %swap3A_732 = arith.constant 32 : index
            %swap3A_733 = tpu.vector_load %arg11[%swap3A_731, %swap3A_732] {strides = array<i32>} : memref<256x128xf32, #tpu.memory_space<vmem>>, vector<16xf32>,
            tpu.vector_store %arg11[%swap3A_731, %swap3A_732], %gather3A_730 {strides = array<i32>} : memref<256x128xf32, #tpu.memory_space<vmem>>, vector<16xf32>,
            %add3A_734 = arith.constant 48 : i32
            %add3A_735 = vector.broadcast %add3A_734 : i32 to vector<16xi32>
            %add3A_736 = arith.addi %iota3A, %add3A_735 : vector<16xi32>
            %gather3A_737 = arith.constant 0 : i32
            %gather3A_738 = arith.constant 0 : i32
            %gather3A_739 = tpu.memref_slice %arg10[%and3A_626, %gather3A_737, %gather3A_738] : memref<2x64x512xf32, #tpu.memory_space<vmem>> -> memref<1x64x512xf32, #tpu.memory_space<vmem>>
            %gather3A_740 = tpu.memref_squeeze %gather3A_739 : memref<1x64x512xf32, #tpu.memory_space<vmem>> -> memref<64x512xf32, #tpu.memory_space<vmem>>
            %gather3A_741 = tpu.vector_load_idx %gather3A_740[%add3A_736, %broadcast_in_dim3A_699] : memref<64x512xf32, #tpu.memory_space<vmem>>[vector<16xi32>, vector<16xi32>], vector<16xf32>,
            %swap3A_742 = arith.index_cast %and3A_701 : i32 to index
            %swap3A_743 = arith.constant 48 : index
            %swap3A_744 = tpu.vector_load %arg11[%swap3A_742, %swap3A_743] {strides = array<i32>} : memref<256x128xf32, #tpu.memory_space<vmem>>, vector<16xf32>,
            tpu.vector_store %arg11[%swap3A_742, %swap3A_743], %gather3A_741 {strides = array<i32>} : memref<256x128xf32, #tpu.memory_space<vmem>>, vector<16xf32>,
            %shift_right_arithmetic3A_745 = arith.constant 7 : i32
            %shift_right_arithmetic3A_746 = arith.shrsi %while3A_690, %shift_right_arithmetic3A_745 : i32
            %broadcast_in_dim3A_747 = vector.broadcast %shift_right_arithmetic3A_746 : i32 to vector<16xi32>
            %and3A_748 = arith.constant 127 : i32
            %and3A_749 = arith.andi %while3A_690, %and3A_748 : i32
            %broadcast_in_dim3A_750 = vector.broadcast %and3A_749 : i32 to vector<16xi32>
            %slice3A_751 = vector.extract_strided_slice %get3A_694 {offsets = [0], sizes = [1], strides = [1]} : vector<16xi32> to vector<1xi32>
            %squeeze3A_752 = vector.extract %slice3A_751[0] : i32 from vector<1xi32>
            %broadcast_in_dim3A_753 = vector.broadcast %squeeze3A_752 : i32 to vector<16xi32>
            tpu.vector_store_idx %arg12[%broadcast_in_dim3A_747, %broadcast_in_dim3A_750], %broadcast_in_dim3A_753 masked %eq3A_2 : memref<8x128xi32, #tpu.memory_space<vmem>>[vector<16xi32>, vector<16xi32>], vector<16xi32>, vector<16xi1>
            %add3A_754 = arith.constant 1 : i32
            %add3A_755 = arith.addi %while3A_690, %add3A_754 : i32
            scf.yield %add3A_755 : i32
          }
          scf.yield %while3A_688 : i32
        } else {
          scf.yield %while3A_654 : i32
        }
        scf.yield %cond3A_667 : i32
      }
      %while3A_635 = arith.constant 1 : i32
      %while3A_636 = scf.for %while3A_653 = %while3A_632 to %while3A_628 step %while3A_635 iter_args(%while3A_654 = %while3A_634) -> (i32)  : i32 {
        %mul3A_655 = arith.constant 16 : i32
        %mul3A_656 = arith.muli %while3A_653, %mul3A_655 : i32
        %get3A = arith.index_cast %mul3A_656 : i32 to index
        %get3A_657 = tpu.vector_load %arg8[%get3A] {strides = array<i32>} : memref<800xi32, #tpu.memory_space<vmem>>, vector<16xi32>,
        %shift_right_logical3A = arith.constant 9 : i32
        %shift_right_logical3A_658 = vector.broadcast %shift_right_logical3A : i32 to vector<16xi32>
        %shift_right_logical3A_659 = arith.shrui %get3A_657, %shift_right_logical3A_658 : vector<16xi32>
        %eq3A_660 = vector.broadcast %add3A_610 : i32 to vector<16xi32>
        %eq3A_661 = arith.cmpi eq, %shift_right_logical3A_659, %eq3A_660 : vector<16xi32>
        %all_reduce_population_count3A = tpu.all_reduce %eq3A_661 {dim = 0 : i64, kind = #tpu.reduction_kind<sum>} : vector<16xi1> -> vector<16xi32>
        %slice3A = vector.extract_strided_slice %all_reduce_population_count3A {offsets = [0], sizes = [1], strides = [1]} : vector<16xi32> to vector<1xi32>
        %squeeze3A = vector.extract %slice3A[0] : i32 from vector<1xi32>
        %gt3A_662 = arith.constant 0 : i32
        %gt3A_663 = arith.cmpi sgt, %squeeze3A, %gt3A_662 : i32
        %convert_element_type3A_664 = arith.extui %gt3A_663 : i1 to i32
        %cond3A_665 = arith.constant 0 : i32
        %cond3A_666 = arith.cmpi ne, %convert_element_type3A_664, %cond3A_665 : i32
        %cond3A_667 = scf.if %cond3A_666 -> (i32) {
          %mul3A_668 = arith.constant 16 : i32
          %mul3A_669 = arith.muli %while3A_653, %mul3A_668 : i32
          %get3A_670 = arith.index_cast %mul3A_669 : i32 to index
          %get3A_671 = tpu.vector_load %arg9[%get3A_670] {strides = array<i32>} : memref<800xi32, #tpu.memory_space<vmem>>, vector<16xi32>,
          %convert_element_type3A_672 = arith.extui %eq3A_661 : vector<16xi1> to vector<16xi32>
          %broadcast_in_dim3A_673 = arith.constant true
          %broadcast_in_dim3A_674 = vector.broadcast %broadcast_in_dim3A_673 : i1 to vector<16xi1>
          %masked_cumsum3A = tpu.scan <sum>, %convert_element_type3A_672 masked %broadcast_in_dim3A_674 : vector<16xi32>, vector<16xi1> -> vector<16xi32>
          %sub3A_675 = arith.constant 1 : i32
          %sub3A_676 = vector.broadcast %sub3A_675 : i32 to vector<16xi32>
          %sub3A_677 = arith.subi %masked_cumsum3A, %sub3A_676 : vector<16xi32>
          tpu.vector_store_idx %arg13[%sub3A_677], %get3A_657 masked %eq3A_661 : memref<32xi32, #tpu.memory_space<vmem>>[vector<16xi32>], vector<16xi32>, vector<16xi1>
          tpu.vector_store_idx %arg14[%sub3A_677], %get3A_671 masked %eq3A_661 : memref<32xi32, #tpu.memory_space<vmem>>[vector<16xi32>], vector<16xi32>, vector<16xi1>
          %while3A_678 = arith.constant 0 : i32
          %while3A_679 = arith.subi %squeeze3A, %while3A_678 : i32
          %while3A_680 = arith.addi %while3A_678, %while3A_679 : i32
          %while3A_681 = arith.constant 1 : i32
          %while3A_682 = arith.divsi %while3A_679, %while3A_681 : i32
          %while3A_683 = arith.muli %while3A_682, %while3A_681 : i32
          %while3A_684 = arith.addi %while3A_678, %while3A_683 : i32
          %while3A_685 = arith.constant 1 : i32
          %while3A_686 = scf.for %while3A_689 = %while3A_678 to %while3A_684 step %while3A_685 iter_args(%while3A_690 = %while3A_654) -> (i32)  : i32 {
            %get3A_691 = arith.index_cast %while3A_689 : i32 to index
            %get3A_692 = tpu.vector_load %arg13[%get3A_691] {strides = array<i32>} : memref<32xi32, #tpu.memory_space<vmem>>, vector<16xi32>,
            %get3A_693 = arith.index_cast %while3A_689 : i32 to index
            %get3A_694 = tpu.vector_load %arg14[%get3A_693] {strides = array<i32>} : memref<32xi32, #tpu.memory_space<vmem>>, vector<16xi32>,
            %slice3A_695 = vector.extract_strided_slice %get3A_692 {offsets = [0], sizes = [1], strides = [1]} : vector<16xi32> to vector<1xi32>
            %squeeze3A_696 = vector.extract %slice3A_695[0] : i32 from vector<1xi32>
            %and3A_697 = arith.constant 511 : i32
            %and3A_698 = arith.andi %squeeze3A_696, %and3A_697 : i32
            %broadcast_in_dim3A_699 = vector.broadcast %and3A_698 : i32 to vector<16xi32>
            %and3A_700 = arith.constant 255 : i32
            %and3A_701 = arith.andi %while3A_690, %and3A_700 : i32
            %add3A_702 = arith.constant 0 : i32
            %add3A_703 = vector.broadcast %add3A_702 : i32 to vector<16xi32>
            %add3A_704 = arith.addi %iota3A, %add3A_703 : vector<16xi32>
            %gather3A = arith.constant 0 : i32
            %gather3A_705 = arith.constant 0 : i32
            %gather3A_706 = tpu.memref_slice %arg10[%and3A_626, %gather3A, %gather3A_705] : memref<2x64x512xf32, #tpu.memory_space<vmem>> -> memref<1x64x512xf32, #tpu.memory_space<vmem>>
            %gather3A_707 = tpu.memref_squeeze %gather3A_706 : memref<1x64x512xf32, #tpu.memory_space<vmem>> -> memref<64x512xf32, #tpu.memory_space<vmem>>
            %gather3A_708 = tpu.vector_load_idx %gather3A_707[%add3A_704, %broadcast_in_dim3A_699] : memref<64x512xf32, #tpu.memory_space<vmem>>[vector<16xi32>, vector<16xi32>], vector<16xf32>,
            %swap3A_709 = arith.index_cast %and3A_701 : i32 to index
            %swap3A_710 = arith.constant 0 : index
            %swap3A_711 = tpu.vector_load %arg11[%swap3A_709, %swap3A_710] {strides = array<i32>} : memref<256x128xf32, #tpu.memory_space<vmem>>, vector<16xf32>,
            tpu.vector_store %arg11[%swap3A_709, %swap3A_710], %gather3A_708 {strides = array<i32>} : memref<256x128xf32, #tpu.memory_space<vmem>>, vector<16xf32>,
            %add3A_712 = arith.constant 16 : i32
            %add3A_713 = vector.broadcast %add3A_712 : i32 to vector<16xi32>
            %add3A_714 = arith.addi %iota3A, %add3A_713 : vector<16xi32>
            %gather3A_715 = arith.constant 0 : i32
            %gather3A_716 = arith.constant 0 : i32
            %gather3A_717 = tpu.memref_slice %arg10[%and3A_626, %gather3A_715, %gather3A_716] : memref<2x64x512xf32, #tpu.memory_space<vmem>> -> memref<1x64x512xf32, #tpu.memory_space<vmem>>
            %gather3A_718 = tpu.memref_squeeze %gather3A_717 : memref<1x64x512xf32, #tpu.memory_space<vmem>> -> memref<64x512xf32, #tpu.memory_space<vmem>>
            %gather3A_719 = tpu.vector_load_idx %gather3A_718[%add3A_714, %broadcast_in_dim3A_699] : memref<64x512xf32, #tpu.memory_space<vmem>>[vector<16xi32>, vector<16xi32>], vector<16xf32>,
            %swap3A_720 = arith.index_cast %and3A_701 : i32 to index
            %swap3A_721 = arith.constant 16 : index
            %swap3A_722 = tpu.vector_load %arg11[%swap3A_720, %swap3A_721] {strides = array<i32>} : memref<256x128xf32, #tpu.memory_space<vmem>>, vector<16xf32>,
            tpu.vector_store %arg11[%swap3A_720, %swap3A_721], %gather3A_719 {strides = array<i32>} : memref<256x128xf32, #tpu.memory_space<vmem>>, vector<16xf32>,
            %add3A_723 = arith.constant 32 : i32
            %add3A_724 = vector.broadcast %add3A_723 : i32 to vector<16xi32>
            %add3A_725 = arith.addi %iota3A, %add3A_724 : vector<16xi32>
            %gather3A_726 = arith.constant 0 : i32
            %gather3A_727 = arith.constant 0 : i32
            %gather3A_728 = tpu.memref_slice %arg10[%and3A_626, %gather3A_726, %gather3A_727] : memref<2x64x512xf32, #tpu.memory_space<vmem>> -> memref<1x64x512xf32, #tpu.memory_space<vmem>>
            %gather3A_729 = tpu.memref_squeeze %gather3A_728 : memref<1x64x512xf32, #tpu.memory_space<vmem>> -> memref<64x512xf32, #tpu.memory_space<vmem>>
            %gather3A_730 = tpu.vector_load_idx %gather3A_729[%add3A_725, %broadcast_in_dim3A_699] : memref<64x512xf32, #tpu.memory_space<vmem>>[vector<16xi32>, vector<16xi32>], vector<16xf32>,
            %swap3A_731 = arith.index_cast %and3A_701 : i32 to index
            %swap3A_732 = arith.constant 32 : index
            %swap3A_733 = tpu.vector_load %arg11[%swap3A_731, %swap3A_732] {strides = array<i32>} : memref<256x128xf32, #tpu.memory_space<vmem>>, vector<16xf32>,
            tpu.vector_store %arg11[%swap3A_731, %swap3A_732], %gather3A_730 {strides = array<i32>} : memref<256x128xf32, #tpu.memory_space<vmem>>, vector<16xf32>,
            %add3A_734 = arith.constant 48 : i32
            %add3A_735 = vector.broadcast %add3A_734 : i32 to vector<16xi32>
            %add3A_736 = arith.addi %iota3A, %add3A_735 : vector<16xi32>
            %gather3A_737 = arith.constant 0 : i32
            %gather3A_738 = arith.constant 0 : i32
            %gather3A_739 = tpu.memref_slice %arg10[%and3A_626, %gather3A_737, %gather3A_738] : memref<2x64x512xf32, #tpu.memory_space<vmem>> -> memref<1x64x512xf32, #tpu.memory_space<vmem>>
            %gather3A_740 = tpu.memref_squeeze %gather3A_739 : memref<1x64x512xf32, #tpu.memory_space<vmem>> -> memref<64x512xf32, #tpu.memory_space<vmem>>
            %gather3A_741 = tpu.vector_load_idx %gather3A_740[%add3A_736, %broadcast_in_dim3A_699] : memref<64x512xf32, #tpu.memory_space<vmem>>[vector<16xi32>, vector<16xi32>], vector<16xf32>,
            %swap3A_742 = arith.index_cast %and3A_701 : i32 to index
            %swap3A_743 = arith.constant 48 : index
            %swap3A_744 = tpu.vector_load %arg11[%swap3A_742, %swap3A_743] {strides = array<i32>} : memref<256x128xf32, #tpu.memory_space<vmem>>, vector<16xf32>,
            tpu.vector_store %arg11[%swap3A_742, %swap3A_743], %gather3A_741 {strides = array<i32>} : memref<256x128xf32, #tpu.memory_space<vmem>>, vector<16xf32>,
            %shift_right_arithmetic3A_745 = arith.constant 7 : i32
            %shift_right_arithmetic3A_746 = arith.shrsi %while3A_690, %shift_right_arithmetic3A_745 : i32
            %broadcast_in_dim3A_747 = vector.broadcast %shift_right_arithmetic3A_746 : i32 to vector<16xi32>
            %and3A_748 = arith.constant 127 : i32
            %and3A_749 = arith.andi %while3A_690, %and3A_748 : i32
            %broadcast_in_dim3A_750 = vector.broadcast %and3A_749 : i32 to vector<16xi32>
            %slice3A_751 = vector.extract_strided_slice %get3A_694 {offsets = [0], sizes = [1], strides = [1]} : vector<16xi32> to vector<1xi32>
            %squeeze3A_752 = vector.extract %slice3A_751[0] : i32 from vector<1xi32>
            %broadcast_in_dim3A_753 = vector.broadcast %squeeze3A_752 : i32 to vector<16xi32>
            tpu.vector_store_idx %arg12[%broadcast_in_dim3A_747, %broadcast_in_dim3A_750], %broadcast_in_dim3A_753 masked %eq3A_2 : memref<8x128xi32, #tpu.memory_space<vmem>>[vector<16xi32>, vector<16xi32>], vector<16xi32>, vector<16xi1>
            %add3A_754 = arith.constant 1 : i32
            %add3A_755 = arith.addi %while3A_690, %add3A_754 : i32
            scf.yield %add3A_755 : i32
          }
          %while3A_687 = arith.constant 1 : i32
          %while3A_688 = scf.for %while3A_689 = %while3A_684 to %while3A_680 step %while3A_687 iter_args(%while3A_690 = %while3A_686) -> (i32)  : i32 {
            %get3A_691 = arith.index_cast %while3A_689 : i32 to index
            %get3A_692 = tpu.vector_load %arg13[%get3A_691] {strides = array<i32>} : memref<32xi32, #tpu.memory_space<vmem>>, vector<16xi32>,
            %get3A_693 = arith.index_cast %while3A_689 : i32 to index
            %get3A_694 = tpu.vector_load %arg14[%get3A_693] {strides = array<i32>} : memref<32xi32, #tpu.memory_space<vmem>>, vector<16xi32>,
            %slice3A_695 = vector.extract_strided_slice %get3A_692 {offsets = [0], sizes = [1], strides = [1]} : vector<16xi32> to vector<1xi32>
            %squeeze3A_696 = vector.extract %slice3A_695[0] : i32 from vector<1xi32>
            %and3A_697 = arith.constant 511 : i32
            %and3A_698 = arith.andi %squeeze3A_696, %and3A_697 : i32
            %broadcast_in_dim3A_699 = vector.broadcast %and3A_698 : i32 to vector<16xi32>
            %and3A_700 = arith.constant 255 : i32
            %and3A_701 = arith.andi %while3A_690, %and3A_700 : i32
            %add3A_702 = arith.constant 0 : i32
            %add3A_703 = vector.broadcast %add3A_702 : i32 to vector<16xi32>
            %add3A_704 = arith.addi %iota3A, %add3A_703 : vector<16xi32>
            %gather3A = arith.constant 0 : i32
            %gather3A_705 = arith.constant 0 : i32
            %gather3A_706 = tpu.memref_slice %arg10[%and3A_626, %gather3A, %gather3A_705] : memref<2x64x512xf32, #tpu.memory_space<vmem>> -> memref<1x64x512xf32, #tpu.memory_space<vmem>>
            %gather3A_707 = tpu.memref_squeeze %gather3A_706 : memref<1x64x512xf32, #tpu.memory_space<vmem>> -> memref<64x512xf32, #tpu.memory_space<vmem>>
            %gather3A_708 = tpu.vector_load_idx %gather3A_707[%add3A_704, %broadcast_in_dim3A_699] : memref<64x512xf32, #tpu.memory_space<vmem>>[vector<16xi32>, vector<16xi32>], vector<16xf32>,
            %swap3A_709 = arith.index_cast %and3A_701 : i32 to index
            %swap3A_710 = arith.constant 0 : index
            %swap3A_711 = tpu.vector_load %arg11[%swap3A_709, %swap3A_710] {strides = array<i32>} : memref<256x128xf32, #tpu.memory_space<vmem>>, vector<16xf32>,
            tpu.vector_store %arg11[%swap3A_709, %swap3A_710], %gather3A_708 {strides = array<i32>} : memref<256x128xf32, #tpu.memory_space<vmem>>, vector<16xf32>,
            %add3A_712 = arith.constant 16 : i32
            %add3A_713 = vector.broadcast %add3A_712 : i32 to vector<16xi32>
            %add3A_714 = arith.addi %iota3A, %add3A_713 : vector<16xi32>
            %gather3A_715 = arith.constant 0 : i32
            %gather3A_716 = arith.constant 0 : i32
            %gather3A_717 = tpu.memref_slice %arg10[%and3A_626, %gather3A_715, %gather3A_716] : memref<2x64x512xf32, #tpu.memory_space<vmem>> -> memref<1x64x512xf32, #tpu.memory_space<vmem>>
            %gather3A_718 = tpu.memref_squeeze %gather3A_717 : memref<1x64x512xf32, #tpu.memory_space<vmem>> -> memref<64x512xf32, #tpu.memory_space<vmem>>
            %gather3A_719 = tpu.vector_load_idx %gather3A_718[%add3A_714, %broadcast_in_dim3A_699] : memref<64x512xf32, #tpu.memory_space<vmem>>[vector<16xi32>, vector<16xi32>], vector<16xf32>,
            %swap3A_720 = arith.index_cast %and3A_701 : i32 to index
            %swap3A_721 = arith.constant 16 : index
            %swap3A_722 = tpu.vector_load %arg11[%swap3A_720, %swap3A_721] {strides = array<i32>} : memref<256x128xf32, #tpu.memory_space<vmem>>, vector<16xf32>,
            tpu.vector_store %arg11[%swap3A_720, %swap3A_721], %gather3A_719 {strides = array<i32>} : memref<256x128xf32, #tpu.memory_space<vmem>>, vector<16xf32>,
            %add3A_723 = arith.constant 32 : i32
            %add3A_724 = vector.broadcast %add3A_723 : i32 to vector<16xi32>
            %add3A_725 = arith.addi %iota3A, %add3A_724 : vector<16xi32>
            %gather3A_726 = arith.constant 0 : i32
            %gather3A_727 = arith.constant 0 : i32
            %gather3A_728 = tpu.memref_slice %arg10[%and3A_626, %gather3A_726, %gather3A_727] : memref<2x64x512xf32, #tpu.memory_space<vmem>> -> memref<1x64x512xf32, #tpu.memory_space<vmem>>
            %gather3A_729 = tpu.memref_squeeze %gather3A_728 : memref<1x64x512xf32, #tpu.memory_space<vmem>> -> memref<64x512xf32, #tpu.memory_space<vmem>>
            %gather3A_730 = tpu.vector_load_idx %gather3A_729[%add3A_725, %broadcast_in_dim3A_699] : memref<64x512xf32, #tpu.memory_space<vmem>>[vector<16xi32>, vector<16xi32>], vector<16xf32>,
            %swap3A_731 = arith.index_cast %and3A_701 : i32 to index
            %swap3A_732 = arith.constant 32 : index
            %swap3A_733 = tpu.vector_load %arg11[%swap3A_731, %swap3A_732] {strides = array<i32>} : memref<256x128xf32, #tpu.memory_space<vmem>>, vector<16xf32>,
            tpu.vector_store %arg11[%swap3A_731, %swap3A_732], %gather3A_730 {strides = array<i32>} : memref<256x128xf32, #tpu.memory_space<vmem>>, vector<16xf32>,
            %add3A_734 = arith.constant 48 : i32
            %add3A_735 = vector.broadcast %add3A_734 : i32 to vector<16xi32>
            %add3A_736 = arith.addi %iota3A, %add3A_735 : vector<16xi32>
            %gather3A_737 = arith.constant 0 : i32
            %gather3A_738 = arith.constant 0 : i32
            %gather3A_739 = tpu.memref_slice %arg10[%and3A_626, %gather3A_737, %gather3A_738] : memref<2x64x512xf32, #tpu.memory_space<vmem>> -> memref<1x64x512xf32, #tpu.memory_space<vmem>>
            %gather3A_740 = tpu.memref_squeeze %gather3A_739 : memref<1x64x512xf32, #tpu.memory_space<vmem>> -> memref<64x512xf32, #tpu.memory_space<vmem>>
            %gather3A_741 = tpu.vector_load_idx %gather3A_740[%add3A_736, %broadcast_in_dim3A_699] : memref<64x512xf32, #tpu.memory_space<vmem>>[vector<16xi32>, vector<16xi32>], vector<16xf32>,
            %swap3A_742 = arith.index_cast %and3A_701 : i32 to index
            %swap3A_743 = arith.constant 48 : index
            %swap3A_744 = tpu.vector_load %arg11[%swap3A_742, %swap3A_743] {strides = array<i32>} : memref<256x128xf32, #tpu.memory_space<vmem>>, vector<16xf32>,
            tpu.vector_store %arg11[%swap3A_742, %swap3A_743], %gather3A_741 {strides = array<i32>} : memref<256x128xf32, #tpu.memory_space<vmem>>, vector<16xf32>,
            %shift_right_arithmetic3A_745 = arith.constant 7 : i32
            %shift_right_arithmetic3A_746 = arith.shrsi %while3A_690, %shift_right_arithmetic3A_745 : i32
            %broadcast_in_dim3A_747 = vector.broadcast %shift_right_arithmetic3A_746 : i32 to vector<16xi32>
            %and3A_748 = arith.constant 127 : i32
            %and3A_749 = arith.andi %while3A_690, %and3A_748 : i32
            %broadcast_in_dim3A_750 = vector.broadcast %and3A_749 : i32 to vector<16xi32>
            %slice3A_751 = vector.extract_strided_slice %get3A_694 {offsets = [0], sizes = [1], strides = [1]} : vector<16xi32> to vector<1xi32>
            %squeeze3A_752 = vector.extract %slice3A_751[0] : i32 from vector<1xi32>
            %broadcast_in_dim3A_753 = vector.broadcast %squeeze3A_752 : i32 to vector<16xi32>
            tpu.vector_store_idx %arg12[%broadcast_in_dim3A_747, %broadcast_in_dim3A_750], %broadcast_in_dim3A_753 masked %eq3A_2 : memref<8x128xi32, #tpu.memory_space<vmem>>[vector<16xi32>, vector<16xi32>], vector<16xi32>, vector<16xi1>
            %add3A_754 = arith.constant 1 : i32
            %add3A_755 = arith.addi %while3A_690, %add3A_754 : i32
            scf.yield %add3A_755 : i32
          }
          scf.yield %while3A_688 : i32
        } else {
          scf.yield %while3A_654 : i32
        }
        scf.yield %cond3A_667 : i32
      }
      %add3A_637 = arith.constant 2 : i32
      %add3A_638 = arith.addi %scan3A_607, %add3A_637 : i32
      %lt3A_639 = arith.constant 62 : i32
      %lt3A_640 = arith.cmpi slt, %add3A_638, %lt3A_639 : i32
      %convert_element_type3A_641 = arith.extui %lt3A_640 : i1 to i32
      %cond3A_642 = arith.constant 0 : i32
      %cond3A_643 = arith.cmpi ne, %convert_element_type3A_641, %cond3A_642 : i32
      scf.if %cond3A_643 {
        %add3A_653 = arith.constant 2 : i32
        %add3A_654 = arith.addi %scan3A_607, %add3A_653 : i32
        %and3A_655 = arith.constant 1 : i32
        %and3A_656 = arith.andi %scan3A_607, %and3A_655 : i32
        %add3A_657 = arith.addi %mul3A_552, %add3A_654 : i32
        %lt3A_658 = arith.constant 1953 : i32
        %lt3A_659 = arith.cmpi slt, %add3A_657, %lt3A_658 : i32
        %convert_element_type3A_660 = arith.extui %lt3A_659 : i1 to i32
        %cond3A_661 = arith.constant 0 : i32
        %cond3A_662 = arith.cmpi ne, %convert_element_type3A_660, %cond3A_661 : i32
        scf.if %cond3A_662 {
          %mul3A_668 = arith.constant 512 : i32
          %mul3A_669 = arith.muli %add3A_657, %mul3A_668 : i32
          %multiple_of3A = tpu.assume_multiple %mul3A_669, 128 : i32
          %dma_start3A = arith.constant 0 : i32
          %dma_start3A_670 = arith.constant 0 : i32
          %dma_start3A_671 = tpu.memref_slice %arg10[%and3A_656, %dma_start3A, %dma_start3A_670] : memref<2x64x512xf32, #tpu.memory_space<vmem>> -> memref<1x64x512xf32, #tpu.memory_space<vmem>>
          %dma_start3A_672 = tpu.memref_squeeze %dma_start3A_671 : memref<1x64x512xf32, #tpu.memory_space<vmem>> -> memref<64x512xf32, #tpu.memory_space<vmem>>
          %dma_start3A_673 = arith.constant 0 : i32
          %dma_start3A_674 = tpu.memref_slice %arg2[%dma_start3A_673, %multiple_of3A] : memref<64x1000001xf32, #tpu.memory_space<hbm>> -> memref<64x512xf32, #tpu.memory_space<hbm>>
          %dma_start3A_675 = arith.constant 0 : i32
          %dma_start3A_676 = arith.constant 0 : i32
          %dma_start3A_677 = tpu.memref_slice %arg10[%and3A_656, %dma_start3A_675, %dma_start3A_676] : memref<2x64x512xf32, #tpu.memory_space<vmem>> -> memref<1x64x512xf32, #tpu.memory_space<vmem>>
          %dma_start3A_678 = tpu.memref_squeeze %dma_start3A_677 : memref<1x64x512xf32, #tpu.memory_space<vmem>> -> memref<64x512xf32, #tpu.memory_space<vmem>>
          %dma_start3A_679 = arith.constant 0 : i32
          %dma_start3A_680 = tpu.memref_slice %arg2[%dma_start3A_679, %multiple_of3A] : memref<64x1000001xf32, #tpu.memory_space<hbm>> -> memref<64x512xf32, #tpu.memory_space<hbm>>
          tpu.enqueue_dma source(%dma_start3A_680 : memref<64x512xf32, #tpu.memory_space<hbm>>) target(%dma_start3A_678 : memref<64x512xf32, #tpu.memory_space<vmem>>) target_semaphore(%arg15 : memref<!tpu.dma_semaphore, #tpu.memory_space<semaphore_mem>>)
        } else {
        }
        %ge3A_663 = arith.constant 1953 : i32
        %ge3A_664 = arith.cmpi sge, %add3A_657, %ge3A_663 : i32
        %convert_element_type3A_665 = arith.extui %ge3A_664 : i1 to i32
        %cond3A_666 = arith.constant 0 : i32
        %cond3A_667 = arith.cmpi ne, %convert_element_type3A_665, %cond3A_666 : i32
        scf.if %cond3A_667 {
          %dma_start3A = arith.constant 0 : i32
          %dma_start3A_668 = arith.constant 0 : i32
          %dma_start3A_669 = tpu.memref_slice %arg10[%and3A_656, %dma_start3A, %dma_start3A_668] : memref<2x64x512xf32, #tpu.memory_space<vmem>> -> memref<1x64x128xf32, #tpu.memory_space<vmem>>
          %dma_start3A_670 = tpu.memref_squeeze %dma_start3A_669 : memref<1x64x128xf32, #tpu.memory_space<vmem>> -> memref<64x128xf32, #tpu.memory_space<vmem>>
          %dma_start3A_671 = arith.constant 0 : i32
          %dma_start3A_672 = arith.constant 0 : i32
          %dma_start3A_673 = tpu.memref_slice %arg10[%and3A_656, %dma_start3A_671, %dma_start3A_672] : memref<2x64x512xf32, #tpu.memory_space<vmem>> -> memref<1x64x128xf32, #tpu.memory_space<vmem>>
          %dma_start3A_674 = tpu.memref_squeeze %dma_start3A_673 : memref<1x64x128xf32, #tpu.memory_space<vmem>> -> memref<64x128xf32, #tpu.memory_space<vmem>>
          tpu.enqueue_dma source(%arg3 : memref<64x128xf32, #tpu.memory_space<hbm>>) target(%dma_start3A_674 : memref<64x128xf32, #tpu.memory_space<vmem>>) target_semaphore(%arg15 : memref<!tpu.dma_semaphore, #tpu.memory_space<semaphore_mem>>)
          %dma_start3A_675 = arith.constant 0 : i32
          %dma_start3A_676 = arith.constant 128 : i32
          %dma_start3A_677 = tpu.memref_slice %arg10[%and3A_656, %dma_start3A_675, %dma_start3A_676] : memref<2x64x512xf32, #tpu.memory_space<vmem>> -> memref<1x64x128xf32, #tpu.memory_space<vmem>>
          %dma_start3A_678 = tpu.memref_squeeze %dma_start3A_677 : memref<1x64x128xf32, #tpu.memory_space<vmem>> -> memref<64x128xf32, #tpu.memory_space<vmem>>
          %dma_start3A_679 = arith.constant 0 : i32
          %dma_start3A_680 = arith.constant 128 : i32
          %dma_start3A_681 = tpu.memref_slice %arg10[%and3A_656, %dma_start3A_679, %dma_start3A_680] : memref<2x64x512xf32, #tpu.memory_space<vmem>> -> memref<1x64x128xf32, #tpu.memory_space<vmem>>
          %dma_start3A_682 = tpu.memref_squeeze %dma_start3A_681 : memref<1x64x128xf32, #tpu.memory_space<vmem>> -> memref<64x128xf32, #tpu.memory_space<vmem>>
          tpu.enqueue_dma source(%arg3 : memref<64x128xf32, #tpu.memory_space<hbm>>) target(%dma_start3A_682 : memref<64x128xf32, #tpu.memory_space<vmem>>) target_semaphore(%arg15 : memref<!tpu.dma_semaphore, #tpu.memory_space<semaphore_mem>>)
          %dma_start3A_683 = arith.constant 0 : i32
          %dma_start3A_684 = arith.constant 256 : i32
          %dma_start3A_685 = tpu.memref_slice %arg10[%and3A_656, %dma_start3A_683, %dma_start3A_684] : memref<2x64x512xf32, #tpu.memory_space<vmem>> -> memref<1x64x128xf32, #tpu.memory_space<vmem>>
          %dma_start3A_686 = tpu.memref_squeeze %dma_start3A_685 : memref<1x64x128xf32, #tpu.memory_space<vmem>> -> memref<64x128xf32, #tpu.memory_space<vmem>>
          %dma_start3A_687 = arith.constant 0 : i32
          %dma_start3A_688 = arith.constant 256 : i32
          %dma_start3A_689 = tpu.memref_slice %arg10[%and3A_656, %dma_start3A_687, %dma_start3A_688] : memref<2x64x512xf32, #tpu.memory_space<vmem>> -> memref<1x64x128xf32, #tpu.memory_space<vmem>>
          %dma_start3A_690 = tpu.memref_squeeze %dma_start3A_689 : memref<1x64x128xf32, #tpu.memory_space<vmem>> -> memref<64x128xf32, #tpu.memory_space<vmem>>
          tpu.enqueue_dma source(%arg3 : memref<64x128xf32, #tpu.memory_space<hbm>>) target(%dma_start3A_690 : memref<64x128xf32, #tpu.memory_space<vmem>>) target_semaphore(%arg15 : memref<!tpu.dma_semaphore, #tpu.memory_space<semaphore_mem>>)
          %dma_start3A_691 = arith.constant 0 : i32
          %dma_start3A_692 = arith.constant 384 : i32
          %dma_start3A_693 = tpu.memref_slice %arg10[%and3A_656, %dma_start3A_691, %dma_start3A_692] : memref<2x64x512xf32, #tpu.memory_space<vmem>> -> memref<1x64x128xf32, #tpu.memory_space<vmem>>
          %dma_start3A_694 = tpu.memref_squeeze %dma_start3A_693 : memref<1x64x128xf32, #tpu.memory_space<vmem>> -> memref<64x128xf32, #tpu.memory_space<vmem>>
          %dma_start3A_695 = arith.constant 0 : i32
          %dma_start3A_696 = arith.constant 384 : i32
          %dma_start3A_697 = tpu.memref_slice %arg10[%and3A_656, %dma_start3A_695, %dma_start3A_696] : memref<2x64x512xf32, #tpu.memory_space<vmem>> -> memref<1x64x128xf32, #tpu.memory_space<vmem>>
          %dma_start3A_698 = tpu.memref_squeeze %dma_start3A_697 : memref<1x64x128xf32, #tpu.memory_space<vmem>> -> memref<64x128xf32, #tpu.memory_space<vmem>>
          tpu.enqueue_dma source(%arg3 : memref<64x128xf32, #tpu.memory_space<hbm>>) target(%dma_start3A_698 : memref<64x128xf32, #tpu.memory_space<vmem>>) target_semaphore(%arg15 : memref<!tpu.dma_semaphore, #tpu.memory_space<semaphore_mem>>)
        } else {
        }
      } else {
      }
      %sub3A = arith.subi %while3A_636, %scan3A_609 : i32
      %ge3A_644 = arith.constant 128 : i32
      %ge3A_645 = arith.cmpi sge, %sub3A, %ge3A_644 : i32
      %convert_element_type3A_646 = arith.extui %ge3A_645 : i1 to i32
      %cond3A_647 = arith.constant 0 : i32
      %cond3A_648 = arith.cmpi ne, %convert_element_type3A_646, %cond3A_647 : i32
      scf.if %cond3A_648 {
        %and3A_653 = arith.constant 255 : i32
        %and3A_654 = arith.andi %scan3A_609, %and3A_653 : i32
        %multiple_of3A = tpu.assume_multiple %and3A_654, 128 : i32
        %mul3A_655 = arith.constant 768 : i32
        %mul3A_656 = arith.muli %add3A, %mul3A_655 : i32
        %add3A_657 = arith.addi %mul3A_656, %scan3A_609 : i32
        %multiple_of3A_658 = tpu.assume_multiple %add3A_657, 128 : i32
        "tpu.region"() ({
          %run_scoped3A = tpu.sem_alloc : memref<!tpu.dma_semaphore, #tpu.memory_space<semaphore_mem>>
          %dma_start3A = arith.constant 0 : i32
          %dma_start3A_659 = tpu.memref_slice %arg11[%multiple_of3A, %dma_start3A] : memref<256x128xf32, #tpu.memory_space<vmem>> -> memref<128x128xf32, #tpu.memory_space<vmem>>
          %dma_start3A_660 = arith.constant 0 : i32
          %dma_start3A_661 = tpu.memref_slice %arg5[%multiple_of3A_658, %dma_start3A_660] : memref<24576x128xf32, #tpu.memory_space<hbm>> -> memref<128x128xf32, #tpu.memory_space<hbm>>
          %dma_start3A_662 = arith.constant 0 : i32
          %dma_start3A_663 = tpu.memref_slice %arg5[%multiple_of3A_658, %dma_start3A_662] : memref<24576x128xf32, #tpu.memory_space<hbm>> -> memref<128x128xf32, #tpu.memory_space<hbm>>
          %dma_start3A_664 = arith.constant 0 : i32
          %dma_start3A_665 = tpu.memref_slice %arg11[%multiple_of3A, %dma_start3A_664] : memref<256x128xf32, #tpu.memory_space<vmem>> -> memref<128x128xf32, #tpu.memory_space<vmem>>
          tpu.enqueue_dma source(%dma_start3A_665 : memref<128x128xf32, #tpu.memory_space<vmem>>) target(%dma_start3A_663 : memref<128x128xf32, #tpu.memory_space<hbm>>) target_semaphore(%run_scoped3A : memref<!tpu.dma_semaphore, #tpu.memory_space<semaphore_mem>>)
          %dma_wait3A_666 = arith.constant 0 : i32
          %dma_wait3A_667 = tpu.memref_slice %arg11[%multiple_of3A, %dma_wait3A_666] : memref<256x128xf32, #tpu.memory_space<vmem>> -> memref<128x128xf32, #tpu.memory_space<vmem>>
          %dma_wait3A_668 = arith.constant 0 : i32
          %dma_wait3A_669 = tpu.memref_slice %arg5[%multiple_of3A_658, %dma_wait3A_668] : memref<24576x128xf32, #tpu.memory_space<hbm>> -> memref<128x128xf32, #tpu.memory_space<hbm>>
          %dma_wait3A_670 = arith.constant 0 : i32
          %dma_wait3A_671 = tpu.memref_slice %arg5[%multiple_of3A_658, %dma_wait3A_670] : memref<24576x128xf32, #tpu.memory_space<hbm>> -> memref<128x128xf32, #tpu.memory_space<hbm>>
          %dma_wait3A_672 = arith.constant 0 : i32
          %dma_wait3A_673 = tpu.memref_slice %arg11[%multiple_of3A, %dma_wait3A_672] : memref<256x128xf32, #tpu.memory_space<vmem>> -> memref<128x128xf32, #tpu.memory_space<vmem>>
          tpu.wait_dma2 semaphore(%run_scoped3A : memref<!tpu.dma_semaphore, #tpu.memory_space<semaphore_mem>>) src(%dma_wait3A_673 : memref<128x128xf32, #tpu.memory_space<vmem>>) dst(%dma_wait3A_671 : memref<128x128xf32, #tpu.memory_space<hbm>>)
          tpu.yield
        }) : () -> ()
      } else {
      }
      %convert_element_type3A_649 = arith.extui %ge3A_645 : i1 to i32
      %mul3A_650 = arith.constant 128 : i32
      %mul3A_651 = arith.muli %mul3A_650, %convert_element_type3A_649 : i32
      %add3A_652 = arith.addi %scan3A_609, %mul3A_651 : i32
      scf.yield %while3A_636, %add3A_652 : i32, i32
    }
    %scan3A_589 = arith.constant 62 : i32
    %gt3A = arith.cmpi sgt, %scan3A_588#0, %scan3A_588#1 : i32
    %convert_element_type3A_590 = arith.extui %gt3A : i1 to i32
    %cond3A_591 = arith.constant 0 : i32
    %cond3A_592 = arith.cmpi ne, %convert_element_type3A_590, %cond3A_591 : i32
    scf.if %cond3A_592 {
      %and3A = arith.constant 255 : i32
      %and3A_607 = arith.andi %scan3A_588#1, %and3A : i32
      %multiple_of3A = tpu.assume_multiple %and3A_607, 128 : i32
      %mul3A_608 = arith.constant 768 : i32
      %mul3A_609 = arith.muli %add3A, %mul3A_608 : i32
      %add3A_610 = arith.addi %mul3A_609, %scan3A_588#1 : i32
      %multiple_of3A_611 = tpu.assume_multiple %add3A_610, 128 : i32
      "tpu.region"() ({
        %run_scoped3A = tpu.sem_alloc : memref<!tpu.dma_semaphore, #tpu.memory_space<semaphore_mem>>
        %dma_start3A = arith.constant 0 : i32
        %dma_start3A_612 = tpu.memref_slice %arg11[%multiple_of3A, %dma_start3A] : memref<256x128xf32, #tpu.memory_space<vmem>> -> memref<128x128xf32, #tpu.memory_space<vmem>>
        %dma_start3A_613 = arith.constant 0 : i32
        %dma_start3A_614 = tpu.memref_slice %arg5[%multiple_of3A_611, %dma_start3A_613] : memref<24576x128xf32, #tpu.memory_space<hbm>> -> memref<128x128xf32, #tpu.memory_space<hbm>>
        %dma_start3A_615 = arith.constant 0 : i32
        %dma_start3A_616 = tpu.memref_slice %arg5[%multiple_of3A_611, %dma_start3A_615] : memref<24576x128xf32, #tpu.memory_space<hbm>> -> memref<128x128xf32, #tpu.memory_space<hbm>>
        %dma_start3A_617 = arith.constant 0 : i32
        %dma_start3A_618 = tpu.memref_slice %arg11[%multiple_of3A, %dma_start3A_617] : memref<256x128xf32, #tpu.memory_space<vmem>> -> memref<128x128xf32, #tpu.memory_space<vmem>>
        tpu.enqueue_dma source(%dma_start3A_618 : memref<128x128xf32, #tpu.memory_space<vmem>>) target(%dma_start3A_616 : memref<128x128xf32, #tpu.memory_space<hbm>>) target_semaphore(%run_scoped3A : memref<!tpu.dma_semaphore, #tpu.memory_space<semaphore_mem>>)
        %dma_wait3A = arith.constant 0 : i32
        %dma_wait3A_619 = tpu.memref_slice %arg11[%multiple_of3A, %dma_wait3A] : memref<256x128xf32, #tpu.memory_space<vmem>> -> memref<128x128xf32, #tpu.memory_space<vmem>>
        %dma_wait3A_620 = arith.constant 0 : i32
        %dma_wait3A_621 = tpu.memref_slice %arg5[%multiple_of3A_611, %dma_wait3A_620] : memref<24576x128xf32, #tpu.memory_space<hbm>> -> memref<128x128xf32, #tpu.memory_space<hbm>>
        %dma_wait3A_622 = arith.constant 0 : i32
        %dma_wait3A_623 = tpu.memref_slice %arg5[%multiple_of3A_611, %dma_wait3A_622] : memref<24576x128xf32, #tpu.memory_space<hbm>> -> memref<128x128xf32, #tpu.memory_space<hbm>>
        %dma_wait3A_624 = arith.constant 0 : i32
        %dma_wait3A_625 = tpu.memref_slice %arg11[%multiple_of3A, %dma_wait3A_624] : memref<256x128xf32, #tpu.memory_space<vmem>> -> memref<128x128xf32, #tpu.memory_space<vmem>>
        tpu.wait_dma2 semaphore(%run_scoped3A : memref<!tpu.dma_semaphore, #tpu.memory_space<semaphore_mem>>) src(%dma_wait3A_625 : memref<128x128xf32, #tpu.memory_space<vmem>>) dst(%dma_wait3A_623 : memref<128x128xf32, #tpu.memory_space<hbm>>)
        tpu.yield
      }) : () -> ()
    } else {
    }
    %convert_element_type3A_593 = arith.extui %gt3A : i1 to i32
    %mul3A_594 = arith.constant 128 : i32
    %mul3A_595 = arith.muli %mul3A_594, %convert_element_type3A_593 : i32
    %add3A_596 = arith.addi %scan3A_588#1, %mul3A_595 : i32
    %gt3A_597 = arith.cmpi sgt, %scan3A_588#0, %add3A_596 : i32
    %convert_element_type3A_598 = arith.extui %gt3A_597 : i1 to i32
    %cond3A_599 = arith.constant 0 : i32
    %cond3A_600 = arith.cmpi ne, %convert_element_type3A_598, %cond3A_599 : i32
    scf.if %cond3A_600 {
      %and3A = arith.constant 255 : i32
      %and3A_607 = arith.andi %add3A_596, %and3A : i32
      %multiple_of3A = tpu.assume_multiple %and3A_607, 128 : i32
      %mul3A_608 = arith.constant 768 : i32
      %mul3A_609 = arith.muli %add3A, %mul3A_608 : i32
      %add3A_610 = arith.addi %mul3A_609, %add3A_596 : i32
      %multiple_of3A_611 = tpu.assume_multiple %add3A_610, 128 : i32
      "tpu.region"() ({
        %run_scoped3A = tpu.sem_alloc : memref<!tpu.dma_semaphore, #tpu.memory_space<semaphore_mem>>
        %dma_start3A = arith.constant 0 : i32
        %dma_start3A_612 = tpu.memref_slice %arg11[%multiple_of3A, %dma_start3A] : memref<256x128xf32, #tpu.memory_space<vmem>> -> memref<128x128xf32, #tpu.memory_space<vmem>>
        %dma_start3A_613 = arith.constant 0 : i32
        %dma_start3A_614 = tpu.memref_slice %arg5[%multiple_of3A_611, %dma_start3A_613] : memref<24576x128xf32, #tpu.memory_space<hbm>> -> memref<128x128xf32, #tpu.memory_space<hbm>>
        %dma_start3A_615 = arith.constant 0 : i32
        %dma_start3A_616 = tpu.memref_slice %arg5[%multiple_of3A_611, %dma_start3A_615] : memref<24576x128xf32, #tpu.memory_space<hbm>> -> memref<128x128xf32, #tpu.memory_space<hbm>>
        %dma_start3A_617 = arith.constant 0 : i32
        %dma_start3A_618 = tpu.memref_slice %arg11[%multiple_of3A, %dma_start3A_617] : memref<256x128xf32, #tpu.memory_space<vmem>> -> memref<128x128xf32, #tpu.memory_space<vmem>>
        tpu.enqueue_dma source(%dma_start3A_618 : memref<128x128xf32, #tpu.memory_space<vmem>>) target(%dma_start3A_616 : memref<128x128xf32, #tpu.memory_space<hbm>>) target_semaphore(%run_scoped3A : memref<!tpu.dma_semaphore, #tpu.memory_space<semaphore_mem>>)
        %dma_wait3A = arith.constant 0 : i32
        %dma_wait3A_619 = tpu.memref_slice %arg11[%multiple_of3A, %dma_wait3A] : memref<256x128xf32, #tpu.memory_space<vmem>> -> memref<128x128xf32, #tpu.memory_space<vmem>>
        %dma_wait3A_620 = arith.constant 0 : i32
        %dma_wait3A_621 = tpu.memref_slice %arg5[%multiple_of3A_611, %dma_wait3A_620] : memref<24576x128xf32, #tpu.memory_space<hbm>> -> memref<128x128xf32, #tpu.memory_space<hbm>>
        %dma_wait3A_622 = arith.constant 0 : i32
        %dma_wait3A_623 = tpu.memref_slice %arg5[%multiple_of3A_611, %dma_wait3A_622] : memref<24576x128xf32, #tpu.memory_space<hbm>> -> memref<128x128xf32, #tpu.memory_space<hbm>>
        %dma_wait3A_624 = arith.constant 0 : i32
        %dma_wait3A_625 = tpu.memref_slice %arg11[%multiple_of3A, %dma_wait3A_624] : memref<256x128xf32, #tpu.memory_space<vmem>> -> memref<128x128xf32, #tpu.memory_space<vmem>>
        tpu.wait_dma2 semaphore(%run_scoped3A : memref<!tpu.dma_semaphore, #tpu.memory_space<semaphore_mem>>) src(%dma_wait3A_625 : memref<128x128xf32, #tpu.memory_space<vmem>>) dst(%dma_wait3A_623 : memref<128x128xf32, #tpu.memory_space<hbm>>)
        tpu.yield
      }) : () -> ()
    } else {
    }
    %convert_element_type3A_601 = arith.extui %gt3A_597 : i1 to i32
    %mul3A_602 = arith.constant 128 : i32
    %mul3A_603 = arith.muli %mul3A_602, %convert_element_type3A_601 : i32
    %add3A_604 = arith.addi %add3A_596, %mul3A_603 : i32
    %mul3A_605 = arith.constant 8 : i32
    %mul3A_606 = arith.muli %add3A, %mul3A_605 : i32
    "tpu.region"() ({
      %run_scoped3A = tpu.sem_alloc : memref<!tpu.dma_semaphore, #tpu.memory_space<semaphore_mem>>
      %dma_start3A = arith.constant 0 : i32
      %dma_start3A_607 = tpu.memref_slice %arg6[%mul3A_606, %dma_start3A] : memref<256x128xi32, #tpu.memory_space<hbm>> -> memref<8x128xi32, #tpu.memory_space<hbm>>
      %dma_start3A_608 = arith.constant 0 : i32
      %dma_start3A_609 = tpu.memref_slice %arg6[%mul3A_606, %dma_start3A_608] : memref<256x128xi32, #tpu.memory_space<hbm>> -> memref<8x128xi32, #tpu.memory_space<hbm>>
      tpu.enqueue_dma source(%arg12 : memref<8x128xi32, #tpu.memory_space<vmem>>) target(%dma_start3A_609 : memref<8x128xi32, #tpu.memory_space<hbm>>) target_semaphore(%run_scoped3A : memref<!tpu.dma_semaphore, #tpu.memory_space<semaphore_mem>>)
      %dma_wait3A = arith.constant 0 : i32
      %dma_wait3A_610 = tpu.memref_slice %arg6[%mul3A_606, %dma_wait3A] : memref<256x128xi32, #tpu.memory_space<hbm>> -> memref<8x128xi32, #tpu.memory_space<hbm>>
      %dma_wait3A_611 = arith.constant 0 : i32
      %dma_wait3A_612 = tpu.memref_slice %arg6[%mul3A_606, %dma_wait3A_611] : memref<256x128xi32, #tpu.memory_space<hbm>> -> memref<8x128xi32, #tpu.memory_space<hbm>>
      tpu.wait_dma2 semaphore(%run_scoped3A : memref<!tpu.dma_semaphore, #tpu.memory_space<semaphore_mem>>) src(%arg12 : memref<8x128xi32, #tpu.memory_space<vmem>>) dst(%dma_wait3A_612 : memref<8x128xi32, #tpu.memory_space<hbm>>)
      tpu.yield
    }) : () -> ()
    return
  }
}

</mosaic_0001>

<sc_bundles>
// kernel: kernel.4.cloned.1.call-start
scs
__scs_entry_jumppad:
0x0: {  	(pc) =	sbr.rel $0x88, $3  }
0x1: {  	(tag) =	ssettag $0x0;
	lr =	simm.s32 $0x1  }
0x2: {  	[smem:$0x3F9F] =	sst lr;
	_ =	strace $0xD0000000  }
0x3: {  	_ = 	snop  }
0x4: {  	_ = 	snop  }
0x5: {  	_ = 	snop  }
0x6: {  	_ = 	snop  }
0x7: {  	_ = 	snop  }
__scs_overlays_trampoline_lowered:
0x8: {  	[smem:$0x3FAE] =	sst s0  }
0x9: {  	[smem:$0x3FAF] =	sst s1  }
0xa: {  	[smem:$0x3FB0] =	sst s2  }
0xb: {  	[smem:$0x3FB1] =	sst s3  }
0xc: {  	[smem:$0x3FB2] =	sst s4  }
0xd: {  	[smem:$0x3FB3] =	sst s5  }
0xe: {  	[smem:$0x3FB4] =	sst s6  }
0xf: {  	[smem:$0x3FB5] =	sst s7  }
0x10: {  	[smem:$0x3FB6] =	sst s8  }
0x11: {  	[smem:$0x3FB7] =	sst s9;
	s0 =	simm.s32 @!p0 $0x0  }
0x12: {  	s1 =	sld [smem:$0x3F9D];
	s0 =	simm.s32 @p0 $0x1  }
0x13: {  	[smem:$0x3FB8] =	sst s0;
	s0 =	simm.s32 @!p1 $0x0  }
0x14: {  	s2 =	sld [smem:$0x3F9C];
	s0 =	simm.s32 @p1 $0x1  }
0x15: {  	[smem:$0x3FB9] =	sst s0;
	s0 =	simm.s32 @!p2 $0x0  }
0x16: {  	s3 =	sld [smem:$0x3FDB];
	s0 =	simm.s32 @p2 $0x1  }
0x17: {  	s4 =	simm.s32 $0x1BF5;
	[smem:$0x3FBB] =	sst s0  }
0x18: {  	s0 =	sld [smem:$0x3F9E];
	_ =	swait.ge [sflag:s4], $0x0  }
0x19: {  	s7 =	sld [smem:$0x3F9F]  }
0x1a: {  	s8 =	sadd.s32 $0xFFFFE003, lr  }
0x1b: {  	s9 =	sadd.s32 $0xFFFFFEF7, lr;
	s5 =	simm.s32 $0xFFFFFFFF;
	p2 =	slt.u32 s8, $0xFFFFF086  }
0x1c: {  	p1 =	slt.u32 s9, $0xF7A;
	s5 =	simm.s32 @!p2 $0x0  }
0x1d: {  	s5 =	simm.s32 @p1 $0x1;
	p0 =	seq.s32 s7, s2  }
0x1e: {  	s7 =	smul.u32 @!p0 $0xF7A, s2;
	p2 =	seq.s32 @!p0 s5, $0x0  }
0x1f: {  	s9 =	smul.u32 $0xF7A, s1;
	s8 =	simm.s32 @!p0 $0x1BF5;
	p2 =	por !p2, p0  }
0x20: {  	[sflag:s8] =	ssyncset.s32 @!p0 $0xFFFFF086;
	s6 =	sadd.s32 @!p0 s3, s7;
	s7 =	simm.s32 @!p0 $0x108  }
0x21: {  	s3 =	sadd.s32 s3, s9;
	s6 =	sadd.s32 @!p0 $0x88, s6;
	s7 =	simm.s32 @p2 $0x1082  }
0x22: {  	[simem:s7], [sflag:s8] =	dma.local @!p0 [hbm:s6], $0xF7A  }
0x23: {  	s9 =	sor.u32 $0xD0000000, s2;
	s6 =	simm.s32 $0x108;
	_ =	swait.ge @!p0 [sflag:s8], $0x0  }
0x24: {  	s3 =	sadd.s32 $0x88, s3;
	s6 =	simm.s32 @!p1 $0x1082;
	[sflag:s4] =	ssyncset.s32 $0xFFFFF086  }
0x25: {  	[simem:s6], [sflag:s4] =	dma.local [hbm:s3], $0xF7A  }
0x26: {  	[smem:$0x3F9F] =	sst s1;
	(tag) =	ssettag s2;
	_ =	strace s9  }
0x27: {  	s1 =	sld [smem:$0x3FAF]  }
0x28: {  	s2 =	sld [smem:$0x3FB0]  }
0x29: {  	s4 =	sld [smem:$0x3FB2]  }
0x2a: {  	p0 =	seq.s32 s5, $0x0;
	s5 =	sld [smem:$0x3FB3]  }
0x2b: {  	s6 =	sld [smem:$0x3FB4]  }
0x2c: {  	s7 =	sld [smem:$0x3FB5]  }
0x2d: {  	s3 =	simm.s32 $0x108;
	s8 =	sld [smem:$0x3FB6]  }
0x2e: {  	s3 =	simm.s32 @!p0 $0x1082;
	s9 =	sld [smem:$0x3FB7]  }
0x2f: {  	lr =	sadd.s32 s0, s3;
	s0 =	sld [smem:$0x3FAE]  }
0x30: {  	s3 =	sld [smem:$0x3FB1]  }
0x31: {  	[smem:$0x3FBA] =	sst s10  }
0x32: {  	s10 =	sld [smem:$0x3FB8];
	_ =	sdelay $0x3  }
0x33: {  	p0 =	seq.s32 s10, $0x1;
	s10 =	sld [smem:$0x3FBA];
	_ =	sdelay $0x3  }
0x34: {  	[smem:$0x3FBA] =	sst s10  }
0x35: {  	s10 =	sld [smem:$0x3FB9];
	_ =	sdelay $0x3  }
0x36: {  	p1 =	seq.s32 s10, $0x1;
	s10 =	sld [smem:$0x3FBA];
	_ =	sdelay $0x3  }
0x37: {  	[smem:$0x3FBA] =	sst s10  }
0x38: {  	s10 =	sld [smem:$0x3FBB]  }
0x39: {  	_ = 	snop;
	(pc) =	sbr.ind lr, $3  }
0x3a: {  	_ = 	snop  }
0x3b: {  	_ = 	snop  }
0x3c: {  	p2 =	seq.s32 s10, $0x1;
	s10 =	sld [smem:$0x3FBA]  }
0x3d: {  	_ =	shalt  }
0x3e: {  	_ =	shalt  }
0x3f: {  	_ =	shalt  }
0x40: {  	_ =	shalt  }
0x41: {  	_ =	shalt  }
0x42: {  	_ =	shalt  }
0x43: {  	_ =	shalt  }
0x44: {  	_ =	shalt  }
0x45: {  	_ =	shalt  }
0x46: {  	_ =	shalt  }
0x47: {  	_ =	shalt  }
0x48: {  	_ =	shalt  }
0x49: {  	_ =	shalt  }
0x4a: {  	_ =	shalt  }
0x4b: {  	_ =	shalt  }
0x4c: {  	_ =	shalt  }
0x4d: {  	_ =	shalt  }
0x4e: {  	_ =	shalt  }
0x4f: {  	_ =	shalt  }
0x50: {  	_ =	shalt  }
0x51: {  	_ =	shalt  }
0x52: {  	_ =	shalt  }
0x53: {  	_ =	shalt  }
0x54: {  	_ =	shalt  }
0x55: {  	_ =	shalt  }
0x56: {  	_ =	shalt  }
0x57: {  	_ =	shalt  }
0x58: {  	_ =	shalt  }
0x59: {  	_ =	shalt  }
0x5a: {  	_ =	shalt  }
0x5b: {  	_ =	shalt  }
0x5c: {  	_ =	shalt  }
0x5d: {  	_ =	shalt  }
0x5e: {  	_ =	shalt  }
0x5f: {  	_ =	shalt  }
0x60: {  	_ =	shalt  }
0x61: {  	_ =	shalt  }
0x62: {  	_ =	shalt  }
0x63: {  	_ =	shalt  }
0x64: {  	_ =	shalt  }
0x65: {  	_ =	shalt  }
0x66: {  	_ =	shalt  }
0x67: {  	_ =	shalt  }
0x68: {  	_ =	shalt  }
0x69: {  	_ =	shalt  }
0x6a: {  	_ =	shalt  }
0x6b: {  	_ =	shalt  }
0x6c: {  	_ =	shalt  }
0x6d: {  	_ =	shalt  }
0x6e: {  	_ =	shalt  }
0x6f: {  	_ =	shalt  }
0x70: {  	_ =	shalt  }
0x71: {  	_ =	shalt  }
0x72: {  	_ =	shalt  }
0x73: {  	_ =	shalt  }
0x74: {  	_ =	shalt  }
0x75: {  	_ =	shalt  }
0x76: {  	_ =	shalt  }
0x77: {  	_ =	shalt  }
0x78: {  	_ =	shalt  }
0x79: {  	_ =	shalt  }
0x7a: {  	_ =	shalt  }
0x7b: {  	_ =	shalt  }
0x7c: {  	_ =	shalt  }
0x7d: {  	_ =	shalt  }
0x7e: {  	_ =	shalt  }
0x7f: {  	_ =	shalt  }
0x80: {  	_ =	shalt  }
0x81: {  	_ =	shalt  }
0x82: {  	_ =	shalt  }
0x83: {  	_ =	shalt  }
0x84: {  	_ =	shalt  }
0x85: {  	_ =	shalt  }
0x86: {  	_ =	shalt  }
0x87: {  	_ =	shalt  }
.Lfunc_end0:
.L_simem_size_0:
called_computation_lowered:
.L_overlay_start_0:
0x88: {  	s2 =	sld [smem:$0x3FD9]  }
0x89: {  	s3 =	sld [smem:$0x3FFE];
	_ =	sdelay $0x1  }
0x8a: {  	s1 =	srdreg.scid  }
0x8b: {  	s0 =	sand.u32 $0x1, s1  }
0x8c: {  	s17 =	sshll.u32 s0, $0xA;
	s2 =	sadd.s32 s3, s2  }
0x8d: {  	s2 =	sadd.s32 s2, s17  }
0x8e: {  	[smem:$0x3FC6] =	sst s2  }
0x8f: {  	_ = 	snop  }
0x90: {  	s2 =	sld [smem:$0x3FC9]  }
0x91: {  	s18 =	sld [smem:$0x3FC8]  }
0x92: {  	s4 =	sld [smem:$0x3FD0];
	(tm) =	ssettm $0x1  }
0x93: {  	s5 =	sld [smem:$0x3FFB];
	_ =	sdelay $0x3  }
0x94: {  	_ =	strace s5  }
0x95: {  	s5 =	sld [smem:$0x3FFC];
	_ =	sdelay $0x3  }
0x96: {  	_ =	strace s5  }
0x97: {  	s5 =	sld [smem:$0x3FFD];
	_ =	sdelay $0x3  }
0x98: {  	_ =	strace s5  }
0x99: {  	_ =	strace $0x8FFFFFFF  }
0x9a: {  	s19 =	sld [smem:$0x3FDB];
	_ =	sdelay $0x1  }
0x9b: {  	s6 =	simm.s32 $_scs_section_size  }
0x9c: {  	s7 =	simm.s32 $_size__tile_overlayer_lowered;
	s8 =	simm.s32 $_tile_overlayer_lowered  }
0x9d: {  	s22 =	simm.s32 $0x1BFF;
	s21 =	sshll.u32 s8, $0x1;
	s5 =	sadd.s32 s6, s19  }
0x9e: {  	s9 =	simm.s32 $0x0;
	s20 =	sshll.u32 s7, $0x1;
	s7 =	sadd.s32 s21, s5  }
0x9f: {  	[timem:s9], [sflag:s22] =	dma.local [hbm:s7], s20  }
0xa0: {  	_ =	swait.ge [sflag:s22], s20  }
0xa1: {  	s6 =	ssub.s32 $0x0, s20;
	[sflag:s22] =	ssyncset.done $0x0  }
0xa2: {  	[sflag:s22] =	ssyncadd.s32 s6;
	_ =	sdelay $0x1  }
0xa3: {  	s23 =	simm.s32 $0x1B8B  }
0xa4: {  	_ =	swait.ge [sflag:s23], $0x1  }
0xa5: {  	[sflag:s23] =	ssyncset.done $0x0  }
0xa6: {  	s25 =	simm.s32 $0x1B8E;
	s24 =	sld [smem:$0x3FFE];
	[sflag:s23] =	ssyncadd.s32 $0xFFFFFFFF  }
0xa7: {  	s26 =	simm.s32 $execute0_lowered;
	[smem:$0x3FD2] =	sst s25  }
0xa8: {  	s7 =	sshll.u32 s26, $0x1;
	_ =	strace $0x80000046;
	[dreg:$0x1] =	wrdreg $0xFFFFFFFF  }
0xa9: {  	s28 =	simm.s32 $_size_execute0_lowered;
	s5 =	sadd.s32 s5, s7;
	[dreg:$0x0] =	wrdreg $0x0  }
0xaa: {  	s7 =	sshll.u32 s28, $0x1;
	[dreg:$0x2] =	wrdreg s5  }
0xab: {  	[dreg:$0x3] =	wrdreg s7  }
0xac: {  	[dreg:$0x4] =	wrdreg $0xC0  }
0xad: {  	_ =	task [dreg:s9], $0x5FFFF  }
0xae: {  	[dreg:$0x1] =	wrdreg $0xFFFFFFFF  }
0xaf: {  	[dreg:$0x0] =	wrdreg $0x60  }
0xb0: {  	[dreg:$0x2] =	wrdreg s18  }
0xb1: {  	[dreg:$0x3] =	wrdreg s24  }
0xb2: {  	[dreg:$0x4] =	wrdreg s2  }
0xb3: {  	[dreg:$0x5] =	wrdreg s4  }
0xb4: {  	[dreg:$0x6] =	wrdreg $0x9  }
0xb5: {  	_ =	task.clear_ibuf [dreg:s9], $0x7FFFF;
	_ =	strace $0x90000046  }
0xb6: {  	s29 =	simm.s32 $0x9;
	_ =	strace $0x80000048  }
0xb7: {  	_ =	swait.ge [sflag:s29], $0x1  }
0xb8: {  	[sflag:s29] =	ssyncadd.s32 $0xFFFFFFFF  }
0xb9: {  	_ =	strace $0x90000048  }
0xba: {  	_ =	sfence  }
0xbb: {  	s30 =	sld [smem:$0x0];
	_ =	sdelay $0x2  }
0xbc: {  	s31 =	sshll.u32 s1, $0xD;
	s1 =	sshrl.u32 s1, $0x2  }
0xbd: {  	s3 =	sand.u32 $0x4000, s31;
	s1 =	sadd.s32 s1, s30  }
0xbe: {  	s0 =	sor.u32 s3, s0;
	s1 =	sshll.u32 s1, $0x11  }
0xbf: {  	s0 =	sor.u32 s1, s0  }
0xc0: {  	s0 =	sadd.s32 $0x8F2B, s0  }
0xc1: {  	[sflag:s0] =	ssyncadd.remote.s32 $0x1  }
0xc2: {  	_ =	sfence.sel $0xFFFF  }
0xc3: {  	[dreg:$0x0] =	wrdreg $0xFFFFFFFF;
	(pc) =	sbr.abs _section_cstart, $3  }
0xc4: {  	[dreg:$0x1] =	wrdreg $0xFFFFFFFF  }
0xc5: {  	_ =	task.clear_ibuf [dreg:s9], $0x2FFFF;
	_ =	strace $0x9FFFFFFF  }
0xc6: {  	(tm) =	ssettm $0x7FFFFFFF  }
0xc7: {  	_ =	shalt  }
tec
execute0_lowered:
.L_overlay_start_1:
0x0: {  	(tag) =	ssettag $0x1  }
0x1: {  	v0 =	vimm.s32 $0x1380;
	vm14 =	vcmask $0x300  }
0x2: {  	vm13 =	vcmask $0x704;
	vm12 =	vcmask $0xB08;
	vm11 =	vcmask $0xF0C  }
0x3: {  	vm10 =	vcmask $0x1310;
	vm9 =	vcmask $0x1714;
	vm8 =	vcmask $0x1B18  }
0x4: {  	vm7 =	vcmask $0x1F1C;
	vm6 =	vcmask $0x2320;
	vm5 =	vcmask $0x2724  }
0x5: {  	vm4 =	vcmask $0x2B28;
	vm3 =	vcmask $0x2F2C;
	vm2 =	vcmask $0x3330  }
0x6: {  	vm1 =	vcmask $0x3734;
	vm0 =	vcmask $0x3B38;
	v12 =	vimm.s32 $0x0  }
0x7: {  	v14 =	vimm.s32 $0x3380;
	v15 =	vimm.s32 $0x5380;
	v16 =	vimm.s32 $0x7380  }
0x8: {  	s0 =	srdreg.scid;
	s1 =	stileid.u32;
	v0 =	vsel vm14, $0x0, v0;
	v14 =	vsel vm14, $0x2000, v14;
	v15 =	vsel vm14, $0x4000, v15  }
0x9: {  	s2 =	sand.u32 $0x1, s0;
	s22 =	sshll.u32 s1, $0x1;
	v16 =	vsel vm14, $0x6000, v16;
	v0 =	vsel vm13, $0x80, v0;
	v14 =	vsel vm13, $0x2080, v14  }
0xa: {  	s0 =	sor.u32 s2, s22;
	v15 =	vsel vm13, $0x4080, v15;
	v16 =	vsel vm13, $0x6080, v16;
	v1 =	vsel vm12, $0x100, v0  }
0xb: {  	s1 =	smul.u32 $0x3E, s0;
	v14 =	vsel vm12, $0x2100, v14;
	v15 =	vsel vm12, $0x4100, v15;
	v16 =	vsel vm12, $0x6100, v16  }
0xc: {  	v2 =	vsel vm11, $0x180, v1;
	v14 =	vsel vm11, $0x2180, v14;
	v15 =	vsel vm11, $0x4180, v15  }
0xd: {  	v16 =	vsel vm11, $0x6180, v16;
	v0 =	vmov s1;
	v3 =	vsel vm10, $0x200, v2  }
0xe: {  	s3 =	sadd.s32 $0x3E, s1;
	v2 =	vimm.s32 $0xFFFFFFFF;
	v14 =	vsel vm10, $0x2200, v14;
	v15 =	vsel vm10, $0x4200, v15  }
0xf: {  	v16 =	vsel vm10, $0x6200, v16;
	v1 =	vmov s3;
	v4 =	vsel vm9, $0x280, v3  }
0x10: {  	v3 =	vlaneseq.u32;
	v14 =	vsel vm9, $0x2280, v14;
	v15 =	vsel vm9, $0x4280, v15  }
0x11: {  	v16 =	vsel vm9, $0x6280, v16;
	v5 =	vsel vm8, $0x300, v4;
	v4 =	vor.u32 $0x4000, v3  }
0x12: {  	s10 =	rddreg [dreg:$0x0];
	v14 =	vsel vm8, $0x2300, v14;
	v15 =	vsel vm8, $0x4300, v15;
	v16 =	vsel vm8, $0x6300, v16  }
0x13: {  	s23 =	rddreg [dreg:$0x1];
	v6 =	vsel vm7, $0x380, v5;
	v5 =	vor.u32 $0x4010, v3;
	v14 =	vsel vm7, $0x2380, v14  }
0x14: {  	s4 =	rddreg [dreg:$0x3];
	s5 =	simm.s32 $0x0;
	s28 =	simm.s32 $0x4380;
	v15 =	vsel vm7, $0x4380, v15;
	v16 =	vsel vm7, $0x6380, v16;
	v7 =	vsel vm6, $0x1000, v6  }
0x15: {  	s29 =	simm.s32 $0x1;
	s30 =	simm.s32 $0x1C700;
	[smem:$0x7FF] =	sst s5;
	v6 =	vor.u32 $0x4020, v3;
	v14 =	vsel vm6, $0x3000, v14;
	v15 =	vsel vm6, $0x5000, v15  }
0x16: {  	s6 =	sadd.s32 $0xC00, s23;
	s7 =	sadd.s32 $0x1000, s23;
	s13 =	sadd.s32 $0xC80, s23;
	v16 =	vsel vm6, $0x7000, v16;
	v8 =	vsel vm5, $0x1080, v7;
	v7 =	vor.u32 $0x4030, v3  }
0x17: {  	s14 =	sadd.s32 $0xD00, s23;
	s15 =	sadd.s32 $0xD80, s23;
	s16 =	sadd.s32 $0xE00, s23;
	v14 =	vsel vm5, $0x3080, v14;
	v15 =	vsel vm5, $0x5080, v15;
	v16 =	vsel vm5, $0x7080, v16  }
0x18: {  	s17 =	sadd.s32 $0xE80, s23;
	s18 =	sadd.s32 $0xF00, s23;
	s20 =	sadd.s32 $0xF80, s23;
	v9 =	vsel vm4, $0x1100, v8;
	v8 =	vor.u32 $0x4040, v3;
	v14 =	vsel vm4, $0x3100, v14  }
0x19: {  	s2 =	ssub.s32 $0x2, s2;
	s8 =	smul.u32 $0x7C00, s0;
	s24 =	sshll.u32 s0, $0x7;
	v15 =	vsel vm4, $0x5100, v15;
	v16 =	vsel vm4, $0x7100, v16;
	v10 =	vsel vm3, $0x1180, v9  }
0x1a: {  	_ =	strace $0x80000047;
	s9 =	sshrl.u32 s2, $0x1;
	s26 =	sadd.s32 s4, s24;
	v9 =	vor.u32 $0x4050, v3;
	v14 =	vsel vm3, $0x3180, v14;
	v15 =	vsel vm3, $0x5180, v15  }
.Ltmp0:
0x1b: {  	s8 =	sadd.s32 s10, s8;
	[dreg:$0x8] =	wrdreg s26;
	v16 =	vsel vm3, $0x7180, v16;
	v11 =	vsel vm2, $0x1200, v10;
	v10 =	vor.u32 $0x4060, v3;
	(pc) =	sbr.rel .LBB2_1-.Ltmp0, $4  }
0x1c: {  	s2 =	ssub.s32 s2, s9;
	s25 =	sadd.s32 $0x2, s1;
	[dreg:$0x5] =	wrdreg s8;
	v14 =	vsel vm2, $0x3200, v14;
	v15 =	vsel vm2, $0x5200, v15;
	v16 =	vsel vm2, $0x7200, v16  }
0x1d: {  	s11 =	smul.u32 $0x300, s0;
	s31 =	smax.u32 s2, $0x1;
	[dreg:$0x7] =	wrdreg s25;
	v13 =	vsel vm1, $0x1280, v11;
	v11 =	vor.u32 $0x4070, v3;
	v14 =	vsel vm1, $0x3280, v14  }
0x1e: {  	s26 =	simm.s32 $0x4000;
	s8 =	sadd.s32 $0x200, s8;
	[dreg:$0x9] =	wrdreg s31;
	v15 =	vsel vm1, $0x5280, v15;
	v16 =	vsel vm1, $0x7280, v16;
	v13 =	vsel vm0, $0x1300, v13  }
0x1f: {  	s2 =	simm.s32 $0x0;
	[dreg:$0x6] =	wrdreg s8;
	s8 =	simm.s32 $0x2;
	v14 =	vsel vm0, $0x3300, v14;
	v15 =	vsel vm0, $0x5300, v15;
	v16 =	vsel vm0, $0x7300, v16  }
.LBB2_19:
0x20: {  	p0 =	sle.s32 s25, s0  }
0x21: {  	s2 =	sshll.u32 @!p0 s0, $0x7;
	s3 =	sadd.s32 @!p0 s11, s0  }
0x22: {  	s2 =	sand.u32 @!p0 $0x4000, s2;
	s3 =	sshll.u32 @!p0 s3, $0x4  }
0x23: {  	s4 =	simm.s32 @!p0 $0x0;
	s2 =	sadd.s32 @!p0 $0x14700, s2;
	s3 =	sadd.s32 @!p0 s7, s3  }
0x24: {  	[hbm4b:s3+s4] =	stream.linear.scatter @!p0 [tilespmem:s2], [sflag:$0x2], $0x4000, $0x38;
	[tilespmem:$0x1CC00] =	vst v63  }
0x25: {  	s2 =	simm.s32 @!p0 $0x80  }
0x26: {  	s2 =	simm.s32 @p0 $0x0  }
0x27: {  	s3 =	simm.s32 @!p0 $0x2;
	s0 =	sadd.s32 s0, s2  }
0x28: {  	_ =	swait.ge @!p0 [sflag:s3], $0x4000;
	p1 =	sle.s32 s25, s0  }
0x29: {  	[sflag:s3] =	ssyncset.done @!p0 $0x0;
	s2 =	sshll.u32 @!p1 s0, $0x7;
	s0 =	sadd.s32 @!p1 s11, s0  }
0x2a: {  	[sflag:s3] =	ssyncadd.s32 @!p0 $0xFFFFC000;
	s2 =	sand.u32 @!p1 $0x4000, s2;
	s0 =	sshll.u32 @!p1 s0, $0x4  }
0x2b: {  	s3 =	simm.s32 @!p1 $0x0;
	s2 =	sadd.s32 @!p1 $0x14700, s2;
	s0 =	sadd.s32 @!p1 s7, s0  }
0x2c: {  	[hbm4b:s0+s3] =	stream.linear.scatter @!p1 [tilespmem:s2], [sflag:$0x2], $0x4000, $0x38;
	[tilespmem:$0x1CC00] =	vst v63  }
0x2d: {  	s0 =	simm.s32 @!p1 $0x2  }
0x2e: {  	_ =	swait.ge @!p1 [sflag:s0], $0x4000  }
0x2f: {  	[sflag:s0] =	ssyncset.done @!p1 $0x0  }
0x30: {  	s8 =	simm.s32 $0x2;
	s24 =	rddreg [dreg:$0x8];
	[sflag:s0] =	ssyncadd.s32 @!p1 $0xFFFFC000  }
0x31: {  	[hbm4b:s24+s5] =	stream.linear.scatter [tilespmem:s30], [sflag:$0x2], $0x400, $0x38;
	[tilespmem:$0x1CC00] =	vst v63  }
0x32: {  	_ =	swait.ge [sflag:s8], $0x400  }
0x33: {  	s25 =	rddreg [dreg:$0xa]  }
0x34: {  	s31 =	rddreg [dreg:$0x9];
	s2 =	sadd.s32 $0x1, s25  }
0x35: {  	p0 =	sne.s32 s2, s31  }
.Ltmp1:
0x36: {  	_ = 	snop;
	(pc) =	sbr.rel @!p0 .LBB2_20-.Ltmp1, $3  }
0x37: {  	_ =	sdelay $0x1  }
0x38: {  	[sflag:s8] =	ssyncset.done $0x0  }
0x39: {  	[sflag:s8] =	ssyncadd.s32 $0xFFFFFC00  }
.LBB2_1:
0x3a: {  	[tilespmem:$0x4000] =	vst v2  }
0x3b: {  	[tilespmem:$0x4010] =	vst v2  }
0x3c: {  	[tilespmem:$0x4020] =	vst v2  }
0x3d: {  	[tilespmem:$0x4030] =	vst v2  }
0x3e: {  	[tilespmem:$0x4040] =	vst v2  }
0x3f: {  	[tilespmem:$0x4050] =	vst v2  }
0x40: {  	[tilespmem:$0x4060] =	vst v2  }
0x41: {  	[tilespmem:$0x4070] =	vst v2  }
0x42: {  	[tilespmem:$0x4080] =	vst v2  }
0x43: {  	[tilespmem:$0x4090] =	vst v2  }
0x44: {  	[tilespmem:$0x40A0] =	vst v2  }
0x45: {  	[tilespmem:$0x40B0] =	vst v2  }
0x46: {  	[tilespmem:$0x40C0] =	vst v2  }
0x47: {  	[tilespmem:$0x40D0] =	vst v2  }
0x48: {  	[tilespmem:$0x40E0] =	vst v2  }
0x49: {  	[tilespmem:$0x40F0] =	vst v2  }
0x4a: {  	[tilespmem:$0x4100] =	vst v2  }
0x4b: {  	[tilespmem:$0x4110] =	vst v2  }
0x4c: {  	[tilespmem:$0x4120] =	vst v2  }
0x4d: {  	[tilespmem:$0x4130] =	vst v2  }
0x4e: {  	[tilespmem:$0x4140] =	vst v2  }
0x4f: {  	[tilespmem:$0x4150] =	vst v2  }
0x50: {  	[tilespmem:$0x4160] =	vst v2  }
0x51: {  	[tilespmem:$0x4170] =	vst v2  }
0x52: {  	[tilespmem:$0x4180] =	vst v2  }
0x53: {  	[tilespmem:$0x4190] =	vst v2  }
0x54: {  	[tilespmem:$0x41A0] =	vst v2  }
0x55: {  	[tilespmem:$0x41B0] =	vst v2  }
0x56: {  	[tilespmem:$0x41C0] =	vst v2  }
0x57: {  	[tilespmem:$0x41D0] =	vst v2  }
0x58: {  	[tilespmem:$0x41E0] =	vst v2  }
0x59: {  	[tilespmem:$0x41F0] =	vst v2  }
0x5a: {  	[tilespmem:$0x4200] =	vst v2  }
0x5b: {  	[tilespmem:$0x4210] =	vst v2  }
0x5c: {  	[tilespmem:$0x4220] =	vst v2  }
0x5d: {  	[tilespmem:$0x4230] =	vst v2  }
0x5e: {  	[tilespmem:$0x4240] =	vst v2  }
0x5f: {  	[tilespmem:$0x4250] =	vst v2  }
0x60: {  	[tilespmem:$0x4260] =	vst v2  }
0x61: {  	[tilespmem:$0x4270] =	vst v2  }
0x62: {  	[tilespmem:$0x4280] =	vst v2  }
0x63: {  	[tilespmem:$0x4290] =	vst v2  }
0x64: {  	[tilespmem:$0x42A0] =	vst v2  }
0x65: {  	[tilespmem:$0x42B0] =	vst v2  }
0x66: {  	[tilespmem:$0x42C0] =	vst v2  }
0x67: {  	[tilespmem:$0x42D0] =	vst v2  }
0x68: {  	[tilespmem:$0x42E0] =	vst v2  }
0x69: {  	[tilespmem:$0x42F0] =	vst v2  }
0x6a: {  	[tilespmem:$0x4300] =	vst v2  }
0x6b: {  	[tilespmem:$0x4310] =	vst v2  }
0x6c: {  	[tilespmem:$0x1C700] =	vst v4  }
0x6d: {  	[tilespmem:$0x1C710] =	vst v5  }
0x6e: {  	[tilespmem:$0x1C720] =	vst v6  }
0x6f: {  	[tilespmem:$0x1C730] =	vst v7  }
0x70: {  	[tilespmem:$0x1C740] =	vst v8  }
0x71: {  	[tilespmem:$0x1C750] =	vst v9  }
0x72: {  	[tilespmem:$0x1C760] =	vst v10  }
0x73: {  	[tilespmem:$0x1C770] =	vst v11  }
0x74: {  	[tilespmem:$0x1C780] =	vst v4  }
0x75: {  	[tilespmem:$0x1C790] =	vst v5  }
0x76: {  	[tilespmem:$0x1C7A0] =	vst v6  }
0x77: {  	[tilespmem:$0x1C7B0] =	vst v7  }
0x78: {  	[tilespmem:$0x1C7C0] =	vst v8  }
0x79: {  	[tilespmem:$0x1C7D0] =	vst v9  }
0x7a: {  	[tilespmem:$0x1C7E0] =	vst v10  }
0x7b: {  	[tilespmem:$0x1C7F0] =	vst v11  }
0x7c: {  	[tilespmem:$0x1C800] =	vst v4  }
0x7d: {  	[tilespmem:$0x1C810] =	vst v5  }
0x7e: {  	[tilespmem:$0x1C820] =	vst v6  }
0x7f: {  	[tilespmem:$0x1C830] =	vst v7  }
0x80: {  	[tilespmem:$0x1C840] =	vst v8  }
0x81: {  	[tilespmem:$0x1C850] =	vst v9  }
0x82: {  	[tilespmem:$0x1C860] =	vst v10  }
0x83: {  	[tilespmem:$0x1C870] =	vst v11  }
0x84: {  	[tilespmem:$0x1C880] =	vst v4  }
0x85: {  	[tilespmem:$0x1C890] =	vst v5  }
0x86: {  	[tilespmem:$0x1C8A0] =	vst v6  }
0x87: {  	[tilespmem:$0x1C8B0] =	vst v7  }
0x88: {  	[tilespmem:$0x1C8C0] =	vst v8  }
0x89: {  	[tilespmem:$0x1C8D0] =	vst v9  }
0x8a: {  	[tilespmem:$0x1C8E0] =	vst v10  }
0x8b: {  	[tilespmem:$0x1C8F0] =	vst v11  }
0x8c: {  	[tilespmem:$0x1C900] =	vst v4  }
0x8d: {  	[tilespmem:$0x1C910] =	vst v5  }
0x8e: {  	[tilespmem:$0x1C920] =	vst v6  }
0x8f: {  	[tilespmem:$0x1C930] =	vst v7  }
0x90: {  	[tilespmem:$0x1C940] =	vst v8  }
0x91: {  	[tilespmem:$0x1C950] =	vst v9  }
0x92: {  	[tilespmem:$0x1C960] =	vst v10  }
0x93: {  	[tilespmem:$0x1C970] =	vst v11  }
0x94: {  	[tilespmem:$0x1C980] =	vst v4  }
0x95: {  	[tilespmem:$0x1C990] =	vst v5  }
0x96: {  	[tilespmem:$0x1C9A0] =	vst v6  }
0x97: {  	[tilespmem:$0x1C9B0] =	vst v7  }
0x98: {  	[tilespmem:$0x1C9C0] =	vst v8  }
0x99: {  	[tilespmem:$0x1C9D0] =	vst v9  }
0x9a: {  	[tilespmem:$0x1C9E0] =	vst v10  }
0x9b: {  	[tilespmem:$0x1C9F0] =	vst v11  }
0x9c: {  	[tilespmem:$0x1CA00] =	vst v4  }
0x9d: {  	[tilespmem:$0x1CA10] =	vst v5  }
0x9e: {  	[tilespmem:$0x1CA20] =	vst v6  }
0x9f: {  	[tilespmem:$0x1CA30] =	vst v7  }
0xa0: {  	[tilespmem:$0x1CA40] =	vst v8  }
0xa1: {  	[tilespmem:$0x1CA50] =	vst v9  }
0xa2: {  	[tilespmem:$0x1CA60] =	vst v10  }
0xa3: {  	[tilespmem:$0x1CA70] =	vst v11  }
0xa4: {  	[tilespmem:$0x1CA80] =	vst v4  }
0xa5: {  	[tilespmem:$0x1CA90] =	vst v5  }
0xa6: {  	[tilespmem:$0x1CAA0] =	vst v6  }
0xa7: {  	[tilespmem:$0x1CAB0] =	vst v7  }
0xa8: {  	[tilespmem:$0x1CAC0] =	vst v8  }
0xa9: {  	[dreg:$0xa] =	wrdreg s2;
	[tilespmem:$0x1CAD0] =	vst v9  }
0xaa: {  	[tilespmem:$0x1CAE0] =	vst v10;
	s0 =	rddreg [dreg:$0x5]  }
0xab: {  	[tilespmem:$0x1CAF0] =	vst v11;
	s22 =	simm.s32 $0x7A1400;
	s3 =	simm.s32 $0x1000;
	s4 =	simm.s32 $0x4700  }
0xac: {  	[tilespmem:s4], [sflag:$0x1] =	stream.strided.gather [hbm4b:s0+s3], $0x8000, s22, s3, $0x38;
	[tilespmem:$0x1CC00] =	vst v63  }
0xad: {  	s23 =	rddreg [dreg:$0x6];
	s24 =	simm.s32 $0xC700  }
0xae: {  	[tilespmem:s24], [sflag:$0x1] =	stream.strided.gather [hbm4b:s23+s3], $0x8000, s22, s3, $0x38;
	[tilespmem:$0x1CC00] =	vst v63  }
0xaf: {  	s25 =	rddreg [dreg:$0x2]  }
0xb0: {  	[tilespmem:s5], [sflag:$0x2] =	stream.linear.gather [hbm4b:s25+s5], $0x4000, $0x38;
	[tilespmem:$0x1CC00] =	vst v63  }
0xb1: {  	_ =	swait.ge [sflag:s8], $0x4000  }
0xb2: {  	[sflag:s8] =	ssyncset.done $0x0  }
0xb3: {  	s31 =	sand.u32 $0x3FF0, s5;
	[sflag:s8] =	ssyncadd.s32 $0xFFFFC000  }
0xb4: {  	v17 =	vld [tilespmem:s31+$0x0];
	_ =	sdelay $0x4  }
0xb5: {  	v18 =	vshrl.u32 v17, $0x9  }
0xb6: {  	vm0 =	vge.u32 v18, v0;
	vm1 =	vlt.u32 v18, v1  }
0xb7: {  	vm0 =	vmand vm0, vm1  }
0xb8: {  	v18 =	vsel vm0, $0x1, v12  }
0xb9: {  	(xrf0) =	vadd.scan.msk.s32 $0xffff, v18;
	_ =	sdelay $0x2  }
0xba: {  	v18 =	vmov s5  }
0xbb: {  	v18 =	vadd.s32 $0xFFFFFFFF, v18  }
0xbc: {  	v18 =	vbroadcast v18, $0x0  }
0xbd: {  	v19, _, _ =	vpop (xrf0)  }
0xbe: {  	v18 =	vadd.s32 v19, v18;
	(v2sf) =	vpush v19, $0xF;
	_ =	sdelay $0x4  }
0xbf: {  	s0 =	simm.s32 $0x10;
	[tilespmem:v18+s26+$0x0] =	vst.idx.msk vm0, v17;
	v17 =	vor.u32 s5, v3  }
0xc0: {  	s2 =	simm.s32 $0x0;
	s4 =	sand.u32 $0x3FF0, s0;
	s3 =	simm.s32 $0x20;
	[tilespmem:v18+s28+$0x0] =	vst.idx.msk vm0, v17  }
.LBB2_2:
0xc1: {  	p0 =	sne.s32 s3, $0x3FF0;
	v17 =	vld [tilespmem:s4+$0x0];
	_ =	sdelay $0x4  }
0xc2: {  	v18 =	vshrl.u32 v17, $0x9  }
0xc3: {  	vm0 =	vge.u32 v18, v0;
	vm1 =	vlt.u32 v18, v1  }
0xc4: {  	vm0 =	vmand vm0, vm1  }
0xc5: {  	v18 =	vsel vm0, $0x1, v12;
	s4 =	spop (v2sf)  }
0xc6: {  	(xrf0) =	vadd.scan.msk.s32 $0xffff, v18;
	s2 =	sadd.s32 s2, s4  }
0xc7: {  	v18 =	vmov s2  }
0xc8: {  	v18 =	vadd.s32 $0xFFFFFFFF, v18  }
0xc9: {  	v18 =	vbroadcast v18, $0x0;
	_ =	sdelay $0x2  }
0xca: {  	v19, _, _ =	vpop (xrf0)  }
0xcb: {  	v18 =	vadd.s32 v19, v18;
	(v2sf) =	vpush v19, $0xF;
	_ =	sdelay $0x1  }
.Ltmp2:
0xcc: {  	(pc) =	sbr.rel @p0 .LBB2_2-.Ltmp2, $3  }
0xcd: {  	_ =	sdelay $0x1  }
0xce: {  	v19 =	vor.u32 s0, v3;
	s0 =	smov.u32 s3;
	[tilespmem:v18+s26+$0x0] =	vst.idx.msk vm0, v17  }
0xcf: {  	s3 =	sadd.s32 $0x10, s3;
	s4 =	sand.u32 $0x3FF0, s0;
	[tilespmem:v18+s28+$0x0] =	vst.idx.msk vm0, v19  }
0xd0: {  	v17 =	vld [tilespmem:s4+$0x0];
	_ =	sdelay $0x4  }
0xd1: {  	v18 =	vshrl.u32 v17, $0x9  }
0xd2: {  	vm0 =	vge.u32 v18, v0;
	vm1 =	vlt.u32 v18, v1  }
0xd3: {  	vm0 =	vmand vm0, vm1  }
0xd4: {  	v18 =	vsel vm0, $0x1, v12  }
0xd5: {  	(xrf0) =	vadd.scan.msk.s32 $0xffff, v18;
	_ =	sdelay $0x5  }
0xd6: {  	v18, _, _ =	vpop (xrf0)  }
0xd7: {  	(v2sf) =	vpush v18, $0xF;
	_ =	sdelay $0x6  }
0xd8: {  	s3 =	spop (v2sf)  }
0xd9: {  	s2 =	sadd.s32 s2, s3  }
0xda: {  	v19 =	vmov s2  }
0xdb: {  	v19 =	vadd.s32 $0xFFFFFFFF, v19  }
0xdc: {  	v19 =	vbroadcast v19, $0x0;
	_ =	sdelay $0x1  }
0xdd: {  	v18 =	vadd.s32 v18, v19;
	_ =	sdelay $0x1  }
.Ltmp3:
0xde: {  	s31 =	spop (v2sf);
	(pc) =	sbr.rel .LBB2_4-.Ltmp3, $4  }
0xdf: {  	s2 =	sadd.s32 s2, s31  }
0xe0: {  	s2 =	sadd.s32 $0xF, s2  }
0xe1: {  	s25 =	simm.s32 $0x0;
	v19 =	vor.u32 s0, v3;
	[tilespmem:v18+s26+$0x0] =	vst.idx.msk vm0, v17;
	s3 =	sshra.s32 s2, $0x4  }
0xe2: {  	s23 =	simm.s32 $0x0;
	s0 =	simm.s32 $0x0;
	[tilespmem:v18+s28+$0x0] =	vst.idx.msk vm0, v19;
	p0 =	slt.s32 s3, $0x1  }
.LBB2_17:
0xe3: {  	s2 =	sshll.u32 s2, $0x9;
	s4 =	rddreg [dreg:$0x0]  }
0xe4: {  	s31 =	simm.s32 $0x7A1400;
	s8 =	simm.s32 $0x1000;
	s2 =	sadd.s32 s4, s2  }
0xe5: {  	[tilespmem:s9], [sflag:$0x1] =	stream.strided.gather [hbm4b:s2+s8], $0x8000, s31, s8, $0x38;
	[tilespmem:$0x1CC00] =	vst v63  }
.LBB2_18:
0xe6: {  	s2 =	ssub.s32 s25, s0  }
0xe7: {  	p1 =	slt.s32 s2, $0x80  }
0xe8: {  	s23 =	sadd.s32 $0x1, s23;
	s2 =	sshll.u32 @!p1 s0, $0x7;
	s4 =	sadd.s32 @!p1 s11, s0  }
0xe9: {  	p2 =	sne.s32 s23, $0x3E;
	s2 =	sand.u32 @!p1 $0x4000, s2;
	s4 =	sshll.u32 @!p1 s4, $0x4  }
0xea: {  	s8 =	simm.s32 @!p1 $0x0;
	s2 =	sadd.s32 @!p1 $0x14700, s2;
	s4 =	sadd.s32 @!p1 s7, s4  }
0xeb: {  	[hbm4b:s4+s8] =	stream.linear.scatter @!p1 [tilespmem:s2], [sflag:$0x2], $0x4000, $0x38;
	[tilespmem:$0x1CC00] =	vst v63  }
.Ltmp4:
0xec: {  	_ = 	snop;
	(pc) =	sbr.rel @!p2 .LBB2_19-.Ltmp4, $4  }
0xed: {  	s2 =	simm.s32 @!p1 $0x2  }
0xee: {  	s4 =	simm.s32 @!p1 $0x80;
	_ =	swait.ge @!p1 [sflag:s2], $0x4000  }
0xef: {  	s4 =	simm.s32 @p1 $0x0;
	[sflag:s2] =	ssyncset.done @!p1 $0x0  }
0xf0: {  	s0 =	sadd.s32 s0, s4;
	[sflag:s2] =	ssyncadd.s32 @!p1 $0xFFFFC000  }
.LBB2_4:
.Ltmp5:
0xf1: {  	(pc) =	sbr.rel @p0 .LBB2_14-.Ltmp5, $4  }
0xf2: {  	_ = 	snop  }
0xf3: {  	s2 =	sshll.u32 s23, $0xF;
	_ =	swait.ge [sflag:s29], $0x8000  }
0xf4: {  	s24 =	sand.u32 $0x8000, s2;
	[sflag:s29] =	ssyncset.done $0x0  }
0xf5: {  	s9 =	sor.u32 $0x4700, s24;
	[sflag:s29] =	ssyncadd.s32 $0xFFFF8000  }
.Ltmp6:
0xf6: {  	(pc) =	sbr.rel .LBB2_6-.Ltmp6, $3  }
0xf7: {  	_ =	sdelay $0x1  }
0xf8: {  	s2 =	sadd.s32 s1, s23  }
0xf9: {  	s12 =	simm.s32 $0x0;
	v17 =	vmov s2  }
.LBB2_8:
0xfa: {  	s19 =	smov.u32 s2;
	s21 =	simm.s32 $0x1CB80;
	s4 =	smov.u32 s25  }
.LBB2_12:
0xfb: {  	(v2sf) =	vpush v18, $0x0;
	_ =	sdelay $0xe  }
0xfc: {  	s10 =	spop (v2sf)  }
0xfd: {  	s10 =	sand.u32 $0x1FF, s10  }
0xfe: {  	v18 =	vmov s10  }
0xff: {  	v19 =	vshll.u32 v18, $0x3  }
0x100: {  	v18 =	vand.u32 $0x7F, v18;
	v19 =	vand.u32 $0xC00, v19  }
0x101: {  	v18 =	vor.u32 v18, v19  }
0x102: {  	v19 =	vor.u32 v13, v18;
	_ =	sdelay $0x4  }
0x103: {  	v19 =	vld.idx.msk [tilespmem:v19+s9+$0x0], $0xffff  }
0x104: {  	v20 =	vor.u32 v14, v18  }
0x105: {  	s10 =	sadd.s32 @p1 $0x80, s19  }
0x106: {  	s19 =	sadd.s32 @p1 $0x1, s21;
	s2 =	smov.u32 @p1 s10  }
0x107: {  	s8 =	smov.u32 @p1 s19;
	s2 =	sand.u32 $0x7F80, s2  }
0x108: {  	v21 =	vld.msk [tilespmem:s8+$0x0 ss:$0x0], $0xffff;
	[tilespmem:s2+$0x14700] =	vst v19  }
0x109: {  	v19 =	vld.idx.msk [tilespmem:v20+s9+$0x0], $0xffff  }
0x10a: {  	v63 =	vor.u32 v15, v18;
	_ =	sdelay $0x3  }
0x10b: {  	[tilespmem:s2+$0x14710] =	vst v19  }
0x10c: {  	v19 =	vld.idx.msk [tilespmem:v63+s9+$0x0], $0xffff  }
0x10d: {  	v18 =	vor.u32 v16, v18;
	_ =	sdelay $0x3  }
0x10e: {  	s4 =	sadd.s32 @p1 $0x1, s4;
	[tilespmem:s2+$0x14720] =	vst v19  }
0x10f: {  	s25 =	smov.u32 @p1 s4;
	v18 =	vld.idx.msk [tilespmem:v18+s9+$0x0], $0xffff  }
0x110: {  	v19 =	vmov s25;
	_ =	sdelay $0x3  }
0x111: {  	[tilespmem:s2+$0x14730] =	vst v18  }
0x112: {  	s25 =	sadd.s32 $0x1, s25;
	[tilespmem:v19+s30+$0x0] =	vst.idx.msk $0x1, v21  }
.LBB2_13:
0x113: {  	s12 =	sadd.s32 $0x1, s12  }
0x114: {  	p1 =	sne.s32 s12, s3  }
.Ltmp7:
0x115: {  	_ = 	snop;
	(pc) =	sbr.rel @!p1 .LBB2_14-.Ltmp7, $1  }
0x116: {  	_ =	sdelay $0x3  }
.LBB2_6:
0x117: {  	s2 =	sshll.u32 s12, $0x4  }
0x118: {  	v18 =	vld [tilespmem:s2+$0x4000];
	_ =	sdelay $0x4  }
0x119: {  	v19 =	vshrl.u32 v18, $0x9  }
0x11a: {  	vm0 =	veq.s32 v19, v17  }
0x11b: {  	v19 =	vmpcnt.ones.xlane vm0;
	_ =	sdelay $0x1  }
0x11c: {  	(v2sf) =	vpush v19, $0x0;
	_ =	sdelay $0xe  }
0x11d: {  	s4 =	spop (v2sf)  }
0x11e: {  	p1 =	slt.s32 s4, $0x1  }
.Ltmp8:
0x11f: {  	_ = 	snop;
	(pc) =	sbr.rel @p1 .LBB2_13-.Ltmp8, $1  }
0x120: {  	_ =	sdelay $0x3  }
0x121: {  	v19 =	vsel vm0, $0x1, v12  }
0x122: {  	(xrf0) =	vadd.scan.msk.s32 $0xffff, v19;
	_ =	sdelay $0x5  }
0x123: {  	v19, _, _ =	vpop (xrf0)  }
0x124: {  	v19 =	vadd.s32 $0xFFFFFFFF, v19  }
0x125: {  	v20 =	vld [tilespmem:s2+$0x4380];
	_ =	sdelay $0x2  }
0x126: {  	s19 =	simm.s32 $0x1CB00  }
0x127: {  	s8 =	simm.s32 $0x1CB80;
	[tilespmem:v19+s19+$0x0] =	vst.idx.msk vm0, v18  }
0x128: {  	p2 =	sne.s32 s4, $0x1;
	[tilespmem:v19+s8+$0x0] =	vst.idx.msk vm0, v20  }
.Ltmp9:
0x129: {  	v18 =	vld [tilespmem:s19+$0x0];
	(pc) =	sbr.rel @!p2 .LBB2_8-.Ltmp9, $2  }
0x12a: {  	_ =	sdelay $0x2  }
0x12b: {  	s2 =	sshll.u32 s25, $0x7;
	s4 =	sadd.s32 $0xFFFFFFFF, s4;
	p1 =	por $0x0, $0x0  }
0x12c: {  	(v2sf) =	vpush v18, $0x0;
	_ =	sdelay $0xe  }
0x12d: {  	s19 =	spop (v2sf)  }
0x12e: {  	s19 =	sand.u32 $0x1FF, s19  }
0x12f: {  	v18 =	vmov s19  }
0x130: {  	v19 =	vshll.u32 v18, $0x3  }
0x131: {  	v18 =	vand.u32 $0x7F, v18;
	v19 =	vand.u32 $0xC00, v19  }
0x132: {  	v18 =	vor.u32 v18, v19  }
0x133: {  	v19 =	vor.u32 v13, v18;
	_ =	sdelay $0x4  }
0x134: {  	v19 =	vld.idx.msk [tilespmem:v19+s9+$0x0], $0xffff  }
0x135: {  	v20 =	vor.u32 v14, v18;
	_ =	sdelay $0x2  }
0x136: {  	s22 =	sand.u32 $0x7F80, s2  }
0x137: {  	v21 =	vld.msk [tilespmem:s8+$0x0 ss:$0x0], $0xffff;
	[tilespmem:s22+$0x14700] =	vst v19  }
0x138: {  	v19 =	vld.idx.msk [tilespmem:v20+s9+$0x0], $0xffff  }
0x139: {  	v20 =	vor.u32 v15, v18;
	_ =	sdelay $0x3  }
0x13a: {  	[tilespmem:s22+$0x14710] =	vst v19  }
0x13b: {  	v19 =	vld.idx.msk [tilespmem:v20+s9+$0x0], $0xffff  }
0x13c: {  	v18 =	vor.u32 v16, v18;
	_ =	sdelay $0x3  }
0x13d: {  	[tilespmem:s22+$0x14720] =	vst v19  }
0x13e: {  	v18 =	vld.idx.msk [tilespmem:v18+s9+$0x0], $0xffff  }
0x13f: {  	v19 =	vmov s25;
	_ =	sdelay $0x3  }
0x140: {  	[tilespmem:s22+$0x14730] =	vst v18  }
0x141: {  	p2 =	sne.s32 s4, $0x1;
	s22 =	simm.s32 $0x1CB01;
	[tilespmem:v19+s30+$0x0] =	vst.idx.msk $0x1, v21  }
.Ltmp10:
0x142: {  	v18 =	vld [tilespmem:s22+$0x0];
	(pc) =	sbr.rel @!p2 .LBB2_10-.Ltmp10, $3  }
0x143: {  	_ =	sdelay $0x1  }
0x144: {  	s31 =	sadd.s32 $0xFFFFFFFF, s4;
	p1 =	por $0x1, $0x1  }
0x145: {  	s21 =	simm.s32 $0x1CB80;
	s4 =	smov.u32 s25;
	s19 =	smov.u32 s2  }
.LBB2_11:
0x146: {  	p2 =	sne.s32 s31, $0x1;
	_ =	sdelay $0x2  }
0x147: {  	(v2sf) =	vpush v18, $0x0;
	_ =	sdelay $0xe  }
0x148: {  	s10 =	spop (v2sf)  }
0x149: {  	s10 =	sand.u32 $0x1FF, s10  }
0x14a: {  	v18 =	vmov s10  }
0x14b: {  	v19 =	vshll.u32 v18, $0x3  }
0x14c: {  	v18 =	vand.u32 $0x7F, v18;
	v19 =	vand.u32 $0xC00, v19  }
0x14d: {  	v18 =	vor.u32 v18, v19  }
0x14e: {  	v19 =	vor.u32 v13, v18;
	_ =	sdelay $0x4  }
0x14f: {  	v19 =	vld.idx.msk [tilespmem:v19+s9+$0x0], $0xffff;
	_ =	sdelay $0x1  }
0x150: {  	v20 =	vor.u32 v14, v18;
	_ =	sdelay $0x1  }
0x151: {  	s19 =	sadd.s32 $0x80, s19  }
0x152: {  	s21 =	sadd.s32 $0x1, s21;
	s10 =	sand.u32 $0x7F80, s19  }
0x153: {  	v21 =	vld.msk [tilespmem:s21+$0x0 ss:$0x0], $0xffff;
	[tilespmem:s10+$0x14700] =	vst v19  }
0x154: {  	v19 =	vld.idx.msk [tilespmem:v20+s9+$0x0], $0xffff;
	_ =	sdelay $0x1  }
0x155: {  	v20 =	vor.u32 v15, v18;
	_ =	sdelay $0x3  }
0x156: {  	[tilespmem:s10+$0x14710] =	vst v19  }
0x157: {  	v19 =	vld.idx.msk [tilespmem:v20+s9+$0x0], $0xffff;
	_ =	sdelay $0x1  }
0x158: {  	v18 =	vor.u32 v16, v18;
	_ =	sdelay $0x3  }
0x159: {  	[tilespmem:s10+$0x14720] =	vst v19  }
0x15a: {  	v18 =	vld.idx.msk [tilespmem:v18+s9+$0x0], $0xffff  }
0x15b: {  	s4 =	sadd.s32 $0x1, s4  }
0x15c: {  	v19 =	vmov s4;
	_ =	sdelay $0x2  }
.Ltmp11:
0x15d: {  	(pc) =	sbr.rel @p2 .LBB2_11-.Ltmp11, $4  }
0x15e: {  	[tilespmem:s10+$0x14730] =	vst v18  }
0x15f: {  	s22 =	sadd.s32 $0x1, s22;
	[tilespmem:v19+s30+$0x0] =	vst.idx.msk $0x1, v21  }
0x160: {  	v18 =	vld [tilespmem:s22+$0x0]  }
0x161: {  	s31 =	sadd.s32 $0xFFFFFFFF, s31  }
.Ltmp12:
0x162: {  	_ = 	snop;
	(pc) =	sbr.rel .LBB2_12-.Ltmp12, $1  }
0x163: {  	_ =	sdelay $0x3  }
.LBB2_10:
.Ltmp13:
0x164: {  	(pc) =	sbr.rel .LBB2_12-.Ltmp13, $2  }
0x165: {  	_ =	sdelay $0x2  }
0x166: {  	s19 =	smov.u32 s2;
	s21 =	simm.s32 $0x1CB80;
	s4 =	smov.u32 s25  }
.LBB2_14:
0x167: {  	p1 =	sgt.u32 s23, $0x3B  }
.Ltmp14:
0x168: {  	_ = 	snop;
	(pc) =	sbr.rel @p1 .LBB2_18-.Ltmp14, $1  }
0x169: {  	_ =	sdelay $0x3  }
0x16a: {  	s2 =	rddreg [dreg:$0x7]  }
0x16b: {  	s2 =	sadd.s32 s23, s2  }
0x16c: {  	p1 =	slt.u32 s2, $0x7A1  }
.Ltmp15:
0x16d: {  	_ = 	snop;
	(pc) =	sbr.rel @p1 .LBB2_17-.Ltmp15, $1  }
0x16e: {  	_ =	sdelay $0x3  }
0x16f: {  	[tilespmem:s9], [sflag:$0x1] =	stream.linear.gather [hbm4b:s6+s5], $0x400, $0x38;
	[tilespmem:$0x1CC00] =	vst v63  }
0x170: {  	s2 =	sadd.s32 $0x5700, s24  }
0x171: {  	[tilespmem:s2], [sflag:$0x1] =	stream.linear.gather [hbm4b:s13+s5], $0x400, $0x38;
	[tilespmem:$0x1CC00] =	vst v63  }
0x172: {  	s21 =	sadd.s32 $0x6700, s24  }
0x173: {  	[tilespmem:s21], [sflag:$0x1] =	stream.linear.gather [hbm4b:s14+s5], $0x400, $0x38;
	[tilespmem:$0x1CC00] =	vst v63  }
0x174: {  	s22 =	sadd.s32 $0x7700, s24  }
0x175: {  	[tilespmem:s22], [sflag:$0x1] =	stream.linear.gather [hbm4b:s15+s5], $0x400, $0x38;
	[tilespmem:$0x1CC00] =	vst v63  }
0x176: {  	s31 =	sadd.s32 $0x8700, s24  }
0x177: {  	[tilespmem:s31], [sflag:$0x1] =	stream.linear.gather [hbm4b:s16+s5], $0x400, $0x38;
	[tilespmem:$0x1CC00] =	vst v63  }
0x178: {  	s4 =	sadd.s32 $0x9700, s24  }
0x179: {  	[tilespmem:s4], [sflag:$0x1] =	stream.linear.gather [hbm4b:s17+s5], $0x400, $0x38;
	[tilespmem:$0x1CC00] =	vst v63  }
0x17a: {  	s8 =	sadd.s32 $0xA700, s24  }
0x17b: {  	[tilespmem:s8], [sflag:$0x1] =	stream.linear.gather [hbm4b:s18+s5], $0x400, $0x38;
	[tilespmem:$0x1CC00] =	vst v63  }
0x17c: {  	s9 =	sadd.s32 $0xB700, s24  }
0x17d: {  	[tilespmem:s9], [sflag:$0x1] =	stream.linear.gather [hbm4b:s20+s5], $0x400, $0x38;
	[tilespmem:$0x1CC00] =	vst v63  }
0x17e: {  	s10 =	sadd.s32 $0x4B00, s24  }
0x17f: {  	[tilespmem:s10], [sflag:$0x1] =	stream.linear.gather [hbm4b:s6+s5], $0x400, $0x38;
	[tilespmem:$0x1CC00] =	vst v63  }
0x180: {  	s12 =	sadd.s32 $0x5B00, s24  }
0x181: {  	[tilespmem:s12], [sflag:$0x1] =	stream.linear.gather [hbm4b:s13+s5], $0x400, $0x38;
	[tilespmem:$0x1CC00] =	vst v63  }
0x182: {  	s19 =	sadd.s32 $0x6B00, s24  }
0x183: {  	[tilespmem:s19], [sflag:$0x1] =	stream.linear.gather [hbm4b:s14+s5], $0x400, $0x38;
	[tilespmem:$0x1CC00] =	vst v63  }
0x184: {  	s21 =	sadd.s32 $0x7B00, s24  }
0x185: {  	[tilespmem:s21], [sflag:$0x1] =	stream.linear.gather [hbm4b:s15+s5], $0x400, $0x38;
	[tilespmem:$0x1CC00] =	vst v63  }
0x186: {  	s22 =	sadd.s32 $0x8B00, s24  }
0x187: {  	[tilespmem:s22], [sflag:$0x1] =	stream.linear.gather [hbm4b:s16+s5], $0x400, $0x38;
	[tilespmem:$0x1CC00] =	vst v63  }
0x188: {  	s31 =	sadd.s32 $0x9B00, s24  }
0x189: {  	[tilespmem:s31], [sflag:$0x1] =	stream.linear.gather [hbm4b:s17+s5], $0x400, $0x38;
	[tilespmem:$0x1CC00] =	vst v63  }
0x18a: {  	s4 =	sadd.s32 $0xAB00, s24  }
0x18b: {  	[tilespmem:s4], [sflag:$0x1] =	stream.linear.gather [hbm4b:s18+s5], $0x400, $0x38;
	[tilespmem:$0x1CC00] =	vst v63  }
0x18c: {  	s8 =	sadd.s32 $0xBB00, s24  }
0x18d: {  	[tilespmem:s8], [sflag:$0x1] =	stream.linear.gather [hbm4b:s20+s5], $0x400, $0x38;
	[tilespmem:$0x1CC00] =	vst v63  }
0x18e: {  	s9 =	sadd.s32 $0x4F00, s24  }
0x18f: {  	[tilespmem:s9], [sflag:$0x1] =	stream.linear.gather [hbm4b:s6+s5], $0x400, $0x38;
	[tilespmem:$0x1CC00] =	vst v63  }
0x190: {  	s10 =	sadd.s32 $0x5F00, s24  }
0x191: {  	[tilespmem:s10], [sflag:$0x1] =	stream.linear.gather [hbm4b:s13+s5], $0x400, $0x38;
	[tilespmem:$0x1CC00] =	vst v63  }
0x192: {  	s12 =	sadd.s32 $0x6F00, s24  }
0x193: {  	[tilespmem:s12], [sflag:$0x1] =	stream.linear.gather [hbm4b:s14+s5], $0x400, $0x38;
	[tilespmem:$0x1CC00] =	vst v63  }
0x194: {  	s19 =	sadd.s32 $0x7F00, s24  }
0x195: {  	[tilespmem:s19], [sflag:$0x1] =	stream.linear.gather [hbm4b:s15+s5], $0x400, $0x38;
	[tilespmem:$0x1CC00] =	vst v63  }
0x196: {  	s21 =	sadd.s32 $0x8F00, s24  }
0x197: {  	[tilespmem:s21], [sflag:$0x1] =	stream.linear.gather [hbm4b:s16+s5], $0x400, $0x38;
	[tilespmem:$0x1CC00] =	vst v63  }
0x198: {  	s22 =	sadd.s32 $0x9F00, s24  }
0x199: {  	[tilespmem:s22], [sflag:$0x1] =	stream.linear.gather [hbm4b:s17+s5], $0x400, $0x38;
	[tilespmem:$0x1CC00] =	vst v63  }
0x19a: {  	s31 =	sadd.s32 $0xAF00, s24  }
0x19b: {  	[tilespmem:s31], [sflag:$0x1] =	stream.linear.gather [hbm4b:s18+s5], $0x400, $0x38;
	[tilespmem:$0x1CC00] =	vst v63  }
0x19c: {  	s4 =	sadd.s32 $0xBF00, s24  }
0x19d: {  	[tilespmem:s4], [sflag:$0x1] =	stream.linear.gather [hbm4b:s20+s5], $0x400, $0x38;
	[tilespmem:$0x1CC00] =	vst v63  }
0x19e: {  	s8 =	sadd.s32 $0x5300, s24  }
0x19f: {  	[tilespmem:s8], [sflag:$0x1] =	stream.linear.gather [hbm4b:s6+s5], $0x400, $0x38;
	[tilespmem:$0x1CC00] =	vst v63  }
0x1a0: {  	s9 =	sadd.s32 $0x6300, s24  }
0x1a1: {  	[tilespmem:s9], [sflag:$0x1] =	stream.linear.gather [hbm4b:s13+s5], $0x400, $0x38;
	[tilespmem:$0x1CC00] =	vst v63  }
0x1a2: {  	s10 =	sadd.s32 $0x7300, s24  }
0x1a3: {  	[tilespmem:s10], [sflag:$0x1] =	stream.linear.gather [hbm4b:s14+s5], $0x400, $0x38;
	[tilespmem:$0x1CC00] =	vst v63  }
0x1a4: {  	s12 =	sadd.s32 $0x8300, s24  }
0x1a5: {  	[tilespmem:s12], [sflag:$0x1] =	stream.linear.gather [hbm4b:s15+s5], $0x400, $0x38;
	[tilespmem:$0x1CC00] =	vst v63  }
0x1a6: {  	s19 =	sadd.s32 $0x9300, s24  }
0x1a7: {  	[tilespmem:s19], [sflag:$0x1] =	stream.linear.gather [hbm4b:s16+s5], $0x400, $0x38;
	[tilespmem:$0x1CC00] =	vst v63  }
0x1a8: {  	s21 =	sadd.s32 $0xA300, s24  }
0x1a9: {  	[tilespmem:s21], [sflag:$0x1] =	stream.linear.gather [hbm4b:s17+s5], $0x400, $0x38;
	[tilespmem:$0x1CC00] =	vst v63  }
.Ltmp16:
0x1aa: {  	_ = 	snop;
	(pc) =	sbr.rel .LBB2_18-.Ltmp16, $4  }
0x1ab: {  	s22 =	sadd.s32 $0xB300, s24  }
0x1ac: {  	[tilespmem:s22], [sflag:$0x1] =	stream.linear.gather [hbm4b:s18+s5], $0x400, $0x38;
	[tilespmem:$0x1CC00] =	vst v63  }
0x1ad: {  	s31 =	sadd.s32 $0xC300, s24  }
0x1ae: {  	[tilespmem:s31], [sflag:$0x1] =	stream.linear.gather [hbm4b:s20+s5], $0x400, $0x38;
	[tilespmem:$0x1CC00] =	vst v63  }
.LBB2_20:
0x1af: {  	_ =	sfence.sel $0x180000  }
0x1b0: {  	[bflag:$0x0] =	sbarrier.arrive $0xFFFF  }
0x1b1: {  	_ =	strace $0x90000047  }
0x1b2: {  	s0 =	stileid.u32;
	[bflag:$0x2] =	sbarrier.arrive $0xFFFF  }
0x1b3: {  	p0 =	sne.s32 s0, $0x0;
	s0 =	rddreg [dreg:$0x4]  }
0x1b4: {  	s0 =	sadd.s32 @!p0 $0x100000, s0  }
0x1b5: {  	[sflag:s0] =	ssyncadd.tile.s32 @!p0 $0x1;
	_ =	shalt  }
.Lfunc_end2:
_tile_overlayer_lowered:
.L_overlay_start_2:
0x1b6: {  	(tag) =	ssettag $0x2  }
0x1b7: {  	s0 =	rddreg [dreg:$0x0];
	s2 =	stileid.u32  }
0x1b8: {  	s1 =	rddreg [dreg:$0x1];
	p0 =	sne.s32 s2, $0x0  }
0x1b9: {  	s3 =	rddreg [dreg:$0x2];
	[bflag:$0x3] =	sbarrier.arrive $0xFFFF;
	s2 =	simm.s32 @!p0 $0x1C02  }
0x1ba: {  	[timem:s3], [sflag:s2] =	dma.local @!p0 [hbm:s0], s1  }
0x1bb: {  	s0 =	simm.s32 @!p0 $0x2  }
0x1bc: {  	_ =	swait.ge @!p0 [sflag:s0], s1  }
0x1bd: {  	s1 =	ssub.s32 @!p0 $0x0, s1;
	[sflag:s0] =	ssyncset.done @!p0 $0x0  }
0x1be: {  	[sflag:s0] =	ssyncadd.s32 @!p0 s1  }
0x1bf: {  	[bflag:$0x3] =	sbarrier.arrive $0xFFFF  }
0x1c0: {  	_ =	shalt  }

// kernel: kernel.7.cloned.1.call-start
scs
__scs_entry_jumppad:
0x0: {  	(pc) =	sbr.rel $0x88, $3  }
0x1: {  	(tag) =	ssettag $0x0;
	lr =	simm.s32 $0x1  }
0x2: {  	[smem:$0x3F9F] =	sst lr;
	_ =	strace $0xD0000000  }
0x3: {  	_ = 	snop  }
0x4: {  	_ = 	snop  }
0x5: {  	_ = 	snop  }
0x6: {  	_ = 	snop  }
0x7: {  	_ = 	snop  }
__scs_overlays_trampoline_lowered:
0x8: {  	[smem:$0x3FAE] =	sst s0  }
0x9: {  	[smem:$0x3FAF] =	sst s1  }
0xa: {  	[smem:$0x3FB0] =	sst s2  }
0xb: {  	[smem:$0x3FB1] =	sst s3  }
0xc: {  	[smem:$0x3FB2] =	sst s4  }
0xd: {  	[smem:$0x3FB3] =	sst s5  }
0xe: {  	[smem:$0x3FB4] =	sst s6  }
0xf: {  	[smem:$0x3FB5] =	sst s7  }
0x10: {  	[smem:$0x3FB6] =	sst s8  }
0x11: {  	[smem:$0x3FB7] =	sst s9;
	s0 =	simm.s32 @!p0 $0x0  }
0x12: {  	s1 =	sld [smem:$0x3F9D];
	s0 =	simm.s32 @p0 $0x1  }
0x13: {  	[smem:$0x3FB8] =	sst s0;
	s0 =	simm.s32 @!p1 $0x0  }
0x14: {  	s2 =	sld [smem:$0x3F9C];
	s0 =	simm.s32 @p1 $0x1  }
0x15: {  	[smem:$0x3FB9] =	sst s0;
	s0 =	simm.s32 @!p2 $0x0  }
0x16: {  	s3 =	sld [smem:$0x3FDB];
	s0 =	simm.s32 @p2 $0x1  }
0x17: {  	s4 =	simm.s32 $0x1BF5;
	[smem:$0x3FBB] =	sst s0  }
0x18: {  	s0 =	sld [smem:$0x3F9E];
	_ =	swait.ge [sflag:s4], $0x0  }
0x19: {  	s7 =	sld [smem:$0x3F9F]  }
0x1a: {  	s8 =	sadd.s32 $0xFFFFE003, lr  }
0x1b: {  	s9 =	sadd.s32 $0xFFFFFEF7, lr;
	s5 =	simm.s32 $0xFFFFFFFF;
	p2 =	slt.u32 s8, $0xFFFFF086  }
0x1c: {  	p1 =	slt.u32 s9, $0xF7A;
	s5 =	simm.s32 @!p2 $0x0  }
0x1d: {  	s5 =	simm.s32 @p1 $0x1;
	p0 =	seq.s32 s7, s2  }
0x1e: {  	s7 =	smul.u32 @!p0 $0xF7A, s2;
	p2 =	seq.s32 @!p0 s5, $0x0  }
0x1f: {  	s9 =	smul.u32 $0xF7A, s1;
	s8 =	simm.s32 @!p0 $0x1BF5;
	p2 =	por !p2, p0  }
0x20: {  	[sflag:s8] =	ssyncset.s32 @!p0 $0xFFFFF086;
	s6 =	sadd.s32 @!p0 s3, s7;
	s7 =	simm.s32 @!p0 $0x108  }
0x21: {  	s3 =	sadd.s32 s3, s9;
	s6 =	sadd.s32 @!p0 $0x88, s6;
	s7 =	simm.s32 @p2 $0x1082  }
0x22: {  	[simem:s7], [sflag:s8] =	dma.local @!p0 [hbm:s6], $0xF7A  }
0x23: {  	s9 =	sor.u32 $0xD0000000, s2;
	s6 =	simm.s32 $0x108;
	_ =	swait.ge @!p0 [sflag:s8], $0x0  }
0x24: {  	s3 =	sadd.s32 $0x88, s3;
	s6 =	simm.s32 @!p1 $0x1082;
	[sflag:s4] =	ssyncset.s32 $0xFFFFF086  }
0x25: {  	[simem:s6], [sflag:s4] =	dma.local [hbm:s3], $0xF7A  }
0x26: {  	[smem:$0x3F9F] =	sst s1;
	(tag) =	ssettag s2;
	_ =	strace s9  }
0x27: {  	s1 =	sld [smem:$0x3FAF]  }
0x28: {  	s2 =	sld [smem:$0x3FB0]  }
0x29: {  	s4 =	sld [smem:$0x3FB2]  }
0x2a: {  	p0 =	seq.s32 s5, $0x0;
	s5 =	sld [smem:$0x3FB3]  }
0x2b: {  	s6 =	sld [smem:$0x3FB4]  }
0x2c: {  	s7 =	sld [smem:$0x3FB5]  }
0x2d: {  	s3 =	simm.s32 $0x108;
	s8 =	sld [smem:$0x3FB6]  }
0x2e: {  	s3 =	simm.s32 @!p0 $0x1082;
	s9 =	sld [smem:$0x3FB7]  }
0x2f: {  	lr =	sadd.s32 s0, s3;
	s0 =	sld [smem:$0x3FAE]  }
0x30: {  	s3 =	sld [smem:$0x3FB1]  }
0x31: {  	[smem:$0x3FBA] =	sst s10  }
0x32: {  	s10 =	sld [smem:$0x3FB8];
	_ =	sdelay $0x3  }
0x33: {  	p0 =	seq.s32 s10, $0x1;
	s10 =	sld [smem:$0x3FBA];
	_ =	sdelay $0x3  }
0x34: {  	[smem:$0x3FBA] =	sst s10  }
0x35: {  	s10 =	sld [smem:$0x3FB9];
	_ =	sdelay $0x3  }
0x36: {  	p1 =	seq.s32 s10, $0x1;
	s10 =	sld [smem:$0x3FBA];
	_ =	sdelay $0x3  }
0x37: {  	[smem:$0x3FBA] =	sst s10  }
0x38: {  	s10 =	sld [smem:$0x3FBB]  }
0x39: {  	_ = 	snop;
	(pc) =	sbr.ind lr, $3  }
0x3a: {  	_ = 	snop  }
0x3b: {  	_ = 	snop  }
0x3c: {  	p2 =	seq.s32 s10, $0x1;
	s10 =	sld [smem:$0x3FBA]  }
0x3d: {  	_ =	shalt  }
0x3e: {  	_ =	shalt  }
0x3f: {  	_ =	shalt  }
0x40: {  	_ =	shalt  }
0x41: {  	_ =	shalt  }
0x42: {  	_ =	shalt  }
0x43: {  	_ =	shalt  }
0x44: {  	_ =	shalt  }
0x45: {  	_ =	shalt  }
0x46: {  	_ =	shalt  }
0x47: {  	_ =	shalt  }
0x48: {  	_ =	shalt  }
0x49: {  	_ =	shalt  }
0x4a: {  	_ =	shalt  }
0x4b: {  	_ =	shalt  }
0x4c: {  	_ =	shalt  }
0x4d: {  	_ =	shalt  }
0x4e: {  	_ =	shalt  }
0x4f: {  	_ =	shalt  }
0x50: {  	_ =	shalt  }
0x51: {  	_ =	shalt  }
0x52: {  	_ =	shalt  }
0x53: {  	_ =	shalt  }
0x54: {  	_ =	shalt  }
0x55: {  	_ =	shalt  }
0x56: {  	_ =	shalt  }
0x57: {  	_ =	shalt  }
0x58: {  	_ =	shalt  }
0x59: {  	_ =	shalt  }
0x5a: {  	_ =	shalt  }
0x5b: {  	_ =	shalt  }
0x5c: {  	_ =	shalt  }
0x5d: {  	_ =	shalt  }
0x5e: {  	_ =	shalt  }
0x5f: {  	_ =	shalt  }
0x60: {  	_ =	shalt  }
0x61: {  	_ =	shalt  }
0x62: {  	_ =	shalt  }
0x63: {  	_ =	shalt  }
0x64: {  	_ =	shalt  }
0x65: {  	_ =	shalt  }
0x66: {  	_ =	shalt  }
0x67: {  	_ =	shalt  }
0x68: {  	_ =	shalt  }
0x69: {  	_ =	shalt  }
0x6a: {  	_ =	shalt  }
0x6b: {  	_ =	shalt  }
0x6c: {  	_ =	shalt  }
0x6d: {  	_ =	shalt  }
0x6e: {  	_ =	shalt  }
0x6f: {  	_ =	shalt  }
0x70: {  	_ =	shalt  }
0x71: {  	_ =	shalt  }
0x72: {  	_ =	shalt  }
0x73: {  	_ =	shalt  }
0x74: {  	_ =	shalt  }
0x75: {  	_ =	shalt  }
0x76: {  	_ =	shalt  }
0x77: {  	_ =	shalt  }
0x78: {  	_ =	shalt  }
0x79: {  	_ =	shalt  }
0x7a: {  	_ =	shalt  }
0x7b: {  	_ =	shalt  }
0x7c: {  	_ =	shalt  }
0x7d: {  	_ =	shalt  }
0x7e: {  	_ =	shalt  }
0x7f: {  	_ =	shalt  }
0x80: {  	_ =	shalt  }
0x81: {  	_ =	shalt  }
0x82: {  	_ =	shalt  }
0x83: {  	_ =	shalt  }
0x84: {  	_ =	shalt  }
0x85: {  	_ =	shalt  }
0x86: {  	_ =	shalt  }
0x87: {  	_ =	shalt  }
.Lfunc_end0:
.L_simem_size_0:
called_computation.1_lowered:
.L_overlay_start_0:
0x88: {  	s2 =	sld [smem:$0x3FD9]  }
0x89: {  	s3 =	sld [smem:$0x3FFE];
	_ =	sdelay $0x1  }
0x8a: {  	s1 =	srdreg.scid  }
0x8b: {  	s0 =	sand.u32 $0x1, s1  }
0x8c: {  	s17 =	sshll.u32 s0, $0xA;
	s2 =	sadd.s32 s3, s2  }
0x8d: {  	s2 =	sadd.s32 s2, s17  }
0x8e: {  	[smem:$0x3FC6] =	sst s2  }
0x8f: {  	_ = 	snop  }
0x90: {  	s2 =	sld [smem:$0x3FD0];
	(tm) =	ssettm $0x1  }
0x91: {  	s18 =	sld [smem:$0x3FFB];
	_ =	sdelay $0x3  }
0x92: {  	_ =	strace s18  }
0x93: {  	s3 =	sld [smem:$0x3FFC];
	_ =	sdelay $0x3  }
0x94: {  	_ =	strace s3  }
0x95: {  	s3 =	sld [smem:$0x3FFD];
	_ =	sdelay $0x3  }
0x96: {  	_ =	strace s3  }
0x97: {  	_ =	strace $0x8FFFFFFF  }
0x98: {  	s19 =	sld [smem:$0x3FDB];
	_ =	sdelay $0x1  }
0x99: {  	s4 =	simm.s32 $_scs_section_size  }
0x9a: {  	s5 =	simm.s32 $_size__tile_overlayer_lowered;
	s6 =	simm.s32 $_tile_overlayer_lowered  }
0x9b: {  	s22 =	simm.s32 $0x1BFF;
	s21 =	sshll.u32 s6, $0x1;
	s3 =	sadd.s32 s4, s19  }
0x9c: {  	s7 =	simm.s32 $0x0;
	s20 =	sshll.u32 s5, $0x1;
	s5 =	sadd.s32 s21, s3  }
0x9d: {  	[timem:s7], [sflag:s22] =	dma.local [hbm:s5], s20  }
0x9e: {  	_ =	swait.ge [sflag:s22], s20  }
0x9f: {  	s4 =	ssub.s32 $0x0, s20;
	[sflag:s22] =	ssyncset.done $0x0  }
0xa0: {  	[sflag:s22] =	ssyncadd.s32 s4;
	_ =	sdelay $0x1  }
0xa1: {  	s23 =	simm.s32 $0x1B8B  }
0xa2: {  	_ =	swait.ge [sflag:s23], $0x1  }
0xa3: {  	[sflag:s23] =	ssyncset.done $0x0  }
0xa4: {  	s25 =	simm.s32 $0x1B8E;
	s24 =	sld [smem:$0x3FFE];
	[sflag:s23] =	ssyncadd.s32 $0xFFFFFFFF  }
0xa5: {  	s26 =	simm.s32 $execute0_lowered;
	[smem:$0x3FD2] =	sst s25  }
0xa6: {  	s5 =	sshll.u32 s26, $0x1;
	_ =	strace $0x80000049;
	[dreg:$0x1] =	wrdreg $0xFFFFFFFF  }
0xa7: {  	s28 =	simm.s32 $_size_execute0_lowered;
	s3 =	sadd.s32 s3, s5;
	[dreg:$0x0] =	wrdreg $0x0  }
0xa8: {  	s5 =	sshll.u32 s28, $0x1;
	[dreg:$0x2] =	wrdreg s3  }
0xa9: {  	[dreg:$0x3] =	wrdreg s5  }
0xaa: {  	[dreg:$0x4] =	wrdreg $0xC0  }
0xab: {  	_ =	task [dreg:s7], $0x5FFFF  }
0xac: {  	[dreg:$0x1] =	wrdreg $0xFFFFFFFF  }
0xad: {  	[dreg:$0x0] =	wrdreg $0x60  }
0xae: {  	[dreg:$0x2] =	wrdreg s24  }
0xaf: {  	[dreg:$0x3] =	wrdreg s2  }
0xb0: {  	[dreg:$0x4] =	wrdreg $0x9  }
0xb1: {  	_ =	task.clear_ibuf [dreg:s7], $0x5FFFF;
	_ =	strace $0x90000049  }
0xb2: {  	s29 =	simm.s32 $0x9;
	_ =	strace $0x8000004B  }
0xb3: {  	_ =	swait.ge [sflag:s29], $0x1  }
0xb4: {  	[sflag:s29] =	ssyncadd.s32 $0xFFFFFFFF  }
0xb5: {  	_ =	strace $0x9000004B  }
0xb6: {  	_ =	sfence  }
0xb7: {  	s30 =	sld [smem:$0x0];
	_ =	sdelay $0x2  }
0xb8: {  	s31 =	sshll.u32 s1, $0xD;
	s1 =	sshrl.u32 s1, $0x2  }
0xb9: {  	s3 =	sand.u32 $0x4000, s31;
	s1 =	sadd.s32 s1, s30  }
0xba: {  	s0 =	sor.u32 s3, s0;
	s1 =	sshll.u32 s1, $0x11  }
0xbb: {  	s0 =	sor.u32 s1, s0  }
0xbc: {  	s0 =	sadd.s32 $0x8F2B, s0  }
0xbd: {  	[sflag:s0] =	ssyncadd.remote.s32 $0x1  }
0xbe: {  	_ =	sfence.sel $0xFFFF  }
0xbf: {  	[dreg:$0x0] =	wrdreg $0xFFFFFFFF;
	(pc) =	sbr.abs _section_cstart, $3  }
0xc0: {  	[dreg:$0x1] =	wrdreg $0xFFFFFFFF  }
0xc1: {  	_ =	task.clear_ibuf [dreg:s7], $0x2FFFF;
	_ =	strace $0x9FFFFFFF  }
0xc2: {  	(tm) =	ssettm $0x7FFFFFFF  }
0xc3: {  	_ =	shalt  }
tec
execute0_lowered:
.L_overlay_start_1:
0x0: {  	(tag) =	ssettag $0x1  }
0x1: {  	s3 =	rddreg [dreg:$0x0]  }
0x2: {  	s5 =	rddreg [dreg:$0x1]  }
0x3: {  	s0 =	rddreg [dreg:$0x2];
	s4 =	srdreg.scid  }
0x4: {  	s1 =	stileid.u32;
	s2 =	simm.s32 $0x0;
	s12 =	simm.s32 $0xC000  }
0x5: {  	s13 =	simm.s32 $0x3;
	s14 =	simm.s32 $0x1;
	s15 =	simm.s32 $0x4000  }
0x6: {  	s16 =	simm.s32 $0x80;
	s17 =	simm.s32 $0x8000;
	s18 =	simm.s32 $0x2  }
0x7: {  	s19 =	simm.s32 $0xC080;
	s20 =	simm.s32 $0xA000;
	s21 =	simm.s32 $0xC100  }
0x8: {  	s22 =	simm.s32 $0xC180;
	s23 =	simm.s32 $0xC200;
	s24 =	simm.s32 $0xC280  }
0x9: {  	s25 =	simm.s32 $0x0;
	s4 =	sand.u32 $0x1, s4;
	s6 =	sshll.u32 s1, $0x1  }
0xa: {  	[smem:$0x7FF] =	sst s2;
	s8 =	sadd.s32 $0x1000, s3;
	s6 =	sor.u32 s4, s6  }
0xb: {  	s3 =	sadd.s32 $0x61000, s3;
	s4 =	ssub.s32 $0x2, s4;
	s7 =	smul.u32 $0x18000, s6  }
0xc: {  	_ =	strace $0x8000004A;
	s9 =	sshrl.u32 s4, $0x1;
	s10 =	smul.u32 $0x3000, s6  }
0xd: {  	s6 =	sshll.u32 s6, $0x7;
	s11 =	ssub.s32 s4, s9;
	s7 =	sshrl.u32 s7, $0x3  }
0xe: {  	s5 =	sadd.s32 s5, s6;
	s4 =	sadd.s32 s8, s10;
	s31 =	sadd.s32 s8, s7  }
0xf: {  	s11 =	smax.u32 s11, $0x1;
	s6 =	sadd.s32 $0x800, s4;
	s7 =	sadd.s32 $0x1000, s31  }
0x10: {  	s8 =	sadd.s32 $0x1800, s31;
	s9 =	sadd.s32 $0x2000, s31;
	s10 =	sadd.s32 $0x2800, s31  }
.LBB2_1:
0x11: {  	[tilespmem:s12], [sflag:$0x3] =	stream.linear.gather [hbm4b:s5+s2], $0x400, $0x38;
	[tilespmem:$0xC400] =	vst v63  }
0x12: {  	_ =	swait.ge [sflag:s13], $0x400  }
0x13: {  	[sflag:s13] =	ssyncset.done $0x0  }
0x14: {  	[sflag:s13] =	ssyncadd.s32 $0xFFFFFC00  }
0x15: {  	[tilespmem:s2], [sflag:$0x1] =	stream.linear.gather [hbm4b:s4+s2], $0x4000, $0x38;
	[tilespmem:$0xC400] =	vst v63  }
0x16: {  	_ =	swait.ge [sflag:s14], $0x4000  }
0x17: {  	[sflag:s14] =	ssyncset.done $0x0  }
0x18: {  	s28 =	simm.s32 $0x0;
	[sflag:s14] =	ssyncadd.s32 $0xFFFFC000  }
0x19: {  	[tilespmem:s15], [sflag:$0x1] =	stream.linear.gather [hbm4b:s6+s2], $0x4000, $0x38;
	[tilespmem:$0xC400] =	vst v63  }
0x1a: {  	v0 =	vld [tilespmem:s28+$0x0];
	_ =	sdelay $0x3  }
0x1b: {  	s26 =	simm.s32 $0x8020  }
0x1c: {  	[tilespmem:s26+$0xFFFFFFE0] =	vst v0  }
0x1d: {  	v0 =	vld [tilespmem:s28+$0x10];
	_ =	sdelay $0x4  }
0x1e: {  	[tilespmem:s26+$0xFFFFFFF0] =	vst v0  }
0x1f: {  	v0 =	vld [tilespmem:s28+$0x20];
	_ =	sdelay $0x4  }
0x20: {  	[tilespmem:s26+$0x0] =	vst v0  }
0x21: {  	v0 =	vld [tilespmem:s28+$0x30];
	_ =	sdelay $0x4  }
0x22: {  	s29 =	simm.s32 $0x400;
	s28 =	simm.s32 $0x80;
	[tilespmem:s26+$0x10] =	vst v0  }
.LBB2_2:
0x23: {  	p0 =	sne.s32 s29, $0xFE00;
	v0 =	vld [tilespmem:s28+$0x0];
	_ =	sdelay $0x3  }
0x24: {  	s26 =	sadd.s32 $0x40, s26  }
0x25: {  	[tilespmem:s26+$0xFFFFFFE0] =	vst v0  }
0x26: {  	v0 =	vld [tilespmem:s28+$0x10];
	_ =	sdelay $0x4  }
0x27: {  	[tilespmem:s26+$0xFFFFFFF0] =	vst v0  }
0x28: {  	v0 =	vld [tilespmem:s28+$0x20];
	_ =	sdelay $0x4  }
0x29: {  	[tilespmem:s26+$0x0] =	vst v0  }
0x2a: {  	v0 =	vld [tilespmem:s28+$0x30]  }
.Ltmp0:
0x2b: {  	(pc) =	sbr.rel @p0 .LBB2_2-.Ltmp0, $2  }
0x2c: {  	_ =	sdelay $0x2  }
0x2d: {  	s28 =	sshra.s32 s29, $0x2;
	s29 =	sadd.s32 $0x200, s29;
	[tilespmem:s26+$0x10] =	vst v0  }
0x2e: {  	v0 =	vld [tilespmem:s28+$0x0];
	_ =	sdelay $0x3  }
0x2f: {  	s26 =	sadd.s32 $0x40, s26  }
0x30: {  	[tilespmem:s26+$0xFFFFFFE0] =	vst v0  }
0x31: {  	v0 =	vld [tilespmem:s28+$0x10];
	_ =	sdelay $0x4  }
0x32: {  	[tilespmem:s26+$0xFFFFFFF0] =	vst v0  }
0x33: {  	v0 =	vld [tilespmem:s28+$0x20];
	_ =	sdelay $0x4  }
0x34: {  	[tilespmem:s26+$0x0] =	vst v0  }
0x35: {  	v0 =	vld [tilespmem:s28+$0x30];
	_ =	sdelay $0x4  }
0x36: {  	[tilespmem:s26+$0x10] =	vst v0  }
0x37: {  	[hbm4b:s3+s16] =	stream.indirect.scatter [tilespmem:s17], [sflag:$0x2], $0x40, s12, s16, $0xb8;
	[tilespmem:$0xC400] =	vst v63  }
0x38: {  	_ =	swait.ge [sflag:s14], $0x4000  }
0x39: {  	[sflag:s14] =	ssyncset.done $0x0  }
0x3a: {  	[sflag:s14] =	ssyncadd.s32 $0xFFFFC000  }
0x3b: {  	[tilespmem:s2], [sflag:$0x1] =	stream.linear.gather [hbm4b:s7+s2], $0x4000, $0x38;
	[tilespmem:$0xC400] =	vst v63  }
0x3c: {  	_ =	swait.ge [sflag:s18], $0x2000  }
0x3d: {  	[sflag:s18] =	ssyncset.done $0x0  }
0x3e: {  	s28 =	simm.s32 $0xFFFFC000;
	[sflag:s18] =	ssyncadd.s32 $0xFFFFE000  }
0x3f: {  	v63 =	vld [tilespmem:s28+$0x8000];
	_ =	sdelay $0x3  }
0x40: {  	s26 =	simm.s32 $0xA030  }
0x41: {  	[tilespmem:s26+$0xFFFFFFD0] =	vst v63  }
0x42: {  	v0 =	vld [tilespmem:s28+$0x8010];
	_ =	sdelay $0x4  }
0x43: {  	[tilespmem:s26+$0xFFFFFFE0] =	vst v0  }
0x44: {  	v0 =	vld [tilespmem:s28+$0x8020];
	_ =	sdelay $0x4  }
0x45: {  	[tilespmem:s26+$0xFFFFFFF0] =	vst v0  }
0x46: {  	v0 =	vld [tilespmem:s28+$0x8030];
	_ =	sdelay $0x4  }
0x47: {  	s29 =	simm.s32 $0xFFFF0400;
	s28 =	simm.s32 $0xFFFFC080;
	[tilespmem:s26+$0x0] =	vst v0  }
.LBB2_4:
0x48: {  	p0 =	sne.s32 s29, $0xFFFFFE00;
	v0 =	vld [tilespmem:s28+$0x8000];
	_ =	sdelay $0x3  }
0x49: {  	s26 =	sadd.s32 $0x40, s26  }
0x4a: {  	[tilespmem:s26+$0xFFFFFFD0] =	vst v0  }
0x4b: {  	v0 =	vld [tilespmem:s28+$0x8010];
	_ =	sdelay $0x4  }
0x4c: {  	[tilespmem:s26+$0xFFFFFFE0] =	vst v0  }
0x4d: {  	v0 =	vld [tilespmem:s28+$0x8020];
	_ =	sdelay $0x4  }
0x4e: {  	[tilespmem:s26+$0xFFFFFFF0] =	vst v0  }
0x4f: {  	v0 =	vld [tilespmem:s28+$0x8030]  }
.Ltmp1:
0x50: {  	(pc) =	sbr.rel @p0 .LBB2_4-.Ltmp1, $2  }
0x51: {  	_ =	sdelay $0x2  }
0x52: {  	s28 =	sshra.s32 s29, $0x2;
	s29 =	sadd.s32 $0x200, s29;
	[tilespmem:s26+$0x0] =	vst v0  }
0x53: {  	v0 =	vld [tilespmem:s28+$0x8000];
	_ =	sdelay $0x3  }
0x54: {  	s26 =	sadd.s32 $0x40, s26  }
0x55: {  	[tilespmem:s26+$0xFFFFFFD0] =	vst v0  }
0x56: {  	v0 =	vld [tilespmem:s28+$0x8010];
	_ =	sdelay $0x4  }
0x57: {  	[tilespmem:s26+$0xFFFFFFE0] =	vst v0  }
0x58: {  	v0 =	vld [tilespmem:s28+$0x8020];
	_ =	sdelay $0x4  }
0x59: {  	[tilespmem:s26+$0xFFFFFFF0] =	vst v0  }
0x5a: {  	v0 =	vld [tilespmem:s28+$0x8030];
	_ =	sdelay $0x4  }
0x5b: {  	[tilespmem:s26+$0x0] =	vst v0  }
0x5c: {  	[hbm4b:s3+s16] =	stream.indirect.scatter [tilespmem:s20], [sflag:$0x2], $0x40, s19, s16, $0xb8;
	[tilespmem:$0xC400] =	vst v63  }
0x5d: {  	_ =	swait.ge [sflag:s14], $0x4000  }
0x5e: {  	[sflag:s14] =	ssyncset.done $0x0  }
0x5f: {  	s31 =	simm.s32 $0x0;
	[sflag:s14] =	ssyncadd.s32 $0xFFFFC000  }
0x60: {  	[tilespmem:s15], [sflag:$0x1] =	stream.linear.gather [hbm4b:s8+s31], $0x4000, $0x38;
	[tilespmem:$0xC400] =	vst v63  }
0x61: {  	_ =	swait.ge [sflag:s18], $0x2000  }
0x62: {  	[sflag:s18] =	ssyncset.done $0x0  }
0x63: {  	s28 =	simm.s32 $0x0;
	[sflag:s18] =	ssyncadd.s32 $0xFFFFE000  }
0x64: {  	v63 =	vld [tilespmem:s28+$0x0];
	_ =	sdelay $0x3  }
0x65: {  	s26 =	simm.s32 $0x8020  }
0x66: {  	[tilespmem:s26+$0xFFFFFFE0] =	vst v63  }
0x67: {  	v0 =	vld [tilespmem:s28+$0x10];
	_ =	sdelay $0x4  }
0x68: {  	[tilespmem:s26+$0xFFFFFFF0] =	vst v0  }
0x69: {  	v0 =	vld [tilespmem:s28+$0x20];
	_ =	sdelay $0x4  }
0x6a: {  	[tilespmem:s26+$0x0] =	vst v0  }
0x6b: {  	v0 =	vld [tilespmem:s28+$0x30];
	_ =	sdelay $0x4  }
0x6c: {  	s29 =	simm.s32 $0x400;
	s28 =	simm.s32 $0x80;
	[tilespmem:s26+$0x10] =	vst v0  }
.LBB2_6:
0x6d: {  	p0 =	sne.s32 s29, $0xFE00;
	v0 =	vld [tilespmem:s28+$0x0];
	_ =	sdelay $0x3  }
0x6e: {  	s26 =	sadd.s32 $0x40, s26  }
0x6f: {  	[tilespmem:s26+$0xFFFFFFE0] =	vst v0  }
0x70: {  	v0 =	vld [tilespmem:s28+$0x10];
	_ =	sdelay $0x4  }
0x71: {  	[tilespmem:s26+$0xFFFFFFF0] =	vst v0  }
0x72: {  	v0 =	vld [tilespmem:s28+$0x20];
	_ =	sdelay $0x4  }
0x73: {  	[tilespmem:s26+$0x0] =	vst v0  }
0x74: {  	v0 =	vld [tilespmem:s28+$0x30]  }
.Ltmp2:
0x75: {  	(pc) =	sbr.rel @p0 .LBB2_6-.Ltmp2, $2  }
0x76: {  	_ =	sdelay $0x2  }
0x77: {  	s28 =	sshra.s32 s29, $0x2;
	s29 =	sadd.s32 $0x200, s29;
	[tilespmem:s26+$0x10] =	vst v0  }
0x78: {  	v0 =	vld [tilespmem:s28+$0x0];
	_ =	sdelay $0x3  }
0x79: {  	s26 =	sadd.s32 $0x40, s26  }
0x7a: {  	[tilespmem:s26+$0xFFFFFFE0] =	vst v0  }
0x7b: {  	v0 =	vld [tilespmem:s28+$0x10];
	_ =	sdelay $0x4  }
0x7c: {  	[tilespmem:s26+$0xFFFFFFF0] =	vst v0  }
0x7d: {  	v0 =	vld [tilespmem:s28+$0x20];
	_ =	sdelay $0x4  }
0x7e: {  	[tilespmem:s26+$0x0] =	vst v0  }
0x7f: {  	v0 =	vld [tilespmem:s28+$0x30];
	_ =	sdelay $0x4  }
0x80: {  	[tilespmem:s26+$0x10] =	vst v0  }
0x81: {  	[hbm4b:s3+s16] =	stream.indirect.scatter [tilespmem:s17], [sflag:$0x2], $0x40, s21, s16, $0xb8;
	[tilespmem:$0xC400] =	vst v63  }
0x82: {  	_ =	swait.ge [sflag:s14], $0x4000  }
0x83: {  	[sflag:s14] =	ssyncset.done $0x0  }
0x84: {  	[sflag:s14] =	ssyncadd.s32 $0xFFFFC000  }
0x85: {  	[tilespmem:s2], [sflag:$0x1] =	stream.linear.gather [hbm4b:s9+s2], $0x4000, $0x38;
	[tilespmem:$0xC400] =	vst v63  }
0x86: {  	_ =	swait.ge [sflag:s18], $0x2000  }
0x87: {  	[sflag:s18] =	ssyncset.done $0x0  }
0x88: {  	s28 =	simm.s32 $0xFFFFC000;
	[sflag:s18] =	ssyncadd.s32 $0xFFFFE000  }
0x89: {  	v63 =	vld [tilespmem:s28+$0x8000];
	_ =	sdelay $0x3  }
0x8a: {  	s26 =	simm.s32 $0xA030  }
0x8b: {  	[tilespmem:s26+$0xFFFFFFD0] =	vst v63  }
0x8c: {  	v0 =	vld [tilespmem:s28+$0x8010];
	_ =	sdelay $0x4  }
0x8d: {  	[tilespmem:s26+$0xFFFFFFE0] =	vst v0  }
0x8e: {  	v0 =	vld [tilespmem:s28+$0x8020];
	_ =	sdelay $0x4  }
0x8f: {  	[tilespmem:s26+$0xFFFFFFF0] =	vst v0  }
0x90: {  	v0 =	vld [tilespmem:s28+$0x8030];
	_ =	sdelay $0x4  }
0x91: {  	s29 =	simm.s32 $0xFFFF0400;
	s28 =	simm.s32 $0xFFFFC080;
	[tilespmem:s26+$0x0] =	vst v0  }
.LBB2_8:
0x92: {  	p0 =	sne.s32 s29, $0xFFFFFE00;
	v0 =	vld [tilespmem:s28+$0x8000];
	_ =	sdelay $0x3  }
0x93: {  	s26 =	sadd.s32 $0x40, s26  }
0x94: {  	[tilespmem:s26+$0xFFFFFFD0] =	vst v0  }
0x95: {  	v0 =	vld [tilespmem:s28+$0x8010];
	_ =	sdelay $0x4  }
0x96: {  	[tilespmem:s26+$0xFFFFFFE0] =	vst v0  }
0x97: {  	v0 =	vld [tilespmem:s28+$0x8020];
	_ =	sdelay $0x4  }
0x98: {  	[tilespmem:s26+$0xFFFFFFF0] =	vst v0  }
0x99: {  	v0 =	vld [tilespmem:s28+$0x8030]  }
.Ltmp3:
0x9a: {  	(pc) =	sbr.rel @p0 .LBB2_8-.Ltmp3, $2  }
0x9b: {  	_ =	sdelay $0x2  }
0x9c: {  	s28 =	sshra.s32 s29, $0x2;
	s29 =	sadd.s32 $0x200, s29;
	[tilespmem:s26+$0x0] =	vst v0  }
0x9d: {  	v0 =	vld [tilespmem:s28+$0x8000];
	_ =	sdelay $0x3  }
0x9e: {  	s26 =	sadd.s32 $0x40, s26  }
0x9f: {  	[tilespmem:s26+$0xFFFFFFD0] =	vst v0  }
0xa0: {  	v0 =	vld [tilespmem:s28+$0x8010];
	_ =	sdelay $0x4  }
0xa1: {  	[tilespmem:s26+$0xFFFFFFE0] =	vst v0  }
0xa2: {  	v0 =	vld [tilespmem:s28+$0x8020];
	_ =	sdelay $0x4  }
0xa3: {  	[tilespmem:s26+$0xFFFFFFF0] =	vst v0  }
0xa4: {  	v0 =	vld [tilespmem:s28+$0x8030];
	_ =	sdelay $0x4  }
0xa5: {  	[tilespmem:s26+$0x0] =	vst v0  }
0xa6: {  	[hbm4b:s3+s16] =	stream.indirect.scatter [tilespmem:s20], [sflag:$0x2], $0x40, s22, s16, $0xb8;
	[tilespmem:$0xC400] =	vst v63  }
0xa7: {  	_ =	swait.ge [sflag:s14], $0x4000  }
0xa8: {  	[sflag:s14] =	ssyncset.done $0x0  }
0xa9: {  	s31 =	simm.s32 $0x0;
	[sflag:s14] =	ssyncadd.s32 $0xFFFFC000  }
0xaa: {  	[tilespmem:s15], [sflag:$0x1] =	stream.linear.gather [hbm4b:s10+s31], $0x4000, $0x38;
	[tilespmem:$0xC400] =	vst v63  }
0xab: {  	_ =	swait.ge [sflag:s18], $0x2000  }
0xac: {  	[sflag:s18] =	ssyncset.done $0x0  }
0xad: {  	s28 =	simm.s32 $0x0;
	[sflag:s18] =	ssyncadd.s32 $0xFFFFE000  }
0xae: {  	v63 =	vld [tilespmem:s28+$0x0];
	_ =	sdelay $0x3  }
0xaf: {  	s26 =	simm.s32 $0x8020  }
0xb0: {  	[tilespmem:s26+$0xFFFFFFE0] =	vst v63  }
0xb1: {  	v0 =	vld [tilespmem:s28+$0x10];
	_ =	sdelay $0x4  }
0xb2: {  	[tilespmem:s26+$0xFFFFFFF0] =	vst v0  }
0xb3: {  	v0 =	vld [tilespmem:s28+$0x20];
	_ =	sdelay $0x4  }
0xb4: {  	[tilespmem:s26+$0x0] =	vst v0  }
0xb5: {  	v0 =	vld [tilespmem:s28+$0x30];
	_ =	sdelay $0x4  }
0xb6: {  	s29 =	simm.s32 $0x400;
	s28 =	simm.s32 $0x80;
	[tilespmem:s26+$0x10] =	vst v0  }
.LBB2_10:
0xb7: {  	p0 =	sne.s32 s29, $0xFE00;
	v0 =	vld [tilespmem:s28+$0x0];
	_ =	sdelay $0x3  }
0xb8: {  	s26 =	sadd.s32 $0x40, s26  }
0xb9: {  	[tilespmem:s26+$0xFFFFFFE0] =	vst v0  }
0xba: {  	v0 =	vld [tilespmem:s28+$0x10];
	_ =	sdelay $0x4  }
0xbb: {  	[tilespmem:s26+$0xFFFFFFF0] =	vst v0  }
0xbc: {  	v0 =	vld [tilespmem:s28+$0x20];
	_ =	sdelay $0x4  }
0xbd: {  	[tilespmem:s26+$0x0] =	vst v0  }
0xbe: {  	v0 =	vld [tilespmem:s28+$0x30]  }
.Ltmp4:
0xbf: {  	(pc) =	sbr.rel @p0 .LBB2_10-.Ltmp4, $2  }
0xc0: {  	_ =	sdelay $0x2  }
0xc1: {  	s28 =	sshra.s32 s29, $0x2;
	s29 =	sadd.s32 $0x200, s29;
	[tilespmem:s26+$0x10] =	vst v0  }
0xc2: {  	v0 =	vld [tilespmem:s28+$0x0];
	_ =	sdelay $0x3  }
0xc3: {  	s26 =	sadd.s32 $0x40, s26  }
0xc4: {  	[tilespmem:s26+$0xFFFFFFE0] =	vst v0  }
0xc5: {  	v0 =	vld [tilespmem:s28+$0x10];
	_ =	sdelay $0x4  }
0xc6: {  	[tilespmem:s26+$0xFFFFFFF0] =	vst v0  }
0xc7: {  	v0 =	vld [tilespmem:s28+$0x20];
	_ =	sdelay $0x4  }
0xc8: {  	[tilespmem:s26+$0x0] =	vst v0  }
0xc9: {  	v0 =	vld [tilespmem:s28+$0x30];
	_ =	sdelay $0x4  }
0xca: {  	[tilespmem:s26+$0x10] =	vst v0  }
0xcb: {  	[hbm4b:s3+s16] =	stream.indirect.scatter [tilespmem:s17], [sflag:$0x2], $0x40, s23, s16, $0xb8;
	[tilespmem:$0xC400] =	vst v63  }
0xcc: {  	_ =	swait.ge [sflag:s14], $0x4000  }
0xcd: {  	[sflag:s14] =	ssyncset.done $0x0  }
0xce: {  	[sflag:s14] =	ssyncadd.s32 $0xFFFFC000  }
0xcf: {  	_ =	swait.ge [sflag:s18], $0x2000  }
0xd0: {  	[sflag:s18] =	ssyncset.done $0x0  }
0xd1: {  	s28 =	simm.s32 $0xFFFFC000;
	[sflag:s18] =	ssyncadd.s32 $0xFFFFE000  }
0xd2: {  	v63 =	vld [tilespmem:s28+$0x8000];
	_ =	sdelay $0x3  }
0xd3: {  	s26 =	simm.s32 $0xA030  }
0xd4: {  	[tilespmem:s26+$0xFFFFFFD0] =	vst v63  }
0xd5: {  	v0 =	vld [tilespmem:s28+$0x8010];
	_ =	sdelay $0x4  }
0xd6: {  	[tilespmem:s26+$0xFFFFFFE0] =	vst v0  }
0xd7: {  	v0 =	vld [tilespmem:s28+$0x8020];
	_ =	sdelay $0x4  }
0xd8: {  	[tilespmem:s26+$0xFFFFFFF0] =	vst v0  }
0xd9: {  	v0 =	vld [tilespmem:s28+$0x8030];
	_ =	sdelay $0x4  }
0xda: {  	s29 =	simm.s32 $0xFFFF0400;
	s28 =	simm.s32 $0xFFFFC080;
	[tilespmem:s26+$0x0] =	vst v0  }
.LBB2_12:
0xdb: {  	p0 =	sne.s32 s29, $0xFFFFFE00;
	v0 =	vld [tilespmem:s28+$0x8000];
	_ =	sdelay $0x3  }
0xdc: {  	s26 =	sadd.s32 $0x40, s26  }
0xdd: {  	[tilespmem:s26+$0xFFFFFFD0] =	vst v0  }
0xde: {  	v0 =	vld [tilespmem:s28+$0x8010];
	_ =	sdelay $0x4  }
0xdf: {  	[tilespmem:s26+$0xFFFFFFE0] =	vst v0  }
0xe0: {  	v0 =	vld [tilespmem:s28+$0x8020];
	_ =	sdelay $0x4  }
0xe1: {  	[tilespmem:s26+$0xFFFFFFF0] =	vst v0  }
0xe2: {  	v0 =	vld [tilespmem:s28+$0x8030]  }
.Ltmp5:
0xe3: {  	(pc) =	sbr.rel @p0 .LBB2_12-.Ltmp5, $2  }
0xe4: {  	_ =	sdelay $0x2  }
0xe5: {  	s28 =	sshra.s32 s29, $0x2;
	s29 =	sadd.s32 $0x200, s29;
	[tilespmem:s26+$0x0] =	vst v0  }
0xe6: {  	v0 =	vld [tilespmem:s28+$0x8000];
	_ =	sdelay $0x3  }
0xe7: {  	s26 =	sadd.s32 $0x40, s26  }
0xe8: {  	[tilespmem:s26+$0xFFFFFFD0] =	vst v0  }
0xe9: {  	v0 =	vld [tilespmem:s28+$0x8010];
	_ =	sdelay $0x4  }
0xea: {  	[tilespmem:s26+$0xFFFFFFE0] =	vst v0  }
0xeb: {  	v0 =	vld [tilespmem:s28+$0x8020];
	_ =	sdelay $0x4  }
0xec: {  	[tilespmem:s26+$0xFFFFFFF0] =	vst v0  }
0xed: {  	v0 =	vld [tilespmem:s28+$0x8030];
	_ =	sdelay $0x2  }
0xee: {  	s25 =	sadd.s32 $0x1, s25  }
0xef: {  	p0 =	sne.s32 s25, s11  }
.Ltmp6:
0xf0: {  	[tilespmem:s26+$0x0] =	vst v0;
	(pc) =	sbr.rel @p0 .LBB2_1-.Ltmp6, $4  }
0xf1: {  	[hbm4b:s3+s16] =	stream.indirect.scatter [tilespmem:s20], [sflag:$0x2], $0x40, s24, s16, $0xb8;
	[tilespmem:$0xC400] =	vst v63  }
0xf2: {  	_ =	swait.ge [sflag:s18], $0x2000  }
0xf3: {  	[sflag:s18] =	ssyncset.done $0x0  }
0xf4: {  	[sflag:s18] =	ssyncadd.s32 $0xFFFFE000  }
0xf5: {  	_ =	sfence.sel $0x180000  }
0xf6: {  	[bflag:$0x0] =	sbarrier.arrive $0xFFFF  }
0xf7: {  	p0 =	sne.s32 s1, $0x0;
	_ =	strace $0x9000004A  }
0xf8: {  	s0 =	sadd.s32 @!p0 $0x100000, s0;
	[bflag:$0x2] =	sbarrier.arrive $0xFFFF  }
0xf9: {  	[sflag:s0] =	ssyncadd.tile.s32 @!p0 $0x1;
	_ =	shalt  }
.Lfunc_end2:
_tile_overlayer_lowered:
.L_overlay_start_2:
0xfa: {  	(tag) =	ssettag $0x2  }
0xfb: {  	s0 =	rddreg [dreg:$0x0];
	s2 =	stileid.u32  }
0xfc: {  	s1 =	rddreg [dreg:$0x1];
	p0 =	sne.s32 s2, $0x0  }
0xfd: {  	s3 =	rddreg [dreg:$0x2];
	[bflag:$0x3] =	sbarrier.arrive $0xFFFF;
	s2 =	simm.s32 @!p0 $0x1C03  }
0xfe: {  	[timem:s3], [sflag:s2] =	dma.local @!p0 [hbm:s0], s1  }
0xff: {  	s0 =	simm.s32 @!p0 $0x3  }
0x100: {  	_ =	swait.ge @!p0 [sflag:s0], s1  }
0x101: {  	s1 =	ssub.s32 @!p0 $0x0, s1;
	[sflag:s0] =	ssyncset.done @!p0 $0x0  }
0x102: {  	[sflag:s0] =	ssyncadd.s32 @!p0 s1  }
0x103: {  	[bflag:$0x3] =	sbarrier.arrive $0xFFFF  }
0x104: {  	_ =	shalt  }

</sc_bundles>
